<compile_context>
chip_gen: v7x
topology: tpu7x:2x2x1
jax: 0.10.2.dev20260603
libtpu: 0.0.44.dev20260713+nightly
codegen_flags: <defaults>
</compile_context>

<pallas_src>
import functools

import jax
import jax.numpy as jnp
from jax import lax
from jax.experimental import pallas as pl
from jax.experimental.pallas import tpu as pltpu
from jax.experimental.pallas import tpu_sc as plsc

E = 16
NC, NS = 2, 16
NW = NC * NS


def _convert_tc_body(in_ref, out_ref):
    v = in_ref[...]
    e = v.shape[0]
    rb = out_ref.shape[0]
    t3 = v.T.reshape(rb, 8, e)
    for k in range(8):
        out_ref[:, k * e:(k + 1) * e] = t3[:, k, :]


@functools.lru_cache(maxsize=None)
def _convert_tc(V, E):
    CB = 32768
    G = -(-V // CB)
    RB = CB * E // 128
    return pl.pallas_call(
        _convert_tc_body,
        grid=(G,),
        in_specs=[pl.BlockSpec((E, CB), lambda b: (0, b))],
        out_specs=pl.BlockSpec((RB, 128), lambda b: (b, 0)),
        out_shape=jax.ShapeDtypeStruct((V * E // 128, 128), jnp.float32),
    )


@functools.lru_cache(maxsize=None)
def _pool_sc(B, L, V):
    RW = B // NW
    C = 16
    NCHUNK = RW // C
    IDX = C * L
    NG = IDX // 128
    UN = 8

    mesh = plsc.VectorSubcoreMesh(core_axis_name="c", subcore_axis_name="s")

    @functools.partial(
        pl.kernel,
        out_type=jax.ShapeDtypeStruct((B, E), jnp.float32),
        mesh=mesh,
        scratch_types=[
            pltpu.VMEM((IDX,), jnp.int32),
            pltpu.VMEM((IDX,), jnp.int32),
            pltpu.VMEM((IDX, E), jnp.float32),
            pltpu.VMEM((IDX, E), jnp.float32),
            pltpu.VMEM((C, E), jnp.float32),
            pltpu.SemaphoreType.DMA,
            pltpu.SemaphoreType.DMA,
        ],
        compiler_params=pltpu.CompilerParams(use_tc_tiling_on_sc=False),
    )
    def pool(x_hbm, table_hbm, out_hbm, idx0, idx1, rows0, rows1, pooled_v,
             sem0, sem1):
        wid = lax.axis_index("c") * NS + lax.axis_index("s")
        bufs = ((idx0, rows0, sem0), (idx1, rows1, sem1))

        def fire(ci, par):
            idx_v, rows_v, sem = bufs[par]
            row0 = wid * RW + ci * C
            pltpu.sync_copy(x_hbm.at[pl.ds(row0 * L, IDX)], idx_v)
            for j in range(NG):
                pltpu.async_copy(
                    table_hbm.at[idx_v.at[pl.ds(j * 128, 128)]],
                    rows_v.at[pl.ds(j * 128, 128)],
                    sem,
                )

        def consume(ci, par):
            idx_v, rows_v, sem = bufs[par]
            row0 = wid * RW + ci * C
            for j in range(NG):
                pltpu.make_async_copy(
                    table_hbm.at[idx_v.at[pl.ds(j * 128, 128)]],
                    rows_v.at[pl.ds(j * 128, 128)],
                    sem,
                ).wait()

            def row_body(r, c2):
                base = r * L

                def acc_body(i, accs):
                    o = base + i * UN
                    return tuple(accs[k] + rows_v[o + k] for k in range(UN))

                accs = lax.fori_loop(
                    0, L // UN, acc_body,
                    tuple(jnp.zeros((E,), jnp.float32) for _ in range(UN)),
                )
                s = accs[0]
                for k in range(1, UN):
                    s = s + accs[k]
                pooled_v[r] = s * (1.0 / L)
                return c2

            lax.fori_loop(0, C, row_body, 0)
            pltpu.sync_copy(pooled_v, out_hbm.at[pl.ds(row0, C)])

        fire(0, 0)

        def pair_body(k, carry):
            a = k * 2
            fire(a + 1, 1)
            consume(a, 0)

            @pl.when(a + 2 < NCHUNK)
            def _():
                fire(a + 2, 0)

            consume(a + 1, 1)
            return carry

        lax.fori_loop(0, NCHUNK // 2, pair_body, 0)

    return pool


def _mlp_body(p_ref, w1_ref, b1_ref, w2_ref, b2_ref, o_ref):
    p = p_ref[...]
    h = jnp.dot(p, w1_ref[...].T, preferred_element_type=jnp.float32)
    h = jnp.maximum(h + b1_ref[...], 0.0)
    o_ref[...] = jnp.dot(h, w2_ref[...].T, preferred_element_type=jnp.float32) + b2_ref[...]


def kernel(x, table, W1, b1, W2, b2):
    B, L = x.shape
    V, Ed = table.shape
    x2 = x.reshape(B * L)
    tlin = _convert_tc(V, Ed)(table.T)
    t3 = tlin.reshape(V, Ed)
    pooled = _pool_sc(B, L, V)(x2, t3)
    nc = W2.shape[0]
    out = pl.pallas_call(
        _mlp_body,
        out_shape=jax.ShapeDtypeStruct((B, nc), jnp.float32),
    )(pooled, W1, b1.reshape(1, -1), W2, b2.reshape(1, -1))
    return out

# --- scband reference (transcript-rebuilt; emitter-appended) ---
"""Pipeline reference for scband-tiny-text-26731876450466 (READ-ONLY COPY).

The authoritative reference and input builder live on the scoring server;
editing this copy changes nothing except your own understanding.
"""

import jax, jax.numpy as jnp
import numpy as np

VOCAB = 1000000
EMBED = 16
HID = 16
NCLS = 2
B = 16384
L = 200


def setup_inputs(seed: int = 0) -> dict:
    key = jax.random.key(seed)
    k_idx, k_emb, k_w1, k_b1, k_w2, k_b2 = jax.random.split(key, 6)
    x = jax.random.randint(k_idx, (B, L), 0, VOCAB, dtype=jnp.int64 if jax.config.read('jax_enable_x64') else jnp.int32).astype(jnp.int32)
    table = jax.random.normal(k_emb, (VOCAB, EMBED), dtype=jnp.float32) * 0.02
    W1 = jax.random.normal(k_w1, (HID, EMBED), dtype=jnp.float32) * (1.0 / np.sqrt(EMBED))
    b1 = jax.random.normal(k_b1, (HID,), dtype=jnp.float32) * 0.01
    W2 = jax.random.normal(k_w2, (NCLS, HID), dtype=jnp.float32) * (1.0 / np.sqrt(HID))
    b2 = jax.random.normal(k_b2, (NCLS,), dtype=jnp.float32) * 0.01
    return {"x": x, "table": table, "W1": W1, "b1": b1, "W2": W2, "b2": b2}


def reference(x, table, W1, b1, W2, b2):
    # embedding lookup: [B, L] -> [B, L, EMBED]
    emb = jnp.take(table, x, axis=0)
    # mean over sequence dim
    pooled = jnp.mean(emb, axis=1)  # [B, EMBED]
    # fc: Linear(embed_dim, 16) -> ReLU -> Linear(16, num_classes)
    h = pooled @ W1.T + b1
    h = jax.nn.relu(h)
    out = h @ W2.T + b2
    return out

if __name__ == "__main__":
    import jax
    _d = setup_inputs()
    print(jax.jit(kernel)(*tuple(_d.values())))

</pallas_src>

<mosaic_0001>
#map = affine_map<(d0, d1) -> (0)>
#map1 = affine_map<(d0, d1) -> (0, 0)>
module attributes {stable_mosaic.version = 14 : i64} {
  func.func @pool(%arg0: i32, %arg1: i32, %arg2: memref<3276800xi32, #tpu.memory_space<hbm>>, %arg3: memref<1000000x16xf32, #tpu.memory_space<hbm>>, %arg4: memref<16384x16xf32, #tpu.memory_space<hbm>>, %arg5: memref<3200xi32, #tpu.memory_space<vmem>>, %arg6: memref<3200xi32, #tpu.memory_space<vmem>>, %arg7: memref<3200x16xf32, #tpu.memory_space<vmem>>, %arg8: memref<3200x16xf32, #tpu.memory_space<vmem>>, %arg9: memref<16x16xf32, #tpu.memory_space<vmem>>, %arg10: memref<!tpu.dma_semaphore, #tpu.memory_space<semaphore_mem>>, %arg11: memref<!tpu.dma_semaphore, #tpu.memory_space<semaphore_mem>>) attributes {dimension_semantics = [#tpu.dimension_semantics<core_parallel>, #tpu.dimension_semantics<subcore_parallel>], iteration_bounds = array<i64: 2, 16>, scalar_prefetch = 0 : i64, scratch_operands = 7 : i64, tpu.core_type = #tpu.core_type<sc_vector_subcore>, window_params = [{transform_indices = #map}, {transform_indices = #map1}, {transform_indices = #map1}]} {
    %mul3A = arith.constant 16 : i32
    %mul3A_0 = arith.muli %arg0, %mul3A : i32
    %add3A = arith.addi %mul3A_0, %arg1 : i32
    %mul3A_1 = arith.constant 512 : i32
    %mul3A_2 = arith.muli %add3A, %mul3A_1 : i32
    %add3A_3 = arith.constant 0 : i32
    %add3A_4 = arith.addi %mul3A_2, %add3A_3 : i32
    %mul3A_5 = arith.constant 200 : i32
    %mul3A_6 = arith.muli %add3A_4, %mul3A_5 : i32
    "tpu.region"() ({
      %run_scoped3A = tpu.sem_alloc : memref<!tpu.dma_semaphore, #tpu.memory_space<semaphore_mem>>
      %dma_start3A_211 = tpu.memref_slice %arg2[%mul3A_6] : memref<3276800xi32, #tpu.memory_space<hbm>> -> memref<3200xi32, #tpu.memory_space<hbm>>
      %dma_start3A_212 = tpu.memref_slice %arg2[%mul3A_6] : memref<3276800xi32, #tpu.memory_space<hbm>> -> memref<3200xi32, #tpu.memory_space<hbm>>
      tpu.enqueue_dma source(%dma_start3A_212 : memref<3200xi32, #tpu.memory_space<hbm>>) target(%arg5 : memref<3200xi32, #tpu.memory_space<vmem>>) target_semaphore(%run_scoped3A : memref<!tpu.dma_semaphore, #tpu.memory_space<semaphore_mem>>)
      %dma_wait3A = tpu.memref_slice %arg2[%mul3A_6] : memref<3276800xi32, #tpu.memory_space<hbm>> -> memref<3200xi32, #tpu.memory_space<hbm>>
      %dma_wait3A_213 = tpu.memref_slice %arg2[%mul3A_6] : memref<3276800xi32, #tpu.memory_space<hbm>> -> memref<3200xi32, #tpu.memory_space<hbm>>
      tpu.wait_dma2 semaphore(%run_scoped3A : memref<!tpu.dma_semaphore, #tpu.memory_space<semaphore_mem>>) src(%dma_wait3A_213 : memref<3200xi32, #tpu.memory_space<hbm>>) dst(%arg5 : memref<3200xi32, #tpu.memory_space<vmem>>)
      tpu.yield
    }) : () -> ()
    %dma_start3A = arith.constant 0 : i32
    %dma_start3A_7 = arith.constant 0 : i32
    %dma_start3A_8 = tpu.memref_slice %arg7[%dma_start3A, %dma_start3A_7] : memref<3200x16xf32, #tpu.memory_space<vmem>> -> memref<128x16xf32, #tpu.memory_space<vmem>>
    %dma_start3A_9 = arith.constant 0 : i32
    %dma_start3A_10 = tpu.memref_slice %arg5[%dma_start3A_9] : memref<3200xi32, #tpu.memory_space<vmem>> -> memref<128xi32, #tpu.memory_space<vmem>>
    %dma_start3A_11 = arith.constant 0 : i32
    %dma_start3A_12 = arith.constant 0 : i32
    %dma_start3A_13 = tpu.memref_slice %arg3[%dma_start3A_11, %dma_start3A_12] : memref<1000000x16xf32, #tpu.memory_space<hbm>> -> memref<1000000x16xf32, #tpu.memory_space<hbm>>
    tpu.enqueue_indirect_dma source(%dma_start3A_13 : memref<1000000x16xf32, #tpu.memory_space<hbm>>) target(%dma_start3A_8 : memref<128x16xf32, #tpu.memory_space<vmem>>) offsets(%dma_start3A_10 : memref<128xi32, #tpu.memory_space<vmem>>) semaphore(%arg10 : memref<!tpu.dma_semaphore, #tpu.memory_space<semaphore_mem>>)
    %dma_start3A_14 = arith.constant 128 : i32
    %dma_start3A_15 = arith.constant 0 : i32
    %dma_start3A_16 = tpu.memref_slice %arg7[%dma_start3A_14, %dma_start3A_15] : memref<3200x16xf32, #tpu.memory_space<vmem>> -> memref<128x16xf32, #tpu.memory_space<vmem>>
    %dma_start3A_17 = arith.constant 128 : i32
    %dma_start3A_18 = tpu.memref_slice %arg5[%dma_start3A_17] : memref<3200xi32, #tpu.memory_space<vmem>> -> memref<128xi32, #tpu.memory_space<vmem>>
    %dma_start3A_19 = arith.constant 0 : i32
    %dma_start3A_20 = arith.constant 0 : i32
    %dma_start3A_21 = tpu.memref_slice %arg3[%dma_start3A_19, %dma_start3A_20] : memref<1000000x16xf32, #tpu.memory_space<hbm>> -> memref<1000000x16xf32, #tpu.memory_space<hbm>>
    tpu.enqueue_indirect_dma source(%dma_start3A_21 : memref<1000000x16xf32, #tpu.memory_space<hbm>>) target(%dma_start3A_16 : memref<128x16xf32, #tpu.memory_space<vmem>>) offsets(%dma_start3A_18 : memref<128xi32, #tpu.memory_space<vmem>>) semaphore(%arg10 : memref<!tpu.dma_semaphore, #tpu.memory_space<semaphore_mem>>)
    %dma_start3A_22 = arith.constant 256 : i32
    %dma_start3A_23 = arith.constant 0 : i32
    %dma_start3A_24 = tpu.memref_slice %arg7[%dma_start3A_22, %dma_start3A_23] : memref<3200x16xf32, #tpu.memory_space<vmem>> -> memref<128x16xf32, #tpu.memory_space<vmem>>
    %dma_start3A_25 = arith.constant 256 : i32
    %dma_start3A_26 = tpu.memref_slice %arg5[%dma_start3A_25] : memref<3200xi32, #tpu.memory_space<vmem>> -> memref<128xi32, #tpu.memory_space<vmem>>
    %dma_start3A_27 = arith.constant 0 : i32
    %dma_start3A_28 = arith.constant 0 : i32
    %dma_start3A_29 = tpu.memref_slice %arg3[%dma_start3A_27, %dma_start3A_28] : memref<1000000x16xf32, #tpu.memory_space<hbm>> -> memref<1000000x16xf32, #tpu.memory_space<hbm>>
    tpu.enqueue_indirect_dma source(%dma_start3A_29 : memref<1000000x16xf32, #tpu.memory_space<hbm>>) target(%dma_start3A_24 : memref<128x16xf32, #tpu.memory_space<vmem>>) offsets(%dma_start3A_26 : memref<128xi32, #tpu.memory_space<vmem>>) semaphore(%arg10 : memref<!tpu.dma_semaphore, #tpu.memory_space<semaphore_mem>>)
    %dma_start3A_30 = arith.constant 384 : i32
    %dma_start3A_31 = arith.constant 0 : i32
    %dma_start3A_32 = tpu.memref_slice %arg7[%dma_start3A_30, %dma_start3A_31] : memref<3200x16xf32, #tpu.memory_space<vmem>> -> memref<128x16xf32, #tpu.memory_space<vmem>>
    %dma_start3A_33 = arith.constant 384 : i32
    %dma_start3A_34 = tpu.memref_slice %arg5[%dma_start3A_33] : memref<3200xi32, #tpu.memory_space<vmem>> -> memref<128xi32, #tpu.memory_space<vmem>>
    %dma_start3A_35 = arith.constant 0 : i32
    %dma_start3A_36 = arith.constant 0 : i32
    %dma_start3A_37 = tpu.memref_slice %arg3[%dma_start3A_35, %dma_start3A_36] : memref<1000000x16xf32, #tpu.memory_space<hbm>> -> memref<1000000x16xf32, #tpu.memory_space<hbm>>
    tpu.enqueue_indirect_dma source(%dma_start3A_37 : memref<1000000x16xf32, #tpu.memory_space<hbm>>) target(%dma_start3A_32 : memref<128x16xf32, #tpu.memory_space<vmem>>) offsets(%dma_start3A_34 : memref<128xi32, #tpu.memory_space<vmem>>) semaphore(%arg10 : memref<!tpu.dma_semaphore, #tpu.memory_space<semaphore_mem>>)
    %dma_start3A_38 = arith.constant 512 : i32
    %dma_start3A_39 = arith.constant 0 : i32
    %dma_start3A_40 = tpu.memref_slice %arg7[%dma_start3A_38, %dma_start3A_39] : memref<3200x16xf32, #tpu.memory_space<vmem>> -> memref<128x16xf32, #tpu.memory_space<vmem>>
    %dma_start3A_41 = arith.constant 512 : i32
    %dma_start3A_42 = tpu.memref_slice %arg5[%dma_start3A_41] : memref<3200xi32, #tpu.memory_space<vmem>> -> memref<128xi32, #tpu.memory_space<vmem>>
    %dma_start3A_43 = arith.constant 0 : i32
    %dma_start3A_44 = arith.constant 0 : i32
    %dma_start3A_45 = tpu.memref_slice %arg3[%dma_start3A_43, %dma_start3A_44] : memref<1000000x16xf32, #tpu.memory_space<hbm>> -> memref<1000000x16xf32, #tpu.memory_space<hbm>>
    tpu.enqueue_indirect_dma source(%dma_start3A_45 : memref<1000000x16xf32, #tpu.memory_space<hbm>>) target(%dma_start3A_40 : memref<128x16xf32, #tpu.memory_space<vmem>>) offsets(%dma_start3A_42 : memref<128xi32, #tpu.memory_space<vmem>>) semaphore(%arg10 : memref<!tpu.dma_semaphore, #tpu.memory_space<semaphore_mem>>)
    %dma_start3A_46 = arith.constant 640 : i32
    %dma_start3A_47 = arith.constant 0 : i32
    %dma_start3A_48 = tpu.memref_slice %arg7[%dma_start3A_46, %dma_start3A_47] : memref<3200x16xf32, #tpu.memory_space<vmem>> -> memref<128x16xf32, #tpu.memory_space<vmem>>
    %dma_start3A_49 = arith.constant 640 : i32
    %dma_start3A_50 = tpu.memref_slice %arg5[%dma_start3A_49] : memref<3200xi32, #tpu.memory_space<vmem>> -> memref<128xi32, #tpu.memory_space<vmem>>
    %dma_start3A_51 = arith.constant 0 : i32
    %dma_start3A_52 = arith.constant 0 : i32
    %dma_start3A_53 = tpu.memref_slice %arg3[%dma_start3A_51, %dma_start3A_52] : memref<1000000x16xf32, #tpu.memory_space<hbm>> -> memref<1000000x16xf32, #tpu.memory_space<hbm>>
    tpu.enqueue_indirect_dma source(%dma_start3A_53 : memref<1000000x16xf32, #tpu.memory_space<hbm>>) target(%dma_start3A_48 : memref<128x16xf32, #tpu.memory_space<vmem>>) offsets(%dma_start3A_50 : memref<128xi32, #tpu.memory_space<vmem>>) semaphore(%arg10 : memref<!tpu.dma_semaphore, #tpu.memory_space<semaphore_mem>>)
    %dma_start3A_54 = arith.constant 768 : i32
    %dma_start3A_55 = arith.constant 0 : i32
    %dma_start3A_56 = tpu.memref_slice %arg7[%dma_start3A_54, %dma_start3A_55] : memref<3200x16xf32, #tpu.memory_space<vmem>> -> memref<128x16xf32, #tpu.memory_space<vmem>>
    %dma_start3A_57 = arith.constant 768 : i32
    %dma_start3A_58 = tpu.memref_slice %arg5[%dma_start3A_57] : memref<3200xi32, #tpu.memory_space<vmem>> -> memref<128xi32, #tpu.memory_space<vmem>>
    %dma_start3A_59 = arith.constant 0 : i32
    %dma_start3A_60 = arith.constant 0 : i32
    %dma_start3A_61 = tpu.memref_slice %arg3[%dma_start3A_59, %dma_start3A_60] : memref<1000000x16xf32, #tpu.memory_space<hbm>> -> memref<1000000x16xf32, #tpu.memory_space<hbm>>
    tpu.enqueue_indirect_dma source(%dma_start3A_61 : memref<1000000x16xf32, #tpu.memory_space<hbm>>) target(%dma_start3A_56 : memref<128x16xf32, #tpu.memory_space<vmem>>) offsets(%dma_start3A_58 : memref<128xi32, #tpu.memory_space<vmem>>) semaphore(%arg10 : memref<!tpu.dma_semaphore, #tpu.memory_space<semaphore_mem>>)
    %dma_start3A_62 = arith.constant 896 : i32
    %dma_start3A_63 = arith.constant 0 : i32
    %dma_start3A_64 = tpu.memref_slice %arg7[%dma_start3A_62, %dma_start3A_63] : memref<3200x16xf32, #tpu.memory_space<vmem>> -> memref<128x16xf32, #tpu.memory_space<vmem>>
    %dma_start3A_65 = arith.constant 896 : i32
    %dma_start3A_66 = tpu.memref_slice %arg5[%dma_start3A_65] : memref<3200xi32, #tpu.memory_space<vmem>> -> memref<128xi32, #tpu.memory_space<vmem>>
    %dma_start3A_67 = arith.constant 0 : i32
    %dma_start3A_68 = arith.constant 0 : i32
    %dma_start3A_69 = tpu.memref_slice %arg3[%dma_start3A_67, %dma_start3A_68] : memref<1000000x16xf32, #tpu.memory_space<hbm>> -> memref<1000000x16xf32, #tpu.memory_space<hbm>>
    tpu.enqueue_indirect_dma source(%dma_start3A_69 : memref<1000000x16xf32, #tpu.memory_space<hbm>>) target(%dma_start3A_64 : memref<128x16xf32, #tpu.memory_space<vmem>>) offsets(%dma_start3A_66 : memref<128xi32, #tpu.memory_space<vmem>>) semaphore(%arg10 : memref<!tpu.dma_semaphore, #tpu.memory_space<semaphore_mem>>)
    %dma_start3A_70 = arith.constant 1024 : i32
    %dma_start3A_71 = arith.constant 0 : i32
    %dma_start3A_72 = tpu.memref_slice %arg7[%dma_start3A_70, %dma_start3A_71] : memref<3200x16xf32, #tpu.memory_space<vmem>> -> memref<128x16xf32, #tpu.memory_space<vmem>>
    %dma_start3A_73 = arith.constant 1024 : i32
    %dma_start3A_74 = tpu.memref_slice %arg5[%dma_start3A_73] : memref<3200xi32, #tpu.memory_space<vmem>> -> memref<128xi32, #tpu.memory_space<vmem>>
    %dma_start3A_75 = arith.constant 0 : i32
    %dma_start3A_76 = arith.constant 0 : i32
    %dma_start3A_77 = tpu.memref_slice %arg3[%dma_start3A_75, %dma_start3A_76] : memref<1000000x16xf32, #tpu.memory_space<hbm>> -> memref<1000000x16xf32, #tpu.memory_space<hbm>>
    tpu.enqueue_indirect_dma source(%dma_start3A_77 : memref<1000000x16xf32, #tpu.memory_space<hbm>>) target(%dma_start3A_72 : memref<128x16xf32, #tpu.memory_space<vmem>>) offsets(%dma_start3A_74 : memref<128xi32, #tpu.memory_space<vmem>>) semaphore(%arg10 : memref<!tpu.dma_semaphore, #tpu.memory_space<semaphore_mem>>)
    %dma_start3A_78 = arith.constant 1152 : i32
    %dma_start3A_79 = arith.constant 0 : i32
    %dma_start3A_80 = tpu.memref_slice %arg7[%dma_start3A_78, %dma_start3A_79] : memref<3200x16xf32, #tpu.memory_space<vmem>> -> memref<128x16xf32, #tpu.memory_space<vmem>>
    %dma_start3A_81 = arith.constant 1152 : i32
    %dma_start3A_82 = tpu.memref_slice %arg5[%dma_start3A_81] : memref<3200xi32, #tpu.memory_space<vmem>> -> memref<128xi32, #tpu.memory_space<vmem>>
    %dma_start3A_83 = arith.constant 0 : i32
    %dma_start3A_84 = arith.constant 0 : i32
    %dma_start3A_85 = tpu.memref_slice %arg3[%dma_start3A_83, %dma_start3A_84] : memref<1000000x16xf32, #tpu.memory_space<hbm>> -> memref<1000000x16xf32, #tpu.memory_space<hbm>>
    tpu.enqueue_indirect_dma source(%dma_start3A_85 : memref<1000000x16xf32, #tpu.memory_space<hbm>>) target(%dma_start3A_80 : memref<128x16xf32, #tpu.memory_space<vmem>>) offsets(%dma_start3A_82 : memref<128xi32, #tpu.memory_space<vmem>>) semaphore(%arg10 : memref<!tpu.dma_semaphore, #tpu.memory_space<semaphore_mem>>)
    %dma_start3A_86 = arith.constant 1280 : i32
    %dma_start3A_87 = arith.constant 0 : i32
    %dma_start3A_88 = tpu.memref_slice %arg7[%dma_start3A_86, %dma_start3A_87] : memref<3200x16xf32, #tpu.memory_space<vmem>> -> memref<128x16xf32, #tpu.memory_space<vmem>>
    %dma_start3A_89 = arith.constant 1280 : i32
    %dma_start3A_90 = tpu.memref_slice %arg5[%dma_start3A_89] : memref<3200xi32, #tpu.memory_space<vmem>> -> memref<128xi32, #tpu.memory_space<vmem>>
    %dma_start3A_91 = arith.constant 0 : i32
    %dma_start3A_92 = arith.constant 0 : i32
    %dma_start3A_93 = tpu.memref_slice %arg3[%dma_start3A_91, %dma_start3A_92] : memref<1000000x16xf32, #tpu.memory_space<hbm>> -> memref<1000000x16xf32, #tpu.memory_space<hbm>>
    tpu.enqueue_indirect_dma source(%dma_start3A_93 : memref<1000000x16xf32, #tpu.memory_space<hbm>>) target(%dma_start3A_88 : memref<128x16xf32, #tpu.memory_space<vmem>>) offsets(%dma_start3A_90 : memref<128xi32, #tpu.memory_space<vmem>>) semaphore(%arg10 : memref<!tpu.dma_semaphore, #tpu.memory_space<semaphore_mem>>)
    %dma_start3A_94 = arith.constant 1408 : i32
    %dma_start3A_95 = arith.constant 0 : i32
    %dma_start3A_96 = tpu.memref_slice %arg7[%dma_start3A_94, %dma_start3A_95] : memref<3200x16xf32, #tpu.memory_space<vmem>> -> memref<128x16xf32, #tpu.memory_space<vmem>>
    %dma_start3A_97 = arith.constant 1408 : i32
    %dma_start3A_98 = tpu.memref_slice %arg5[%dma_start3A_97] : memref<3200xi32, #tpu.memory_space<vmem>> -> memref<128xi32, #tpu.memory_space<vmem>>
    %dma_start3A_99 = arith.constant 0 : i32
    %dma_start3A_100 = arith.constant 0 : i32
    %dma_start3A_101 = tpu.memref_slice %arg3[%dma_start3A_99, %dma_start3A_100] : memref<1000000x16xf32, #tpu.memory_space<hbm>> -> memref<1000000x16xf32, #tpu.memory_space<hbm>>
    tpu.enqueue_indirect_dma source(%dma_start3A_101 : memref<1000000x16xf32, #tpu.memory_space<hbm>>) target(%dma_start3A_96 : memref<128x16xf32, #tpu.memory_space<vmem>>) offsets(%dma_start3A_98 : memref<128xi32, #tpu.memory_space<vmem>>) semaphore(%arg10 : memref<!tpu.dma_semaphore, #tpu.memory_space<semaphore_mem>>)
    %dma_start3A_102 = arith.constant 1536 : i32
    %dma_start3A_103 = arith.constant 0 : i32
    %dma_start3A_104 = tpu.memref_slice %arg7[%dma_start3A_102, %dma_start3A_103] : memref<3200x16xf32, #tpu.memory_space<vmem>> -> memref<128x16xf32, #tpu.memory_space<vmem>>
    %dma_start3A_105 = arith.constant 1536 : i32
    %dma_start3A_106 = tpu.memref_slice %arg5[%dma_start3A_105] : memref<3200xi32, #tpu.memory_space<vmem>> -> memref<128xi32, #tpu.memory_space<vmem>>
    %dma_start3A_107 = arith.constant 0 : i32
    %dma_start3A_108 = arith.constant 0 : i32
    %dma_start3A_109 = tpu.memref_slice %arg3[%dma_start3A_107, %dma_start3A_108] : memref<1000000x16xf32, #tpu.memory_space<hbm>> -> memref<1000000x16xf32, #tpu.memory_space<hbm>>
    tpu.enqueue_indirect_dma source(%dma_start3A_109 : memref<1000000x16xf32, #tpu.memory_space<hbm>>) target(%dma_start3A_104 : memref<128x16xf32, #tpu.memory_space<vmem>>) offsets(%dma_start3A_106 : memref<128xi32, #tpu.memory_space<vmem>>) semaphore(%arg10 : memref<!tpu.dma_semaphore, #tpu.memory_space<semaphore_mem>>)
    %dma_start3A_110 = arith.constant 1664 : i32
    %dma_start3A_111 = arith.constant 0 : i32
    %dma_start3A_112 = tpu.memref_slice %arg7[%dma_start3A_110, %dma_start3A_111] : memref<3200x16xf32, #tpu.memory_space<vmem>> -> memref<128x16xf32, #tpu.memory_space<vmem>>
    %dma_start3A_113 = arith.constant 1664 : i32
    %dma_start3A_114 = tpu.memref_slice %arg5[%dma_start3A_113] : memref<3200xi32, #tpu.memory_space<vmem>> -> memref<128xi32, #tpu.memory_space<vmem>>
    %dma_start3A_115 = arith.constant 0 : i32
    %dma_start3A_116 = arith.constant 0 : i32
    %dma_start3A_117 = tpu.memref_slice %arg3[%dma_start3A_115, %dma_start3A_116] : memref<1000000x16xf32, #tpu.memory_space<hbm>> -> memref<1000000x16xf32, #tpu.memory_space<hbm>>
    tpu.enqueue_indirect_dma source(%dma_start3A_117 : memref<1000000x16xf32, #tpu.memory_space<hbm>>) target(%dma_start3A_112 : memref<128x16xf32, #tpu.memory_space<vmem>>) offsets(%dma_start3A_114 : memref<128xi32, #tpu.memory_space<vmem>>) semaphore(%arg10 : memref<!tpu.dma_semaphore, #tpu.memory_space<semaphore_mem>>)
    %dma_start3A_118 = arith.constant 1792 : i32
    %dma_start3A_119 = arith.constant 0 : i32
    %dma_start3A_120 = tpu.memref_slice %arg7[%dma_start3A_118, %dma_start3A_119] : memref<3200x16xf32, #tpu.memory_space<vmem>> -> memref<128x16xf32, #tpu.memory_space<vmem>>
    %dma_start3A_121 = arith.constant 1792 : i32
    %dma_start3A_122 = tpu.memref_slice %arg5[%dma_start3A_121] : memref<3200xi32, #tpu.memory_space<vmem>> -> memref<128xi32, #tpu.memory_space<vmem>>
    %dma_start3A_123 = arith.constant 0 : i32
    %dma_start3A_124 = arith.constant 0 : i32
    %dma_start3A_125 = tpu.memref_slice %arg3[%dma_start3A_123, %dma_start3A_124] : memref<1000000x16xf32, #tpu.memory_space<hbm>> -> memref<1000000x16xf32, #tpu.memory_space<hbm>>
    tpu.enqueue_indirect_dma source(%dma_start3A_125 : memref<1000000x16xf32, #tpu.memory_space<hbm>>) target(%dma_start3A_120 : memref<128x16xf32, #tpu.memory_space<vmem>>) offsets(%dma_start3A_122 : memref<128xi32, #tpu.memory_space<vmem>>) semaphore(%arg10 : memref<!tpu.dma_semaphore, #tpu.memory_space<semaphore_mem>>)
    %dma_start3A_126 = arith.constant 1920 : i32
    %dma_start3A_127 = arith.constant 0 : i32
    %dma_start3A_128 = tpu.memref_slice %arg7[%dma_start3A_126, %dma_start3A_127] : memref<3200x16xf32, #tpu.memory_space<vmem>> -> memref<128x16xf32, #tpu.memory_space<vmem>>
    %dma_start3A_129 = arith.constant 1920 : i32
    %dma_start3A_130 = tpu.memref_slice %arg5[%dma_start3A_129] : memref<3200xi32, #tpu.memory_space<vmem>> -> memref<128xi32, #tpu.memory_space<vmem>>
    %dma_start3A_131 = arith.constant 0 : i32
    %dma_start3A_132 = arith.constant 0 : i32
    %dma_start3A_133 = tpu.memref_slice %arg3[%dma_start3A_131, %dma_start3A_132] : memref<1000000x16xf32, #tpu.memory_space<hbm>> -> memref<1000000x16xf32, #tpu.memory_space<hbm>>
    tpu.enqueue_indirect_dma source(%dma_start3A_133 : memref<1000000x16xf32, #tpu.memory_space<hbm>>) target(%dma_start3A_128 : memref<128x16xf32, #tpu.memory_space<vmem>>) offsets(%dma_start3A_130 : memref<128xi32, #tpu.memory_space<vmem>>) semaphore(%arg10 : memref<!tpu.dma_semaphore, #tpu.memory_space<semaphore_mem>>)
    %dma_start3A_134 = arith.constant 2048 : i32
    %dma_start3A_135 = arith.constant 0 : i32
    %dma_start3A_136 = tpu.memref_slice %arg7[%dma_start3A_134, %dma_start3A_135] : memref<3200x16xf32, #tpu.memory_space<vmem>> -> memref<128x16xf32, #tpu.memory_space<vmem>>
    %dma_start3A_137 = arith.constant 2048 : i32
    %dma_start3A_138 = tpu.memref_slice %arg5[%dma_start3A_137] : memref<3200xi32, #tpu.memory_space<vmem>> -> memref<128xi32, #tpu.memory_space<vmem>>
    %dma_start3A_139 = arith.constant 0 : i32
    %dma_start3A_140 = arith.constant 0 : i32
    %dma_start3A_141 = tpu.memref_slice %arg3[%dma_start3A_139, %dma_start3A_140] : memref<1000000x16xf32, #tpu.memory_space<hbm>> -> memref<1000000x16xf32, #tpu.memory_space<hbm>>
    tpu.enqueue_indirect_dma source(%dma_start3A_141 : memref<1000000x16xf32, #tpu.memory_space<hbm>>) target(%dma_start3A_136 : memref<128x16xf32, #tpu.memory_space<vmem>>) offsets(%dma_start3A_138 : memref<128xi32, #tpu.memory_space<vmem>>) semaphore(%arg10 : memref<!tpu.dma_semaphore, #tpu.memory_space<semaphore_mem>>)
    %dma_start3A_142 = arith.constant 2176 : i32
    %dma_start3A_143 = arith.constant 0 : i32
    %dma_start3A_144 = tpu.memref_slice %arg7[%dma_start3A_142, %dma_start3A_143] : memref<3200x16xf32, #tpu.memory_space<vmem>> -> memref<128x16xf32, #tpu.memory_space<vmem>>
    %dma_start3A_145 = arith.constant 2176 : i32
    %dma_start3A_146 = tpu.memref_slice %arg5[%dma_start3A_145] : memref<3200xi32, #tpu.memory_space<vmem>> -> memref<128xi32, #tpu.memory_space<vmem>>
    %dma_start3A_147 = arith.constant 0 : i32
    %dma_start3A_148 = arith.constant 0 : i32
    %dma_start3A_149 = tpu.memref_slice %arg3[%dma_start3A_147, %dma_start3A_148] : memref<1000000x16xf32, #tpu.memory_space<hbm>> -> memref<1000000x16xf32, #tpu.memory_space<hbm>>
    tpu.enqueue_indirect_dma source(%dma_start3A_149 : memref<1000000x16xf32, #tpu.memory_space<hbm>>) target(%dma_start3A_144 : memref<128x16xf32, #tpu.memory_space<vmem>>) offsets(%dma_start3A_146 : memref<128xi32, #tpu.memory_space<vmem>>) semaphore(%arg10 : memref<!tpu.dma_semaphore, #tpu.memory_space<semaphore_mem>>)
    %dma_start3A_150 = arith.constant 2304 : i32
    %dma_start3A_151 = arith.constant 0 : i32
    %dma_start3A_152 = tpu.memref_slice %arg7[%dma_start3A_150, %dma_start3A_151] : memref<3200x16xf32, #tpu.memory_space<vmem>> -> memref<128x16xf32, #tpu.memory_space<vmem>>
    %dma_start3A_153 = arith.constant 2304 : i32
    %dma_start3A_154 = tpu.memref_slice %arg5[%dma_start3A_153] : memref<3200xi32, #tpu.memory_space<vmem>> -> memref<128xi32, #tpu.memory_space<vmem>>
    %dma_start3A_155 = arith.constant 0 : i32
    %dma_start3A_156 = arith.constant 0 : i32
    %dma_start3A_157 = tpu.memref_slice %arg3[%dma_start3A_155, %dma_start3A_156] : memref<1000000x16xf32, #tpu.memory_space<hbm>> -> memref<1000000x16xf32, #tpu.memory_space<hbm>>
    tpu.enqueue_indirect_dma source(%dma_start3A_157 : memref<1000000x16xf32, #tpu.memory_space<hbm>>) target(%dma_start3A_152 : memref<128x16xf32, #tpu.memory_space<vmem>>) offsets(%dma_start3A_154 : memref<128xi32, #tpu.memory_space<vmem>>) semaphore(%arg10 : memref<!tpu.dma_semaphore, #tpu.memory_space<semaphore_mem>>)
    %dma_start3A_158 = arith.constant 2432 : i32
    %dma_start3A_159 = arith.constant 0 : i32
    %dma_start3A_160 = tpu.memref_slice %arg7[%dma_start3A_158, %dma_start3A_159] : memref<3200x16xf32, #tpu.memory_space<vmem>> -> memref<128x16xf32, #tpu.memory_space<vmem>>
    %dma_start3A_161 = arith.constant 2432 : i32
    %dma_start3A_162 = tpu.memref_slice %arg5[%dma_start3A_161] : memref<3200xi32, #tpu.memory_space<vmem>> -> memref<128xi32, #tpu.memory_space<vmem>>
    %dma_start3A_163 = arith.constant 0 : i32
    %dma_start3A_164 = arith.constant 0 : i32
    %dma_start3A_165 = tpu.memref_slice %arg3[%dma_start3A_163, %dma_start3A_164] : memref<1000000x16xf32, #tpu.memory_space<hbm>> -> memref<1000000x16xf32, #tpu.memory_space<hbm>>
    tpu.enqueue_indirect_dma source(%dma_start3A_165 : memref<1000000x16xf32, #tpu.memory_space<hbm>>) target(%dma_start3A_160 : memref<128x16xf32, #tpu.memory_space<vmem>>) offsets(%dma_start3A_162 : memref<128xi32, #tpu.memory_space<vmem>>) semaphore(%arg10 : memref<!tpu.dma_semaphore, #tpu.memory_space<semaphore_mem>>)
    %dma_start3A_166 = arith.constant 2560 : i32
    %dma_start3A_167 = arith.constant 0 : i32
    %dma_start3A_168 = tpu.memref_slice %arg7[%dma_start3A_166, %dma_start3A_167] : memref<3200x16xf32, #tpu.memory_space<vmem>> -> memref<128x16xf32, #tpu.memory_space<vmem>>
    %dma_start3A_169 = arith.constant 2560 : i32
    %dma_start3A_170 = tpu.memref_slice %arg5[%dma_start3A_169] : memref<3200xi32, #tpu.memory_space<vmem>> -> memref<128xi32, #tpu.memory_space<vmem>>
    %dma_start3A_171 = arith.constant 0 : i32
    %dma_start3A_172 = arith.constant 0 : i32
    %dma_start3A_173 = tpu.memref_slice %arg3[%dma_start3A_171, %dma_start3A_172] : memref<1000000x16xf32, #tpu.memory_space<hbm>> -> memref<1000000x16xf32, #tpu.memory_space<hbm>>
    tpu.enqueue_indirect_dma source(%dma_start3A_173 : memref<1000000x16xf32, #tpu.memory_space<hbm>>) target(%dma_start3A_168 : memref<128x16xf32, #tpu.memory_space<vmem>>) offsets(%dma_start3A_170 : memref<128xi32, #tpu.memory_space<vmem>>) semaphore(%arg10 : memref<!tpu.dma_semaphore, #tpu.memory_space<semaphore_mem>>)
    %dma_start3A_174 = arith.constant 2688 : i32
    %dma_start3A_175 = arith.constant 0 : i32
    %dma_start3A_176 = tpu.memref_slice %arg7[%dma_start3A_174, %dma_start3A_175] : memref<3200x16xf32, #tpu.memory_space<vmem>> -> memref<128x16xf32, #tpu.memory_space<vmem>>
    %dma_start3A_177 = arith.constant 2688 : i32
    %dma_start3A_178 = tpu.memref_slice %arg5[%dma_start3A_177] : memref<3200xi32, #tpu.memory_space<vmem>> -> memref<128xi32, #tpu.memory_space<vmem>>
    %dma_start3A_179 = arith.constant 0 : i32
    %dma_start3A_180 = arith.constant 0 : i32
    %dma_start3A_181 = tpu.memref_slice %arg3[%dma_start3A_179, %dma_start3A_180] : memref<1000000x16xf32, #tpu.memory_space<hbm>> -> memref<1000000x16xf32, #tpu.memory_space<hbm>>
    tpu.enqueue_indirect_dma source(%dma_start3A_181 : memref<1000000x16xf32, #tpu.memory_space<hbm>>) target(%dma_start3A_176 : memref<128x16xf32, #tpu.memory_space<vmem>>) offsets(%dma_start3A_178 : memref<128xi32, #tpu.memory_space<vmem>>) semaphore(%arg10 : memref<!tpu.dma_semaphore, #tpu.memory_space<semaphore_mem>>)
    %dma_start3A_182 = arith.constant 2816 : i32
    %dma_start3A_183 = arith.constant 0 : i32
    %dma_start3A_184 = tpu.memref_slice %arg7[%dma_start3A_182, %dma_start3A_183] : memref<3200x16xf32, #tpu.memory_space<vmem>> -> memref<128x16xf32, #tpu.memory_space<vmem>>
    %dma_start3A_185 = arith.constant 2816 : i32
    %dma_start3A_186 = tpu.memref_slice %arg5[%dma_start3A_185] : memref<3200xi32, #tpu.memory_space<vmem>> -> memref<128xi32, #tpu.memory_space<vmem>>
    %dma_start3A_187 = arith.constant 0 : i32
    %dma_start3A_188 = arith.constant 0 : i32
    %dma_start3A_189 = tpu.memref_slice %arg3[%dma_start3A_187, %dma_start3A_188] : memref<1000000x16xf32, #tpu.memory_space<hbm>> -> memref<1000000x16xf32, #tpu.memory_space<hbm>>
    tpu.enqueue_indirect_dma source(%dma_start3A_189 : memref<1000000x16xf32, #tpu.memory_space<hbm>>) target(%dma_start3A_184 : memref<128x16xf32, #tpu.memory_space<vmem>>) offsets(%dma_start3A_186 : memref<128xi32, #tpu.memory_space<vmem>>) semaphore(%arg10 : memref<!tpu.dma_semaphore, #tpu.memory_space<semaphore_mem>>)
    %dma_start3A_190 = arith.constant 2944 : i32
    %dma_start3A_191 = arith.constant 0 : i32
    %dma_start3A_192 = tpu.memref_slice %arg7[%dma_start3A_190, %dma_start3A_191] : memref<3200x16xf32, #tpu.memory_space<vmem>> -> memref<128x16xf32, #tpu.memory_space<vmem>>
    %dma_start3A_193 = arith.constant 2944 : i32
    %dma_start3A_194 = tpu.memref_slice %arg5[%dma_start3A_193] : memref<3200xi32, #tpu.memory_space<vmem>> -> memref<128xi32, #tpu.memory_space<vmem>>
    %dma_start3A_195 = arith.constant 0 : i32
    %dma_start3A_196 = arith.constant 0 : i32
    %dma_start3A_197 = tpu.memref_slice %arg3[%dma_start3A_195, %dma_start3A_196] : memref<1000000x16xf32, #tpu.memory_space<hbm>> -> memref<1000000x16xf32, #tpu.memory_space<hbm>>
    tpu.enqueue_indirect_dma source(%dma_start3A_197 : memref<1000000x16xf32, #tpu.memory_space<hbm>>) target(%dma_start3A_192 : memref<128x16xf32, #tpu.memory_space<vmem>>) offsets(%dma_start3A_194 : memref<128xi32, #tpu.memory_space<vmem>>) semaphore(%arg10 : memref<!tpu.dma_semaphore, #tpu.memory_space<semaphore_mem>>)
    %dma_start3A_198 = arith.constant 3072 : i32
    %dma_start3A_199 = arith.constant 0 : i32
    %dma_start3A_200 = tpu.memref_slice %arg7[%dma_start3A_198, %dma_start3A_199] : memref<3200x16xf32, #tpu.memory_space<vmem>> -> memref<128x16xf32, #tpu.memory_space<vmem>>
    %dma_start3A_201 = arith.constant 3072 : i32
    %dma_start3A_202 = tpu.memref_slice %arg5[%dma_start3A_201] : memref<3200xi32, #tpu.memory_space<vmem>> -> memref<128xi32, #tpu.memory_space<vmem>>
    %dma_start3A_203 = arith.constant 0 : i32
    %dma_start3A_204 = arith.constant 0 : i32
    %dma_start3A_205 = tpu.memref_slice %arg3[%dma_start3A_203, %dma_start3A_204] : memref<1000000x16xf32, #tpu.memory_space<hbm>> -> memref<1000000x16xf32, #tpu.memory_space<hbm>>
    tpu.enqueue_indirect_dma source(%dma_start3A_205 : memref<1000000x16xf32, #tpu.memory_space<hbm>>) target(%dma_start3A_200 : memref<128x16xf32, #tpu.memory_space<vmem>>) offsets(%dma_start3A_202 : memref<128xi32, #tpu.memory_space<vmem>>) semaphore(%arg10 : memref<!tpu.dma_semaphore, #tpu.memory_space<semaphore_mem>>)
    %scan3A = arith.constant 0 : i32
    %scan3A_206 = arith.constant 0 : i32
    %scan3A_207 = arith.constant 16 : i32
    %scan3A_208 = arith.addi %scan3A_206, %scan3A_207 : i32
    %scan3A_209 = arith.constant 1 : i32
    scf.for %scan3A_211 = %scan3A_206 to %scan3A_208 step %scan3A_209  : i32 {
      %mul3A_212 = arith.constant 2 : i32
      %mul3A_213 = arith.muli %scan3A_211, %mul3A_212 : i32
      %add3A_214 = arith.constant 1 : i32
      %add3A_215 = arith.addi %mul3A_213, %add3A_214 : i32
      %mul3A_216 = arith.constant 512 : i32
      %mul3A_217 = arith.muli %add3A, %mul3A_216 : i32
      %mul3A_218 = arith.constant 16 : i32
      %mul3A_219 = arith.muli %add3A_215, %mul3A_218 : i32
      %add3A_220 = arith.addi %mul3A_217, %mul3A_219 : i32
      %mul3A_221 = arith.constant 200 : i32
      %mul3A_222 = arith.muli %add3A_220, %mul3A_221 : i32
      "tpu.region"() ({
        %run_scoped3A = tpu.sem_alloc : memref<!tpu.dma_semaphore, #tpu.memory_space<semaphore_mem>>
        %dma_start3A_850 = tpu.memref_slice %arg2[%mul3A_222] : memref<3276800xi32, #tpu.memory_space<hbm>> -> memref<3200xi32, #tpu.memory_space<hbm>>
        %dma_start3A_851 = tpu.memref_slice %arg2[%mul3A_222] : memref<3276800xi32, #tpu.memory_space<hbm>> -> memref<3200xi32, #tpu.memory_space<hbm>>
        tpu.enqueue_dma source(%dma_start3A_851 : memref<3200xi32, #tpu.memory_space<hbm>>) target(%arg6 : memref<3200xi32, #tpu.memory_space<vmem>>) target_semaphore(%run_scoped3A : memref<!tpu.dma_semaphore, #tpu.memory_space<semaphore_mem>>)
        %dma_wait3A_852 = tpu.memref_slice %arg2[%mul3A_222] : memref<3276800xi32, #tpu.memory_space<hbm>> -> memref<3200xi32, #tpu.memory_space<hbm>>
        %dma_wait3A_853 = tpu.memref_slice %arg2[%mul3A_222] : memref<3276800xi32, #tpu.memory_space<hbm>> -> memref<3200xi32, #tpu.memory_space<hbm>>
        tpu.wait_dma2 semaphore(%run_scoped3A : memref<!tpu.dma_semaphore, #tpu.memory_space<semaphore_mem>>) src(%dma_wait3A_853 : memref<3200xi32, #tpu.memory_space<hbm>>) dst(%arg6 : memref<3200xi32, #tpu.memory_space<vmem>>)
        tpu.yield
      }) : () -> ()
      %dma_start3A_223 = arith.constant 0 : i32
      %dma_start3A_224 = arith.constant 0 : i32
      %dma_start3A_225 = tpu.memref_slice %arg8[%dma_start3A_223, %dma_start3A_224] : memref<3200x16xf32, #tpu.memory_space<vmem>> -> memref<128x16xf32, #tpu.memory_space<vmem>>
      %dma_start3A_226 = arith.constant 0 : i32
      %dma_start3A_227 = tpu.memref_slice %arg6[%dma_start3A_226] : memref<3200xi32, #tpu.memory_space<vmem>> -> memref<128xi32, #tpu.memory_space<vmem>>
      %dma_start3A_228 = arith.constant 0 : i32
      %dma_start3A_229 = arith.constant 0 : i32
      %dma_start3A_230 = tpu.memref_slice %arg3[%dma_start3A_228, %dma_start3A_229] : memref<1000000x16xf32, #tpu.memory_space<hbm>> -> memref<1000000x16xf32, #tpu.memory_space<hbm>>
      tpu.enqueue_indirect_dma source(%dma_start3A_230 : memref<1000000x16xf32, #tpu.memory_space<hbm>>) target(%dma_start3A_225 : memref<128x16xf32, #tpu.memory_space<vmem>>) offsets(%dma_start3A_227 : memref<128xi32, #tpu.memory_space<vmem>>) semaphore(%arg11 : memref<!tpu.dma_semaphore, #tpu.memory_space<semaphore_mem>>)
      %dma_start3A_231 = arith.constant 128 : i32
      %dma_start3A_232 = arith.constant 0 : i32
      %dma_start3A_233 = tpu.memref_slice %arg8[%dma_start3A_231, %dma_start3A_232] : memref<3200x16xf32, #tpu.memory_space<vmem>> -> memref<128x16xf32, #tpu.memory_space<vmem>>
      %dma_start3A_234 = arith.constant 128 : i32
      %dma_start3A_235 = tpu.memref_slice %arg6[%dma_start3A_234] : memref<3200xi32, #tpu.memory_space<vmem>> -> memref<128xi32, #tpu.memory_space<vmem>>
      %dma_start3A_236 = arith.constant 0 : i32
      %dma_start3A_237 = arith.constant 0 : i32
      %dma_start3A_238 = tpu.memref_slice %arg3[%dma_start3A_236, %dma_start3A_237] : memref<1000000x16xf32, #tpu.memory_space<hbm>> -> memref<1000000x16xf32, #tpu.memory_space<hbm>>
      tpu.enqueue_indirect_dma source(%dma_start3A_238 : memref<1000000x16xf32, #tpu.memory_space<hbm>>) target(%dma_start3A_233 : memref<128x16xf32, #tpu.memory_space<vmem>>) offsets(%dma_start3A_235 : memref<128xi32, #tpu.memory_space<vmem>>) semaphore(%arg11 : memref<!tpu.dma_semaphore, #tpu.memory_space<semaphore_mem>>)
      %dma_start3A_239 = arith.constant 256 : i32
      %dma_start3A_240 = arith.constant 0 : i32
      %dma_start3A_241 = tpu.memref_slice %arg8[%dma_start3A_239, %dma_start3A_240] : memref<3200x16xf32, #tpu.memory_space<vmem>> -> memref<128x16xf32, #tpu.memory_space<vmem>>
      %dma_start3A_242 = arith.constant 256 : i32
      %dma_start3A_243 = tpu.memref_slice %arg6[%dma_start3A_242] : memref<3200xi32, #tpu.memory_space<vmem>> -> memref<128xi32, #tpu.memory_space<vmem>>
      %dma_start3A_244 = arith.constant 0 : i32
      %dma_start3A_245 = arith.constant 0 : i32
      %dma_start3A_246 = tpu.memref_slice %arg3[%dma_start3A_244, %dma_start3A_245] : memref<1000000x16xf32, #tpu.memory_space<hbm>> -> memref<1000000x16xf32, #tpu.memory_space<hbm>>
      tpu.enqueue_indirect_dma source(%dma_start3A_246 : memref<1000000x16xf32, #tpu.memory_space<hbm>>) target(%dma_start3A_241 : memref<128x16xf32, #tpu.memory_space<vmem>>) offsets(%dma_start3A_243 : memref<128xi32, #tpu.memory_space<vmem>>) semaphore(%arg11 : memref<!tpu.dma_semaphore, #tpu.memory_space<semaphore_mem>>)
      %dma_start3A_247 = arith.constant 384 : i32
      %dma_start3A_248 = arith.constant 0 : i32
      %dma_start3A_249 = tpu.memref_slice %arg8[%dma_start3A_247, %dma_start3A_248] : memref<3200x16xf32, #tpu.memory_space<vmem>> -> memref<128x16xf32, #tpu.memory_space<vmem>>
      %dma_start3A_250 = arith.constant 384 : i32
      %dma_start3A_251 = tpu.memref_slice %arg6[%dma_start3A_250] : memref<3200xi32, #tpu.memory_space<vmem>> -> memref<128xi32, #tpu.memory_space<vmem>>
      %dma_start3A_252 = arith.constant 0 : i32
      %dma_start3A_253 = arith.constant 0 : i32
      %dma_start3A_254 = tpu.memref_slice %arg3[%dma_start3A_252, %dma_start3A_253] : memref<1000000x16xf32, #tpu.memory_space<hbm>> -> memref<1000000x16xf32, #tpu.memory_space<hbm>>
      tpu.enqueue_indirect_dma source(%dma_start3A_254 : memref<1000000x16xf32, #tpu.memory_space<hbm>>) target(%dma_start3A_249 : memref<128x16xf32, #tpu.memory_space<vmem>>) offsets(%dma_start3A_251 : memref<128xi32, #tpu.memory_space<vmem>>) semaphore(%arg11 : memref<!tpu.dma_semaphore, #tpu.memory_space<semaphore_mem>>)
      %dma_start3A_255 = arith.constant 512 : i32
      %dma_start3A_256 = arith.constant 0 : i32
      %dma_start3A_257 = tpu.memref_slice %arg8[%dma_start3A_255, %dma_start3A_256] : memref<3200x16xf32, #tpu.memory_space<vmem>> -> memref<128x16xf32, #tpu.memory_space<vmem>>
      %dma_start3A_258 = arith.constant 512 : i32
      %dma_start3A_259 = tpu.memref_slice %arg6[%dma_start3A_258] : memref<3200xi32, #tpu.memory_space<vmem>> -> memref<128xi32, #tpu.memory_space<vmem>>
      %dma_start3A_260 = arith.constant 0 : i32
      %dma_start3A_261 = arith.constant 0 : i32
      %dma_start3A_262 = tpu.memref_slice %arg3[%dma_start3A_260, %dma_start3A_261] : memref<1000000x16xf32, #tpu.memory_space<hbm>> -> memref<1000000x16xf32, #tpu.memory_space<hbm>>
      tpu.enqueue_indirect_dma source(%dma_start3A_262 : memref<1000000x16xf32, #tpu.memory_space<hbm>>) target(%dma_start3A_257 : memref<128x16xf32, #tpu.memory_space<vmem>>) offsets(%dma_start3A_259 : memref<128xi32, #tpu.memory_space<vmem>>) semaphore(%arg11 : memref<!tpu.dma_semaphore, #tpu.memory_space<semaphore_mem>>)
      %dma_start3A_263 = arith.constant 640 : i32
      %dma_start3A_264 = arith.constant 0 : i32
      %dma_start3A_265 = tpu.memref_slice %arg8[%dma_start3A_263, %dma_start3A_264] : memref<3200x16xf32, #tpu.memory_space<vmem>> -> memref<128x16xf32, #tpu.memory_space<vmem>>
      %dma_start3A_266 = arith.constant 640 : i32
      %dma_start3A_267 = tpu.memref_slice %arg6[%dma_start3A_266] : memref<3200xi32, #tpu.memory_space<vmem>> -> memref<128xi32, #tpu.memory_space<vmem>>
      %dma_start3A_268 = arith.constant 0 : i32
      %dma_start3A_269 = arith.constant 0 : i32
      %dma_start3A_270 = tpu.memref_slice %arg3[%dma_start3A_268, %dma_start3A_269] : memref<1000000x16xf32, #tpu.memory_space<hbm>> -> memref<1000000x16xf32, #tpu.memory_space<hbm>>
      tpu.enqueue_indirect_dma source(%dma_start3A_270 : memref<1000000x16xf32, #tpu.memory_space<hbm>>) target(%dma_start3A_265 : memref<128x16xf32, #tpu.memory_space<vmem>>) offsets(%dma_start3A_267 : memref<128xi32, #tpu.memory_space<vmem>>) semaphore(%arg11 : memref<!tpu.dma_semaphore, #tpu.memory_space<semaphore_mem>>)
      %dma_start3A_271 = arith.constant 768 : i32
      %dma_start3A_272 = arith.constant 0 : i32
      %dma_start3A_273 = tpu.memref_slice %arg8[%dma_start3A_271, %dma_start3A_272] : memref<3200x16xf32, #tpu.memory_space<vmem>> -> memref<128x16xf32, #tpu.memory_space<vmem>>
      %dma_start3A_274 = arith.constant 768 : i32
      %dma_start3A_275 = tpu.memref_slice %arg6[%dma_start3A_274] : memref<3200xi32, #tpu.memory_space<vmem>> -> memref<128xi32, #tpu.memory_space<vmem>>
      %dma_start3A_276 = arith.constant 0 : i32
      %dma_start3A_277 = arith.constant 0 : i32
      %dma_start3A_278 = tpu.memref_slice %arg3[%dma_start3A_276, %dma_start3A_277] : memref<1000000x16xf32, #tpu.memory_space<hbm>> -> memref<1000000x16xf32, #tpu.memory_space<hbm>>
      tpu.enqueue_indirect_dma source(%dma_start3A_278 : memref<1000000x16xf32, #tpu.memory_space<hbm>>) target(%dma_start3A_273 : memref<128x16xf32, #tpu.memory_space<vmem>>) offsets(%dma_start3A_275 : memref<128xi32, #tpu.memory_space<vmem>>) semaphore(%arg11 : memref<!tpu.dma_semaphore, #tpu.memory_space<semaphore_mem>>)
      %dma_start3A_279 = arith.constant 896 : i32
      %dma_start3A_280 = arith.constant 0 : i32
      %dma_start3A_281 = tpu.memref_slice %arg8[%dma_start3A_279, %dma_start3A_280] : memref<3200x16xf32, #tpu.memory_space<vmem>> -> memref<128x16xf32, #tpu.memory_space<vmem>>
      %dma_start3A_282 = arith.constant 896 : i32
      %dma_start3A_283 = tpu.memref_slice %arg6[%dma_start3A_282] : memref<3200xi32, #tpu.memory_space<vmem>> -> memref<128xi32, #tpu.memory_space<vmem>>
      %dma_start3A_284 = arith.constant 0 : i32
      %dma_start3A_285 = arith.constant 0 : i32
      %dma_start3A_286 = tpu.memref_slice %arg3[%dma_start3A_284, %dma_start3A_285] : memref<1000000x16xf32, #tpu.memory_space<hbm>> -> memref<1000000x16xf32, #tpu.memory_space<hbm>>
      tpu.enqueue_indirect_dma source(%dma_start3A_286 : memref<1000000x16xf32, #tpu.memory_space<hbm>>) target(%dma_start3A_281 : memref<128x16xf32, #tpu.memory_space<vmem>>) offsets(%dma_start3A_283 : memref<128xi32, #tpu.memory_space<vmem>>) semaphore(%arg11 : memref<!tpu.dma_semaphore, #tpu.memory_space<semaphore_mem>>)
      %dma_start3A_287 = arith.constant 1024 : i32
      %dma_start3A_288 = arith.constant 0 : i32
      %dma_start3A_289 = tpu.memref_slice %arg8[%dma_start3A_287, %dma_start3A_288] : memref<3200x16xf32, #tpu.memory_space<vmem>> -> memref<128x16xf32, #tpu.memory_space<vmem>>
      %dma_start3A_290 = arith.constant 1024 : i32
      %dma_start3A_291 = tpu.memref_slice %arg6[%dma_start3A_290] : memref<3200xi32, #tpu.memory_space<vmem>> -> memref<128xi32, #tpu.memory_space<vmem>>
      %dma_start3A_292 = arith.constant 0 : i32
      %dma_start3A_293 = arith.constant 0 : i32
      %dma_start3A_294 = tpu.memref_slice %arg3[%dma_start3A_292, %dma_start3A_293] : memref<1000000x16xf32, #tpu.memory_space<hbm>> -> memref<1000000x16xf32, #tpu.memory_space<hbm>>
      tpu.enqueue_indirect_dma source(%dma_start3A_294 : memref<1000000x16xf32, #tpu.memory_space<hbm>>) target(%dma_start3A_289 : memref<128x16xf32, #tpu.memory_space<vmem>>) offsets(%dma_start3A_291 : memref<128xi32, #tpu.memory_space<vmem>>) semaphore(%arg11 : memref<!tpu.dma_semaphore, #tpu.memory_space<semaphore_mem>>)
      %dma_start3A_295 = arith.constant 1152 : i32
      %dma_start3A_296 = arith.constant 0 : i32
      %dma_start3A_297 = tpu.memref_slice %arg8[%dma_start3A_295, %dma_start3A_296] : memref<3200x16xf32, #tpu.memory_space<vmem>> -> memref<128x16xf32, #tpu.memory_space<vmem>>
      %dma_start3A_298 = arith.constant 1152 : i32
      %dma_start3A_299 = tpu.memref_slice %arg6[%dma_start3A_298] : memref<3200xi32, #tpu.memory_space<vmem>> -> memref<128xi32, #tpu.memory_space<vmem>>
      %dma_start3A_300 = arith.constant 0 : i32
      %dma_start3A_301 = arith.constant 0 : i32
      %dma_start3A_302 = tpu.memref_slice %arg3[%dma_start3A_300, %dma_start3A_301] : memref<1000000x16xf32, #tpu.memory_space<hbm>> -> memref<1000000x16xf32, #tpu.memory_space<hbm>>
      tpu.enqueue_indirect_dma source(%dma_start3A_302 : memref<1000000x16xf32, #tpu.memory_space<hbm>>) target(%dma_start3A_297 : memref<128x16xf32, #tpu.memory_space<vmem>>) offsets(%dma_start3A_299 : memref<128xi32, #tpu.memory_space<vmem>>) semaphore(%arg11 : memref<!tpu.dma_semaphore, #tpu.memory_space<semaphore_mem>>)
      %dma_start3A_303 = arith.constant 1280 : i32
      %dma_start3A_304 = arith.constant 0 : i32
      %dma_start3A_305 = tpu.memref_slice %arg8[%dma_start3A_303, %dma_start3A_304] : memref<3200x16xf32, #tpu.memory_space<vmem>> -> memref<128x16xf32, #tpu.memory_space<vmem>>
      %dma_start3A_306 = arith.constant 1280 : i32
      %dma_start3A_307 = tpu.memref_slice %arg6[%dma_start3A_306] : memref<3200xi32, #tpu.memory_space<vmem>> -> memref<128xi32, #tpu.memory_space<vmem>>
      %dma_start3A_308 = arith.constant 0 : i32
      %dma_start3A_309 = arith.constant 0 : i32
      %dma_start3A_310 = tpu.memref_slice %arg3[%dma_start3A_308, %dma_start3A_309] : memref<1000000x16xf32, #tpu.memory_space<hbm>> -> memref<1000000x16xf32, #tpu.memory_space<hbm>>
      tpu.enqueue_indirect_dma source(%dma_start3A_310 : memref<1000000x16xf32, #tpu.memory_space<hbm>>) target(%dma_start3A_305 : memref<128x16xf32, #tpu.memory_space<vmem>>) offsets(%dma_start3A_307 : memref<128xi32, #tpu.memory_space<vmem>>) semaphore(%arg11 : memref<!tpu.dma_semaphore, #tpu.memory_space<semaphore_mem>>)
      %dma_start3A_311 = arith.constant 1408 : i32
      %dma_start3A_312 = arith.constant 0 : i32
      %dma_start3A_313 = tpu.memref_slice %arg8[%dma_start3A_311, %dma_start3A_312] : memref<3200x16xf32, #tpu.memory_space<vmem>> -> memref<128x16xf32, #tpu.memory_space<vmem>>
      %dma_start3A_314 = arith.constant 1408 : i32
      %dma_start3A_315 = tpu.memref_slice %arg6[%dma_start3A_314] : memref<3200xi32, #tpu.memory_space<vmem>> -> memref<128xi32, #tpu.memory_space<vmem>>
      %dma_start3A_316 = arith.constant 0 : i32
      %dma_start3A_317 = arith.constant 0 : i32
      %dma_start3A_318 = tpu.memref_slice %arg3[%dma_start3A_316, %dma_start3A_317] : memref<1000000x16xf32, #tpu.memory_space<hbm>> -> memref<1000000x16xf32, #tpu.memory_space<hbm>>
      tpu.enqueue_indirect_dma source(%dma_start3A_318 : memref<1000000x16xf32, #tpu.memory_space<hbm>>) target(%dma_start3A_313 : memref<128x16xf32, #tpu.memory_space<vmem>>) offsets(%dma_start3A_315 : memref<128xi32, #tpu.memory_space<vmem>>) semaphore(%arg11 : memref<!tpu.dma_semaphore, #tpu.memory_space<semaphore_mem>>)
      %dma_start3A_319 = arith.constant 1536 : i32
      %dma_start3A_320 = arith.constant 0 : i32
      %dma_start3A_321 = tpu.memref_slice %arg8[%dma_start3A_319, %dma_start3A_320] : memref<3200x16xf32, #tpu.memory_space<vmem>> -> memref<128x16xf32, #tpu.memory_space<vmem>>
      %dma_start3A_322 = arith.constant 1536 : i32
      %dma_start3A_323 = tpu.memref_slice %arg6[%dma_start3A_322] : memref<3200xi32, #tpu.memory_space<vmem>> -> memref<128xi32, #tpu.memory_space<vmem>>
      %dma_start3A_324 = arith.constant 0 : i32
      %dma_start3A_325 = arith.constant 0 : i32
      %dma_start3A_326 = tpu.memref_slice %arg3[%dma_start3A_324, %dma_start3A_325] : memref<1000000x16xf32, #tpu.memory_space<hbm>> -> memref<1000000x16xf32, #tpu.memory_space<hbm>>
      tpu.enqueue_indirect_dma source(%dma_start3A_326 : memref<1000000x16xf32, #tpu.memory_space<hbm>>) target(%dma_start3A_321 : memref<128x16xf32, #tpu.memory_space<vmem>>) offsets(%dma_start3A_323 : memref<128xi32, #tpu.memory_space<vmem>>) semaphore(%arg11 : memref<!tpu.dma_semaphore, #tpu.memory_space<semaphore_mem>>)
      %dma_start3A_327 = arith.constant 1664 : i32
      %dma_start3A_328 = arith.constant 0 : i32
      %dma_start3A_329 = tpu.memref_slice %arg8[%dma_start3A_327, %dma_start3A_328] : memref<3200x16xf32, #tpu.memory_space<vmem>> -> memref<128x16xf32, #tpu.memory_space<vmem>>
      %dma_start3A_330 = arith.constant 1664 : i32
      %dma_start3A_331 = tpu.memref_slice %arg6[%dma_start3A_330] : memref<3200xi32, #tpu.memory_space<vmem>> -> memref<128xi32, #tpu.memory_space<vmem>>
      %dma_start3A_332 = arith.constant 0 : i32
      %dma_start3A_333 = arith.constant 0 : i32
      %dma_start3A_334 = tpu.memref_slice %arg3[%dma_start3A_332, %dma_start3A_333] : memref<1000000x16xf32, #tpu.memory_space<hbm>> -> memref<1000000x16xf32, #tpu.memory_space<hbm>>
      tpu.enqueue_indirect_dma source(%dma_start3A_334 : memref<1000000x16xf32, #tpu.memory_space<hbm>>) target(%dma_start3A_329 : memref<128x16xf32, #tpu.memory_space<vmem>>) offsets(%dma_start3A_331 : memref<128xi32, #tpu.memory_space<vmem>>) semaphore(%arg11 : memref<!tpu.dma_semaphore, #tpu.memory_space<semaphore_mem>>)
      %dma_start3A_335 = arith.constant 1792 : i32
      %dma_start3A_336 = arith.constant 0 : i32
      %dma_start3A_337 = tpu.memref_slice %arg8[%dma_start3A_335, %dma_start3A_336] : memref<3200x16xf32, #tpu.memory_space<vmem>> -> memref<128x16xf32, #tpu.memory_space<vmem>>
      %dma_start3A_338 = arith.constant 1792 : i32
      %dma_start3A_339 = tpu.memref_slice %arg6[%dma_start3A_338] : memref<3200xi32, #tpu.memory_space<vmem>> -> memref<128xi32, #tpu.memory_space<vmem>>
      %dma_start3A_340 = arith.constant 0 : i32
      %dma_start3A_341 = arith.constant 0 : i32
      %dma_start3A_342 = tpu.memref_slice %arg3[%dma_start3A_340, %dma_start3A_341] : memref<1000000x16xf32, #tpu.memory_space<hbm>> -> memref<1000000x16xf32, #tpu.memory_space<hbm>>
      tpu.enqueue_indirect_dma source(%dma_start3A_342 : memref<1000000x16xf32, #tpu.memory_space<hbm>>) target(%dma_start3A_337 : memref<128x16xf32, #tpu.memory_space<vmem>>) offsets(%dma_start3A_339 : memref<128xi32, #tpu.memory_space<vmem>>) semaphore(%arg11 : memref<!tpu.dma_semaphore, #tpu.memory_space<semaphore_mem>>)
      %dma_start3A_343 = arith.constant 1920 : i32
      %dma_start3A_344 = arith.constant 0 : i32
      %dma_start3A_345 = tpu.memref_slice %arg8[%dma_start3A_343, %dma_start3A_344] : memref<3200x16xf32, #tpu.memory_space<vmem>> -> memref<128x16xf32, #tpu.memory_space<vmem>>
      %dma_start3A_346 = arith.constant 1920 : i32
      %dma_start3A_347 = tpu.memref_slice %arg6[%dma_start3A_346] : memref<3200xi32, #tpu.memory_space<vmem>> -> memref<128xi32, #tpu.memory_space<vmem>>
      %dma_start3A_348 = arith.constant 0 : i32
      %dma_start3A_349 = arith.constant 0 : i32
      %dma_start3A_350 = tpu.memref_slice %arg3[%dma_start3A_348, %dma_start3A_349] : memref<1000000x16xf32, #tpu.memory_space<hbm>> -> memref<1000000x16xf32, #tpu.memory_space<hbm>>
      tpu.enqueue_indirect_dma source(%dma_start3A_350 : memref<1000000x16xf32, #tpu.memory_space<hbm>>) target(%dma_start3A_345 : memref<128x16xf32, #tpu.memory_space<vmem>>) offsets(%dma_start3A_347 : memref<128xi32, #tpu.memory_space<vmem>>) semaphore(%arg11 : memref<!tpu.dma_semaphore, #tpu.memory_space<semaphore_mem>>)
      %dma_start3A_351 = arith.constant 2048 : i32
      %dma_start3A_352 = arith.constant 0 : i32
      %dma_start3A_353 = tpu.memref_slice %arg8[%dma_start3A_351, %dma_start3A_352] : memref<3200x16xf32, #tpu.memory_space<vmem>> -> memref<128x16xf32, #tpu.memory_space<vmem>>
      %dma_start3A_354 = arith.constant 2048 : i32
      %dma_start3A_355 = tpu.memref_slice %arg6[%dma_start3A_354] : memref<3200xi32, #tpu.memory_space<vmem>> -> memref<128xi32, #tpu.memory_space<vmem>>
      %dma_start3A_356 = arith.constant 0 : i32
      %dma_start3A_357 = arith.constant 0 : i32
      %dma_start3A_358 = tpu.memref_slice %arg3[%dma_start3A_356, %dma_start3A_357] : memref<1000000x16xf32, #tpu.memory_space<hbm>> -> memref<1000000x16xf32, #tpu.memory_space<hbm>>
      tpu.enqueue_indirect_dma source(%dma_start3A_358 : memref<1000000x16xf32, #tpu.memory_space<hbm>>) target(%dma_start3A_353 : memref<128x16xf32, #tpu.memory_space<vmem>>) offsets(%dma_start3A_355 : memref<128xi32, #tpu.memory_space<vmem>>) semaphore(%arg11 : memref<!tpu.dma_semaphore, #tpu.memory_space<semaphore_mem>>)
      %dma_start3A_359 = arith.constant 2176 : i32
      %dma_start3A_360 = arith.constant 0 : i32
      %dma_start3A_361 = tpu.memref_slice %arg8[%dma_start3A_359, %dma_start3A_360] : memref<3200x16xf32, #tpu.memory_space<vmem>> -> memref<128x16xf32, #tpu.memory_space<vmem>>
      %dma_start3A_362 = arith.constant 2176 : i32
      %dma_start3A_363 = tpu.memref_slice %arg6[%dma_start3A_362] : memref<3200xi32, #tpu.memory_space<vmem>> -> memref<128xi32, #tpu.memory_space<vmem>>
      %dma_start3A_364 = arith.constant 0 : i32
      %dma_start3A_365 = arith.constant 0 : i32
      %dma_start3A_366 = tpu.memref_slice %arg3[%dma_start3A_364, %dma_start3A_365] : memref<1000000x16xf32, #tpu.memory_space<hbm>> -> memref<1000000x16xf32, #tpu.memory_space<hbm>>
      tpu.enqueue_indirect_dma source(%dma_start3A_366 : memref<1000000x16xf32, #tpu.memory_space<hbm>>) target(%dma_start3A_361 : memref<128x16xf32, #tpu.memory_space<vmem>>) offsets(%dma_start3A_363 : memref<128xi32, #tpu.memory_space<vmem>>) semaphore(%arg11 : memref<!tpu.dma_semaphore, #tpu.memory_space<semaphore_mem>>)
      %dma_start3A_367 = arith.constant 2304 : i32
      %dma_start3A_368 = arith.constant 0 : i32
      %dma_start3A_369 = tpu.memref_slice %arg8[%dma_start3A_367, %dma_start3A_368] : memref<3200x16xf32, #tpu.memory_space<vmem>> -> memref<128x16xf32, #tpu.memory_space<vmem>>
      %dma_start3A_370 = arith.constant 2304 : i32
      %dma_start3A_371 = tpu.memref_slice %arg6[%dma_start3A_370] : memref<3200xi32, #tpu.memory_space<vmem>> -> memref<128xi32, #tpu.memory_space<vmem>>
      %dma_start3A_372 = arith.constant 0 : i32
      %dma_start3A_373 = arith.constant 0 : i32
      %dma_start3A_374 = tpu.memref_slice %arg3[%dma_start3A_372, %dma_start3A_373] : memref<1000000x16xf32, #tpu.memory_space<hbm>> -> memref<1000000x16xf32, #tpu.memory_space<hbm>>
      tpu.enqueue_indirect_dma source(%dma_start3A_374 : memref<1000000x16xf32, #tpu.memory_space<hbm>>) target(%dma_start3A_369 : memref<128x16xf32, #tpu.memory_space<vmem>>) offsets(%dma_start3A_371 : memref<128xi32, #tpu.memory_space<vmem>>) semaphore(%arg11 : memref<!tpu.dma_semaphore, #tpu.memory_space<semaphore_mem>>)
      %dma_start3A_375 = arith.constant 2432 : i32
      %dma_start3A_376 = arith.constant 0 : i32
      %dma_start3A_377 = tpu.memref_slice %arg8[%dma_start3A_375, %dma_start3A_376] : memref<3200x16xf32, #tpu.memory_space<vmem>> -> memref<128x16xf32, #tpu.memory_space<vmem>>
      %dma_start3A_378 = arith.constant 2432 : i32
      %dma_start3A_379 = tpu.memref_slice %arg6[%dma_start3A_378] : memref<3200xi32, #tpu.memory_space<vmem>> -> memref<128xi32, #tpu.memory_space<vmem>>
      %dma_start3A_380 = arith.constant 0 : i32
      %dma_start3A_381 = arith.constant 0 : i32
      %dma_start3A_382 = tpu.memref_slice %arg3[%dma_start3A_380, %dma_start3A_381] : memref<1000000x16xf32, #tpu.memory_space<hbm>> -> memref<1000000x16xf32, #tpu.memory_space<hbm>>
      tpu.enqueue_indirect_dma source(%dma_start3A_382 : memref<1000000x16xf32, #tpu.memory_space<hbm>>) target(%dma_start3A_377 : memref<128x16xf32, #tpu.memory_space<vmem>>) offsets(%dma_start3A_379 : memref<128xi32, #tpu.memory_space<vmem>>) semaphore(%arg11 : memref<!tpu.dma_semaphore, #tpu.memory_space<semaphore_mem>>)
      %dma_start3A_383 = arith.constant 2560 : i32
      %dma_start3A_384 = arith.constant 0 : i32
      %dma_start3A_385 = tpu.memref_slice %arg8[%dma_start3A_383, %dma_start3A_384] : memref<3200x16xf32, #tpu.memory_space<vmem>> -> memref<128x16xf32, #tpu.memory_space<vmem>>
      %dma_start3A_386 = arith.constant 2560 : i32
      %dma_start3A_387 = tpu.memref_slice %arg6[%dma_start3A_386] : memref<3200xi32, #tpu.memory_space<vmem>> -> memref<128xi32, #tpu.memory_space<vmem>>
      %dma_start3A_388 = arith.constant 0 : i32
      %dma_start3A_389 = arith.constant 0 : i32
      %dma_start3A_390 = tpu.memref_slice %arg3[%dma_start3A_388, %dma_start3A_389] : memref<1000000x16xf32, #tpu.memory_space<hbm>> -> memref<1000000x16xf32, #tpu.memory_space<hbm>>
      tpu.enqueue_indirect_dma source(%dma_start3A_390 : memref<1000000x16xf32, #tpu.memory_space<hbm>>) target(%dma_start3A_385 : memref<128x16xf32, #tpu.memory_space<vmem>>) offsets(%dma_start3A_387 : memref<128xi32, #tpu.memory_space<vmem>>) semaphore(%arg11 : memref<!tpu.dma_semaphore, #tpu.memory_space<semaphore_mem>>)
      %dma_start3A_391 = arith.constant 2688 : i32
      %dma_start3A_392 = arith.constant 0 : i32
      %dma_start3A_393 = tpu.memref_slice %arg8[%dma_start3A_391, %dma_start3A_392] : memref<3200x16xf32, #tpu.memory_space<vmem>> -> memref<128x16xf32, #tpu.memory_space<vmem>>
      %dma_start3A_394 = arith.constant 2688 : i32
      %dma_start3A_395 = tpu.memref_slice %arg6[%dma_start3A_394] : memref<3200xi32, #tpu.memory_space<vmem>> -> memref<128xi32, #tpu.memory_space<vmem>>
      %dma_start3A_396 = arith.constant 0 : i32
      %dma_start3A_397 = arith.constant 0 : i32
      %dma_start3A_398 = tpu.memref_slice %arg3[%dma_start3A_396, %dma_start3A_397] : memref<1000000x16xf32, #tpu.memory_space<hbm>> -> memref<1000000x16xf32, #tpu.memory_space<hbm>>
      tpu.enqueue_indirect_dma source(%dma_start3A_398 : memref<1000000x16xf32, #tpu.memory_space<hbm>>) target(%dma_start3A_393 : memref<128x16xf32, #tpu.memory_space<vmem>>) offsets(%dma_start3A_395 : memref<128xi32, #tpu.memory_space<vmem>>) semaphore(%arg11 : memref<!tpu.dma_semaphore, #tpu.memory_space<semaphore_mem>>)
      %dma_start3A_399 = arith.constant 2816 : i32
      %dma_start3A_400 = arith.constant 0 : i32
      %dma_start3A_401 = tpu.memref_slice %arg8[%dma_start3A_399, %dma_start3A_400] : memref<3200x16xf32, #tpu.memory_space<vmem>> -> memref<128x16xf32, #tpu.memory_space<vmem>>
      %dma_start3A_402 = arith.constant 2816 : i32
      %dma_start3A_403 = tpu.memref_slice %arg6[%dma_start3A_402] : memref<3200xi32, #tpu.memory_space<vmem>> -> memref<128xi32, #tpu.memory_space<vmem>>
      %dma_start3A_404 = arith.constant 0 : i32
      %dma_start3A_405 = arith.constant 0 : i32
      %dma_start3A_406 = tpu.memref_slice %arg3[%dma_start3A_404, %dma_start3A_405] : memref<1000000x16xf32, #tpu.memory_space<hbm>> -> memref<1000000x16xf32, #tpu.memory_space<hbm>>
      tpu.enqueue_indirect_dma source(%dma_start3A_406 : memref<1000000x16xf32, #tpu.memory_space<hbm>>) target(%dma_start3A_401 : memref<128x16xf32, #tpu.memory_space<vmem>>) offsets(%dma_start3A_403 : memref<128xi32, #tpu.memory_space<vmem>>) semaphore(%arg11 : memref<!tpu.dma_semaphore, #tpu.memory_space<semaphore_mem>>)
      %dma_start3A_407 = arith.constant 2944 : i32
      %dma_start3A_408 = arith.constant 0 : i32
      %dma_start3A_409 = tpu.memref_slice %arg8[%dma_start3A_407, %dma_start3A_408] : memref<3200x16xf32, #tpu.memory_space<vmem>> -> memref<128x16xf32, #tpu.memory_space<vmem>>
      %dma_start3A_410 = arith.constant 2944 : i32
      %dma_start3A_411 = tpu.memref_slice %arg6[%dma_start3A_410] : memref<3200xi32, #tpu.memory_space<vmem>> -> memref<128xi32, #tpu.memory_space<vmem>>
      %dma_start3A_412 = arith.constant 0 : i32
      %dma_start3A_413 = arith.constant 0 : i32
      %dma_start3A_414 = tpu.memref_slice %arg3[%dma_start3A_412, %dma_start3A_413] : memref<1000000x16xf32, #tpu.memory_space<hbm>> -> memref<1000000x16xf32, #tpu.memory_space<hbm>>
      tpu.enqueue_indirect_dma source(%dma_start3A_414 : memref<1000000x16xf32, #tpu.memory_space<hbm>>) target(%dma_start3A_409 : memref<128x16xf32, #tpu.memory_space<vmem>>) offsets(%dma_start3A_411 : memref<128xi32, #tpu.memory_space<vmem>>) semaphore(%arg11 : memref<!tpu.dma_semaphore, #tpu.memory_space<semaphore_mem>>)
      %dma_start3A_415 = arith.constant 3072 : i32
      %dma_start3A_416 = arith.constant 0 : i32
      %dma_start3A_417 = tpu.memref_slice %arg8[%dma_start3A_415, %dma_start3A_416] : memref<3200x16xf32, #tpu.memory_space<vmem>> -> memref<128x16xf32, #tpu.memory_space<vmem>>
      %dma_start3A_418 = arith.constant 3072 : i32
      %dma_start3A_419 = tpu.memref_slice %arg6[%dma_start3A_418] : memref<3200xi32, #tpu.memory_space<vmem>> -> memref<128xi32, #tpu.memory_space<vmem>>
      %dma_start3A_420 = arith.constant 0 : i32
      %dma_start3A_421 = arith.constant 0 : i32
      %dma_start3A_422 = tpu.memref_slice %arg3[%dma_start3A_420, %dma_start3A_421] : memref<1000000x16xf32, #tpu.memory_space<hbm>> -> memref<1000000x16xf32, #tpu.memory_space<hbm>>
      tpu.enqueue_indirect_dma source(%dma_start3A_422 : memref<1000000x16xf32, #tpu.memory_space<hbm>>) target(%dma_start3A_417 : memref<128x16xf32, #tpu.memory_space<vmem>>) offsets(%dma_start3A_419 : memref<128xi32, #tpu.memory_space<vmem>>) semaphore(%arg11 : memref<!tpu.dma_semaphore, #tpu.memory_space<semaphore_mem>>)
      %mul3A_423 = arith.constant 512 : i32
      %mul3A_424 = arith.muli %add3A, %mul3A_423 : i32
      %mul3A_425 = arith.constant 16 : i32
      %mul3A_426 = arith.muli %mul3A_213, %mul3A_425 : i32
      %add3A_427 = arith.addi %mul3A_424, %mul3A_426 : i32
      %dma_wait3A = arith.constant 0 : i32
      %dma_wait3A_428 = arith.constant 0 : i32
      %dma_wait3A_429 = tpu.memref_slice %arg7[%dma_wait3A, %dma_wait3A_428] : memref<3200x16xf32, #tpu.memory_space<vmem>> -> memref<128x16xf32, #tpu.memory_space<vmem>>
      %dma_wait3A_430 = arith.constant 0 : i32
      %dma_wait3A_431 = tpu.memref_slice %arg5[%dma_wait3A_430] : memref<3200xi32, #tpu.memory_space<vmem>> -> memref<128xi32, #tpu.memory_space<vmem>>
      %dma_wait3A_432 = arith.constant 0 : i32
      %dma_wait3A_433 = arith.constant 0 : i32
      %dma_wait3A_434 = tpu.memref_slice %arg3[%dma_wait3A_432, %dma_wait3A_433] : memref<1000000x16xf32, #tpu.memory_space<hbm>> -> memref<1000000x16xf32, #tpu.memory_space<hbm>>
      tpu.wait_indirect_dma semaphore(%arg10 : memref<!tpu.dma_semaphore, #tpu.memory_space<semaphore_mem>>) src(%dma_wait3A_434 : memref<1000000x16xf32, #tpu.memory_space<hbm>>) dst(%dma_wait3A_429 : memref<128x16xf32, #tpu.memory_space<vmem>>)
      %dma_wait3A_435 = arith.constant 128 : i32
      %dma_wait3A_436 = arith.constant 0 : i32
      %dma_wait3A_437 = tpu.memref_slice %arg7[%dma_wait3A_435, %dma_wait3A_436] : memref<3200x16xf32, #tpu.memory_space<vmem>> -> memref<128x16xf32, #tpu.memory_space<vmem>>
      %dma_wait3A_438 = arith.constant 128 : i32
      %dma_wait3A_439 = tpu.memref_slice %arg5[%dma_wait3A_438] : memref<3200xi32, #tpu.memory_space<vmem>> -> memref<128xi32, #tpu.memory_space<vmem>>
      %dma_wait3A_440 = arith.constant 0 : i32
      %dma_wait3A_441 = arith.constant 0 : i32
      %dma_wait3A_442 = tpu.memref_slice %arg3[%dma_wait3A_440, %dma_wait3A_441] : memref<1000000x16xf32, #tpu.memory_space<hbm>> -> memref<1000000x16xf32, #tpu.memory_space<hbm>>
      tpu.wait_indirect_dma semaphore(%arg10 : memref<!tpu.dma_semaphore, #tpu.memory_space<semaphore_mem>>) src(%dma_wait3A_442 : memref<1000000x16xf32, #tpu.memory_space<hbm>>) dst(%dma_wait3A_437 : memref<128x16xf32, #tpu.memory_space<vmem>>)
      %dma_wait3A_443 = arith.constant 256 : i32
      %dma_wait3A_444 = arith.constant 0 : i32
      %dma_wait3A_445 = tpu.memref_slice %arg7[%dma_wait3A_443, %dma_wait3A_444] : memref<3200x16xf32, #tpu.memory_space<vmem>> -> memref<128x16xf32, #tpu.memory_space<vmem>>
      %dma_wait3A_446 = arith.constant 256 : i32
      %dma_wait3A_447 = tpu.memref_slice %arg5[%dma_wait3A_446] : memref<3200xi32, #tpu.memory_space<vmem>> -> memref<128xi32, #tpu.memory_space<vmem>>
      %dma_wait3A_448 = arith.constant 0 : i32
      %dma_wait3A_449 = arith.constant 0 : i32
      %dma_wait3A_450 = tpu.memref_slice %arg3[%dma_wait3A_448, %dma_wait3A_449] : memref<1000000x16xf32, #tpu.memory_space<hbm>> -> memref<1000000x16xf32, #tpu.memory_space<hbm>>
      tpu.wait_indirect_dma semaphore(%arg10 : memref<!tpu.dma_semaphore, #tpu.memory_space<semaphore_mem>>) src(%dma_wait3A_450 : memref<1000000x16xf32, #tpu.memory_space<hbm>>) dst(%dma_wait3A_445 : memref<128x16xf32, #tpu.memory_space<vmem>>)
      %dma_wait3A_451 = arith.constant 384 : i32
      %dma_wait3A_452 = arith.constant 0 : i32
      %dma_wait3A_453 = tpu.memref_slice %arg7[%dma_wait3A_451, %dma_wait3A_452] : memref<3200x16xf32, #tpu.memory_space<vmem>> -> memref<128x16xf32, #tpu.memory_space<vmem>>
      %dma_wait3A_454 = arith.constant 384 : i32
      %dma_wait3A_455 = tpu.memref_slice %arg5[%dma_wait3A_454] : memref<3200xi32, #tpu.memory_space<vmem>> -> memref<128xi32, #tpu.memory_space<vmem>>
      %dma_wait3A_456 = arith.constant 0 : i32
      %dma_wait3A_457 = arith.constant 0 : i32
      %dma_wait3A_458 = tpu.memref_slice %arg3[%dma_wait3A_456, %dma_wait3A_457] : memref<1000000x16xf32, #tpu.memory_space<hbm>> -> memref<1000000x16xf32, #tpu.memory_space<hbm>>
      tpu.wait_indirect_dma semaphore(%arg10 : memref<!tpu.dma_semaphore, #tpu.memory_space<semaphore_mem>>) src(%dma_wait3A_458 : memref<1000000x16xf32, #tpu.memory_space<hbm>>) dst(%dma_wait3A_453 : memref<128x16xf32, #tpu.memory_space<vmem>>)
      %dma_wait3A_459 = arith.constant 512 : i32
      %dma_wait3A_460 = arith.constant 0 : i32
      %dma_wait3A_461 = tpu.memref_slice %arg7[%dma_wait3A_459, %dma_wait3A_460] : memref<3200x16xf32, #tpu.memory_space<vmem>> -> memref<128x16xf32, #tpu.memory_space<vmem>>
      %dma_wait3A_462 = arith.constant 512 : i32
      %dma_wait3A_463 = tpu.memref_slice %arg5[%dma_wait3A_462] : memref<3200xi32, #tpu.memory_space<vmem>> -> memref<128xi32, #tpu.memory_space<vmem>>
      %dma_wait3A_464 = arith.constant 0 : i32
      %dma_wait3A_465 = arith.constant 0 : i32
      %dma_wait3A_466 = tpu.memref_slice %arg3[%dma_wait3A_464, %dma_wait3A_465] : memref<1000000x16xf32, #tpu.memory_space<hbm>> -> memref<1000000x16xf32, #tpu.memory_space<hbm>>
      tpu.wait_indirect_dma semaphore(%arg10 : memref<!tpu.dma_semaphore, #tpu.memory_space<semaphore_mem>>) src(%dma_wait3A_466 : memref<1000000x16xf32, #tpu.memory_space<hbm>>) dst(%dma_wait3A_461 : memref<128x16xf32, #tpu.memory_space<vmem>>)
      %dma_wait3A_467 = arith.constant 640 : i32
      %dma_wait3A_468 = arith.constant 0 : i32
      %dma_wait3A_469 = tpu.memref_slice %arg7[%dma_wait3A_467, %dma_wait3A_468] : memref<3200x16xf32, #tpu.memory_space<vmem>> -> memref<128x16xf32, #tpu.memory_space<vmem>>
      %dma_wait3A_470 = arith.constant 640 : i32
      %dma_wait3A_471 = tpu.memref_slice %arg5[%dma_wait3A_470] : memref<3200xi32, #tpu.memory_space<vmem>> -> memref<128xi32, #tpu.memory_space<vmem>>
      %dma_wait3A_472 = arith.constant 0 : i32
      %dma_wait3A_473 = arith.constant 0 : i32
      %dma_wait3A_474 = tpu.memref_slice %arg3[%dma_wait3A_472, %dma_wait3A_473] : memref<1000000x16xf32, #tpu.memory_space<hbm>> -> memref<1000000x16xf32, #tpu.memory_space<hbm>>
      tpu.wait_indirect_dma semaphore(%arg10 : memref<!tpu.dma_semaphore, #tpu.memory_space<semaphore_mem>>) src(%dma_wait3A_474 : memref<1000000x16xf32, #tpu.memory_space<hbm>>) dst(%dma_wait3A_469 : memref<128x16xf32, #tpu.memory_space<vmem>>)
      %dma_wait3A_475 = arith.constant 768 : i32
      %dma_wait3A_476 = arith.constant 0 : i32
      %dma_wait3A_477 = tpu.memref_slice %arg7[%dma_wait3A_475, %dma_wait3A_476] : memref<3200x16xf32, #tpu.memory_space<vmem>> -> memref<128x16xf32, #tpu.memory_space<vmem>>
      %dma_wait3A_478 = arith.constant 768 : i32
      %dma_wait3A_479 = tpu.memref_slice %arg5[%dma_wait3A_478] : memref<3200xi32, #tpu.memory_space<vmem>> -> memref<128xi32, #tpu.memory_space<vmem>>
      %dma_wait3A_480 = arith.constant 0 : i32
      %dma_wait3A_481 = arith.constant 0 : i32
      %dma_wait3A_482 = tpu.memref_slice %arg3[%dma_wait3A_480, %dma_wait3A_481] : memref<1000000x16xf32, #tpu.memory_space<hbm>> -> memref<1000000x16xf32, #tpu.memory_space<hbm>>
      tpu.wait_indirect_dma semaphore(%arg10 : memref<!tpu.dma_semaphore, #tpu.memory_space<semaphore_mem>>) src(%dma_wait3A_482 : memref<1000000x16xf32, #tpu.memory_space<hbm>>) dst(%dma_wait3A_477 : memref<128x16xf32, #tpu.memory_space<vmem>>)
      %dma_wait3A_483 = arith.constant 896 : i32
      %dma_wait3A_484 = arith.constant 0 : i32
      %dma_wait3A_485 = tpu.memref_slice %arg7[%dma_wait3A_483, %dma_wait3A_484] : memref<3200x16xf32, #tpu.memory_space<vmem>> -> memref<128x16xf32, #tpu.memory_space<vmem>>
      %dma_wait3A_486 = arith.constant 896 : i32
      %dma_wait3A_487 = tpu.memref_slice %arg5[%dma_wait3A_486] : memref<3200xi32, #tpu.memory_space<vmem>> -> memref<128xi32, #tpu.memory_space<vmem>>
      %dma_wait3A_488 = arith.constant 0 : i32
      %dma_wait3A_489 = arith.constant 0 : i32
      %dma_wait3A_490 = tpu.memref_slice %arg3[%dma_wait3A_488, %dma_wait3A_489] : memref<1000000x16xf32, #tpu.memory_space<hbm>> -> memref<1000000x16xf32, #tpu.memory_space<hbm>>
      tpu.wait_indirect_dma semaphore(%arg10 : memref<!tpu.dma_semaphore, #tpu.memory_space<semaphore_mem>>) src(%dma_wait3A_490 : memref<1000000x16xf32, #tpu.memory_space<hbm>>) dst(%dma_wait3A_485 : memref<128x16xf32, #tpu.memory_space<vmem>>)
      %dma_wait3A_491 = arith.constant 1024 : i32
      %dma_wait3A_492 = arith.constant 0 : i32
      %dma_wait3A_493 = tpu.memref_slice %arg7[%dma_wait3A_491, %dma_wait3A_492] : memref<3200x16xf32, #tpu.memory_space<vmem>> -> memref<128x16xf32, #tpu.memory_space<vmem>>
      %dma_wait3A_494 = arith.constant 1024 : i32
      %dma_wait3A_495 = tpu.memref_slice %arg5[%dma_wait3A_494] : memref<3200xi32, #tpu.memory_space<vmem>> -> memref<128xi32, #tpu.memory_space<vmem>>
      %dma_wait3A_496 = arith.constant 0 : i32
      %dma_wait3A_497 = arith.constant 0 : i32
      %dma_wait3A_498 = tpu.memref_slice %arg3[%dma_wait3A_496, %dma_wait3A_497] : memref<1000000x16xf32, #tpu.memory_space<hbm>> -> memref<1000000x16xf32, #tpu.memory_space<hbm>>
      tpu.wait_indirect_dma semaphore(%arg10 : memref<!tpu.dma_semaphore, #tpu.memory_space<semaphore_mem>>) src(%dma_wait3A_498 : memref<1000000x16xf32, #tpu.memory_space<hbm>>) dst(%dma_wait3A_493 : memref<128x16xf32, #tpu.memory_space<vmem>>)
      %dma_wait3A_499 = arith.constant 1152 : i32
      %dma_wait3A_500 = arith.constant 0 : i32
      %dma_wait3A_501 = tpu.memref_slice %arg7[%dma_wait3A_499, %dma_wait3A_500] : memref<3200x16xf32, #tpu.memory_space<vmem>> -> memref<128x16xf32, #tpu.memory_space<vmem>>
      %dma_wait3A_502 = arith.constant 1152 : i32
      %dma_wait3A_503 = tpu.memref_slice %arg5[%dma_wait3A_502] : memref<3200xi32, #tpu.memory_space<vmem>> -> memref<128xi32, #tpu.memory_space<vmem>>
      %dma_wait3A_504 = arith.constant 0 : i32
      %dma_wait3A_505 = arith.constant 0 : i32
      %dma_wait3A_506 = tpu.memref_slice %arg3[%dma_wait3A_504, %dma_wait3A_505] : memref<1000000x16xf32, #tpu.memory_space<hbm>> -> memref<1000000x16xf32, #tpu.memory_space<hbm>>
      tpu.wait_indirect_dma semaphore(%arg10 : memref<!tpu.dma_semaphore, #tpu.memory_space<semaphore_mem>>) src(%dma_wait3A_506 : memref<1000000x16xf32, #tpu.memory_space<hbm>>) dst(%dma_wait3A_501 : memref<128x16xf32, #tpu.memory_space<vmem>>)
      %dma_wait3A_507 = arith.constant 1280 : i32
      %dma_wait3A_508 = arith.constant 0 : i32
      %dma_wait3A_509 = tpu.memref_slice %arg7[%dma_wait3A_507, %dma_wait3A_508] : memref<3200x16xf32, #tpu.memory_space<vmem>> -> memref<128x16xf32, #tpu.memory_space<vmem>>
      %dma_wait3A_510 = arith.constant 1280 : i32
      %dma_wait3A_511 = tpu.memref_slice %arg5[%dma_wait3A_510] : memref<3200xi32, #tpu.memory_space<vmem>> -> memref<128xi32, #tpu.memory_space<vmem>>
      %dma_wait3A_512 = arith.constant 0 : i32
      %dma_wait3A_513 = arith.constant 0 : i32
      %dma_wait3A_514 = tpu.memref_slice %arg3[%dma_wait3A_512, %dma_wait3A_513] : memref<1000000x16xf32, #tpu.memory_space<hbm>> -> memref<1000000x16xf32, #tpu.memory_space<hbm>>
      tpu.wait_indirect_dma semaphore(%arg10 : memref<!tpu.dma_semaphore, #tpu.memory_space<semaphore_mem>>) src(%dma_wait3A_514 : memref<1000000x16xf32, #tpu.memory_space<hbm>>) dst(%dma_wait3A_509 : memref<128x16xf32, #tpu.memory_space<vmem>>)
      %dma_wait3A_515 = arith.constant 1408 : i32
      %dma_wait3A_516 = arith.constant 0 : i32
      %dma_wait3A_517 = tpu.memref_slice %arg7[%dma_wait3A_515, %dma_wait3A_516] : memref<3200x16xf32, #tpu.memory_space<vmem>> -> memref<128x16xf32, #tpu.memory_space<vmem>>
      %dma_wait3A_518 = arith.constant 1408 : i32
      %dma_wait3A_519 = tpu.memref_slice %arg5[%dma_wait3A_518] : memref<3200xi32, #tpu.memory_space<vmem>> -> memref<128xi32, #tpu.memory_space<vmem>>
      %dma_wait3A_520 = arith.constant 0 : i32
      %dma_wait3A_521 = arith.constant 0 : i32
      %dma_wait3A_522 = tpu.memref_slice %arg3[%dma_wait3A_520, %dma_wait3A_521] : memref<1000000x16xf32, #tpu.memory_space<hbm>> -> memref<1000000x16xf32, #tpu.memory_space<hbm>>
      tpu.wait_indirect_dma semaphore(%arg10 : memref<!tpu.dma_semaphore, #tpu.memory_space<semaphore_mem>>) src(%dma_wait3A_522 : memref<1000000x16xf32, #tpu.memory_space<hbm>>) dst(%dma_wait3A_517 : memref<128x16xf32, #tpu.memory_space<vmem>>)
      %dma_wait3A_523 = arith.constant 1536 : i32
      %dma_wait3A_524 = arith.constant 0 : i32
      %dma_wait3A_525 = tpu.memref_slice %arg7[%dma_wait3A_523, %dma_wait3A_524] : memref<3200x16xf32, #tpu.memory_space<vmem>> -> memref<128x16xf32, #tpu.memory_space<vmem>>
      %dma_wait3A_526 = arith.constant 1536 : i32
      %dma_wait3A_527 = tpu.memref_slice %arg5[%dma_wait3A_526] : memref<3200xi32, #tpu.memory_space<vmem>> -> memref<128xi32, #tpu.memory_space<vmem>>
      %dma_wait3A_528 = arith.constant 0 : i32
      %dma_wait3A_529 = arith.constant 0 : i32
      %dma_wait3A_530 = tpu.memref_slice %arg3[%dma_wait3A_528, %dma_wait3A_529] : memref<1000000x16xf32, #tpu.memory_space<hbm>> -> memref<1000000x16xf32, #tpu.memory_space<hbm>>
      tpu.wait_indirect_dma semaphore(%arg10 : memref<!tpu.dma_semaphore, #tpu.memory_space<semaphore_mem>>) src(%dma_wait3A_530 : memref<1000000x16xf32, #tpu.memory_space<hbm>>) dst(%dma_wait3A_525 : memref<128x16xf32, #tpu.memory_space<vmem>>)
      %dma_wait3A_531 = arith.constant 1664 : i32
      %dma_wait3A_532 = arith.constant 0 : i32
      %dma_wait3A_533 = tpu.memref_slice %arg7[%dma_wait3A_531, %dma_wait3A_532] : memref<3200x16xf32, #tpu.memory_space<vmem>> -> memref<128x16xf32, #tpu.memory_space<vmem>>
      %dma_wait3A_534 = arith.constant 1664 : i32
      %dma_wait3A_535 = tpu.memref_slice %arg5[%dma_wait3A_534] : memref<3200xi32, #tpu.memory_space<vmem>> -> memref<128xi32, #tpu.memory_space<vmem>>
      %dma_wait3A_536 = arith.constant 0 : i32
      %dma_wait3A_537 = arith.constant 0 : i32
      %dma_wait3A_538 = tpu.memref_slice %arg3[%dma_wait3A_536, %dma_wait3A_537] : memref<1000000x16xf32, #tpu.memory_space<hbm>> -> memref<1000000x16xf32, #tpu.memory_space<hbm>>
      tpu.wait_indirect_dma semaphore(%arg10 : memref<!tpu.dma_semaphore, #tpu.memory_space<semaphore_mem>>) src(%dma_wait3A_538 : memref<1000000x16xf32, #tpu.memory_space<hbm>>) dst(%dma_wait3A_533 : memref<128x16xf32, #tpu.memory_space<vmem>>)
      %dma_wait3A_539 = arith.constant 1792 : i32
      %dma_wait3A_540 = arith.constant 0 : i32
      %dma_wait3A_541 = tpu.memref_slice %arg7[%dma_wait3A_539, %dma_wait3A_540] : memref<3200x16xf32, #tpu.memory_space<vmem>> -> memref<128x16xf32, #tpu.memory_space<vmem>>
      %dma_wait3A_542 = arith.constant 1792 : i32
      %dma_wait3A_543 = tpu.memref_slice %arg5[%dma_wait3A_542] : memref<3200xi32, #tpu.memory_space<vmem>> -> memref<128xi32, #tpu.memory_space<vmem>>
      %dma_wait3A_544 = arith.constant 0 : i32
      %dma_wait3A_545 = arith.constant 0 : i32
      %dma_wait3A_546 = tpu.memref_slice %arg3[%dma_wait3A_544, %dma_wait3A_545] : memref<1000000x16xf32, #tpu.memory_space<hbm>> -> memref<1000000x16xf32, #tpu.memory_space<hbm>>
      tpu.wait_indirect_dma semaphore(%arg10 : memref<!tpu.dma_semaphore, #tpu.memory_space<semaphore_mem>>) src(%dma_wait3A_546 : memref<1000000x16xf32, #tpu.memory_space<hbm>>) dst(%dma_wait3A_541 : memref<128x16xf32, #tpu.memory_space<vmem>>)
      %dma_wait3A_547 = arith.constant 1920 : i32
      %dma_wait3A_548 = arith.constant 0 : i32
      %dma_wait3A_549 = tpu.memref_slice %arg7[%dma_wait3A_547, %dma_wait3A_548] : memref<3200x16xf32, #tpu.memory_space<vmem>> -> memref<128x16xf32, #tpu.memory_space<vmem>>
      %dma_wait3A_550 = arith.constant 1920 : i32
      %dma_wait3A_551 = tpu.memref_slice %arg5[%dma_wait3A_550] : memref<3200xi32, #tpu.memory_space<vmem>> -> memref<128xi32, #tpu.memory_space<vmem>>
      %dma_wait3A_552 = arith.constant 0 : i32
      %dma_wait3A_553 = arith.constant 0 : i32
      %dma_wait3A_554 = tpu.memref_slice %arg3[%dma_wait3A_552, %dma_wait3A_553] : memref<1000000x16xf32, #tpu.memory_space<hbm>> -> memref<1000000x16xf32, #tpu.memory_space<hbm>>
      tpu.wait_indirect_dma semaphore(%arg10 : memref<!tpu.dma_semaphore, #tpu.memory_space<semaphore_mem>>) src(%dma_wait3A_554 : memref<1000000x16xf32, #tpu.memory_space<hbm>>) dst(%dma_wait3A_549 : memref<128x16xf32, #tpu.memory_space<vmem>>)
      %dma_wait3A_555 = arith.constant 2048 : i32
      %dma_wait3A_556 = arith.constant 0 : i32
      %dma_wait3A_557 = tpu.memref_slice %arg7[%dma_wait3A_555, %dma_wait3A_556] : memref<3200x16xf32, #tpu.memory_space<vmem>> -> memref<128x16xf32, #tpu.memory_space<vmem>>
      %dma_wait3A_558 = arith.constant 2048 : i32
      %dma_wait3A_559 = tpu.memref_slice %arg5[%dma_wait3A_558] : memref<3200xi32, #tpu.memory_space<vmem>> -> memref<128xi32, #tpu.memory_space<vmem>>
      %dma_wait3A_560 = arith.constant 0 : i32
      %dma_wait3A_561 = arith.constant 0 : i32
      %dma_wait3A_562 = tpu.memref_slice %arg3[%dma_wait3A_560, %dma_wait3A_561] : memref<1000000x16xf32, #tpu.memory_space<hbm>> -> memref<1000000x16xf32, #tpu.memory_space<hbm>>
      tpu.wait_indirect_dma semaphore(%arg10 : memref<!tpu.dma_semaphore, #tpu.memory_space<semaphore_mem>>) src(%dma_wait3A_562 : memref<1000000x16xf32, #tpu.memory_space<hbm>>) dst(%dma_wait3A_557 : memref<128x16xf32, #tpu.memory_space<vmem>>)
      %dma_wait3A_563 = arith.constant 2176 : i32
      %dma_wait3A_564 = arith.constant 0 : i32
      %dma_wait3A_565 = tpu.memref_slice %arg7[%dma_wait3A_563, %dma_wait3A_564] : memref<3200x16xf32, #tpu.memory_space<vmem>> -> memref<128x16xf32, #tpu.memory_space<vmem>>
      %dma_wait3A_566 = arith.constant 2176 : i32
      %dma_wait3A_567 = tpu.memref_slice %arg5[%dma_wait3A_566] : memref<3200xi32, #tpu.memory_space<vmem>> -> memref<128xi32, #tpu.memory_space<vmem>>
      %dma_wait3A_568 = arith.constant 0 : i32
      %dma_wait3A_569 = arith.constant 0 : i32
      %dma_wait3A_570 = tpu.memref_slice %arg3[%dma_wait3A_568, %dma_wait3A_569] : memref<1000000x16xf32, #tpu.memory_space<hbm>> -> memref<1000000x16xf32, #tpu.memory_space<hbm>>
      tpu.wait_indirect_dma semaphore(%arg10 : memref<!tpu.dma_semaphore, #tpu.memory_space<semaphore_mem>>) src(%dma_wait3A_570 : memref<1000000x16xf32, #tpu.memory_space<hbm>>) dst(%dma_wait3A_565 : memref<128x16xf32, #tpu.memory_space<vmem>>)
      %dma_wait3A_571 = arith.constant 2304 : i32
      %dma_wait3A_572 = arith.constant 0 : i32
      %dma_wait3A_573 = tpu.memref_slice %arg7[%dma_wait3A_571, %dma_wait3A_572] : memref<3200x16xf32, #tpu.memory_space<vmem>> -> memref<128x16xf32, #tpu.memory_space<vmem>>
      %dma_wait3A_574 = arith.constant 2304 : i32
      %dma_wait3A_575 = tpu.memref_slice %arg5[%dma_wait3A_574] : memref<3200xi32, #tpu.memory_space<vmem>> -> memref<128xi32, #tpu.memory_space<vmem>>
      %dma_wait3A_576 = arith.constant 0 : i32
      %dma_wait3A_577 = arith.constant 0 : i32
      %dma_wait3A_578 = tpu.memref_slice %arg3[%dma_wait3A_576, %dma_wait3A_577] : memref<1000000x16xf32, #tpu.memory_space<hbm>> -> memref<1000000x16xf32, #tpu.memory_space<hbm>>
      tpu.wait_indirect_dma semaphore(%arg10 : memref<!tpu.dma_semaphore, #tpu.memory_space<semaphore_mem>>) src(%dma_wait3A_578 : memref<1000000x16xf32, #tpu.memory_space<hbm>>) dst(%dma_wait3A_573 : memref<128x16xf32, #tpu.memory_space<vmem>>)
      %dma_wait3A_579 = arith.constant 2432 : i32
      %dma_wait3A_580 = arith.constant 0 : i32
      %dma_wait3A_581 = tpu.memref_slice %arg7[%dma_wait3A_579, %dma_wait3A_580] : memref<3200x16xf32, #tpu.memory_space<vmem>> -> memref<128x16xf32, #tpu.memory_space<vmem>>
      %dma_wait3A_582 = arith.constant 2432 : i32
      %dma_wait3A_583 = tpu.memref_slice %arg5[%dma_wait3A_582] : memref<3200xi32, #tpu.memory_space<vmem>> -> memref<128xi32, #tpu.memory_space<vmem>>
      %dma_wait3A_584 = arith.constant 0 : i32
      %dma_wait3A_585 = arith.constant 0 : i32
      %dma_wait3A_586 = tpu.memref_slice %arg3[%dma_wait3A_584, %dma_wait3A_585] : memref<1000000x16xf32, #tpu.memory_space<hbm>> -> memref<1000000x16xf32, #tpu.memory_space<hbm>>
      tpu.wait_indirect_dma semaphore(%arg10 : memref<!tpu.dma_semaphore, #tpu.memory_space<semaphore_mem>>) src(%dma_wait3A_586 : memref<1000000x16xf32, #tpu.memory_space<hbm>>) dst(%dma_wait3A_581 : memref<128x16xf32, #tpu.memory_space<vmem>>)
      %dma_wait3A_587 = arith.constant 2560 : i32
      %dma_wait3A_588 = arith.constant 0 : i32
      %dma_wait3A_589 = tpu.memref_slice %arg7[%dma_wait3A_587, %dma_wait3A_588] : memref<3200x16xf32, #tpu.memory_space<vmem>> -> memref<128x16xf32, #tpu.memory_space<vmem>>
      %dma_wait3A_590 = arith.constant 2560 : i32
      %dma_wait3A_591 = tpu.memref_slice %arg5[%dma_wait3A_590] : memref<3200xi32, #tpu.memory_space<vmem>> -> memref<128xi32, #tpu.memory_space<vmem>>
      %dma_wait3A_592 = arith.constant 0 : i32
      %dma_wait3A_593 = arith.constant 0 : i32
      %dma_wait3A_594 = tpu.memref_slice %arg3[%dma_wait3A_592, %dma_wait3A_593] : memref<1000000x16xf32, #tpu.memory_space<hbm>> -> memref<1000000x16xf32, #tpu.memory_space<hbm>>
      tpu.wait_indirect_dma semaphore(%arg10 : memref<!tpu.dma_semaphore, #tpu.memory_space<semaphore_mem>>) src(%dma_wait3A_594 : memref<1000000x16xf32, #tpu.memory_space<hbm>>) dst(%dma_wait3A_589 : memref<128x16xf32, #tpu.memory_space<vmem>>)
      %dma_wait3A_595 = arith.constant 2688 : i32
      %dma_wait3A_596 = arith.constant 0 : i32
      %dma_wait3A_597 = tpu.memref_slice %arg7[%dma_wait3A_595, %dma_wait3A_596] : memref<3200x16xf32, #tpu.memory_space<vmem>> -> memref<128x16xf32, #tpu.memory_space<vmem>>
      %dma_wait3A_598 = arith.constant 2688 : i32
      %dma_wait3A_599 = tpu.memref_slice %arg5[%dma_wait3A_598] : memref<3200xi32, #tpu.memory_space<vmem>> -> memref<128xi32, #tpu.memory_space<vmem>>
      %dma_wait3A_600 = arith.constant 0 : i32
      %dma_wait3A_601 = arith.constant 0 : i32
      %dma_wait3A_602 = tpu.memref_slice %arg3[%dma_wait3A_600, %dma_wait3A_601] : memref<1000000x16xf32, #tpu.memory_space<hbm>> -> memref<1000000x16xf32, #tpu.memory_space<hbm>>
      tpu.wait_indirect_dma semaphore(%arg10 : memref<!tpu.dma_semaphore, #tpu.memory_space<semaphore_mem>>) src(%dma_wait3A_602 : memref<1000000x16xf32, #tpu.memory_space<hbm>>) dst(%dma_wait3A_597 : memref<128x16xf32, #tpu.memory_space<vmem>>)
      %dma_wait3A_603 = arith.constant 2816 : i32
      %dma_wait3A_604 = arith.constant 0 : i32
      %dma_wait3A_605 = tpu.memref_slice %arg7[%dma_wait3A_603, %dma_wait3A_604] : memref<3200x16xf32, #tpu.memory_space<vmem>> -> memref<128x16xf32, #tpu.memory_space<vmem>>
      %dma_wait3A_606 = arith.constant 2816 : i32
      %dma_wait3A_607 = tpu.memref_slice %arg5[%dma_wait3A_606] : memref<3200xi32, #tpu.memory_space<vmem>> -> memref<128xi32, #tpu.memory_space<vmem>>
      %dma_wait3A_608 = arith.constant 0 : i32
      %dma_wait3A_609 = arith.constant 0 : i32
      %dma_wait3A_610 = tpu.memref_slice %arg3[%dma_wait3A_608, %dma_wait3A_609] : memref<1000000x16xf32, #tpu.memory_space<hbm>> -> memref<1000000x16xf32, #tpu.memory_space<hbm>>
      tpu.wait_indirect_dma semaphore(%arg10 : memref<!tpu.dma_semaphore, #tpu.memory_space<semaphore_mem>>) src(%dma_wait3A_610 : memref<1000000x16xf32, #tpu.memory_space<hbm>>) dst(%dma_wait3A_605 : memref<128x16xf32, #tpu.memory_space<vmem>>)
      %dma_wait3A_611 = arith.constant 2944 : i32
      %dma_wait3A_612 = arith.constant 0 : i32
      %dma_wait3A_613 = tpu.memref_slice %arg7[%dma_wait3A_611, %dma_wait3A_612] : memref<3200x16xf32, #tpu.memory_space<vmem>> -> memref<128x16xf32, #tpu.memory_space<vmem>>
      %dma_wait3A_614 = arith.constant 2944 : i32
      %dma_wait3A_615 = tpu.memref_slice %arg5[%dma_wait3A_614] : memref<3200xi32, #tpu.memory_space<vmem>> -> memref<128xi32, #tpu.memory_space<vmem>>
      %dma_wait3A_616 = arith.constant 0 : i32
      %dma_wait3A_617 = arith.constant 0 : i32
      %dma_wait3A_618 = tpu.memref_slice %arg3[%dma_wait3A_616, %dma_wait3A_617] : memref<1000000x16xf32, #tpu.memory_space<hbm>> -> memref<1000000x16xf32, #tpu.memory_space<hbm>>
      tpu.wait_indirect_dma semaphore(%arg10 : memref<!tpu.dma_semaphore, #tpu.memory_space<semaphore_mem>>) src(%dma_wait3A_618 : memref<1000000x16xf32, #tpu.memory_space<hbm>>) dst(%dma_wait3A_613 : memref<128x16xf32, #tpu.memory_space<vmem>>)
      %dma_wait3A_619 = arith.constant 3072 : i32
      %dma_wait3A_620 = arith.constant 0 : i32
      %dma_wait3A_621 = tpu.memref_slice %arg7[%dma_wait3A_619, %dma_wait3A_620] : memref<3200x16xf32, #tpu.memory_space<vmem>> -> memref<128x16xf32, #tpu.memory_space<vmem>>
      %dma_wait3A_622 = arith.constant 3072 : i32
      %dma_wait3A_623 = tpu.memref_slice %arg5[%dma_wait3A_622] : memref<3200xi32, #tpu.memory_space<vmem>> -> memref<128xi32, #tpu.memory_space<vmem>>
      %dma_wait3A_624 = arith.constant 0 : i32
      %dma_wait3A_625 = arith.constant 0 : i32
      %dma_wait3A_626 = tpu.memref_slice %arg3[%dma_wait3A_624, %dma_wait3A_625] : memref<1000000x16xf32, #tpu.memory_space<hbm>> -> memref<1000000x16xf32, #tpu.memory_space<hbm>>
      tpu.wait_indirect_dma semaphore(%arg10 : memref<!tpu.dma_semaphore, #tpu.memory_space<semaphore_mem>>) src(%dma_wait3A_626 : memref<1000000x16xf32, #tpu.memory_space<hbm>>) dst(%dma_wait3A_621 : memref<128x16xf32, #tpu.memory_space<vmem>>)
      %scan3A_627 = arith.constant 0 : i32
      %scan3A_628 = arith.constant 0 : i32
      %scan3A_629 = arith.constant 16 : i32
      %scan3A_630 = arith.addi %scan3A_628, %scan3A_629 : i32
      %scan3A_631 = arith.constant 1 : i32
      scf.for %scan3A_850 = %scan3A_628 to %scan3A_630 step %scan3A_631  : i32 {
        %mul3A_851 = arith.constant 200 : i32
        %mul3A_852 = arith.muli %scan3A_850, %mul3A_851 : i32
        %broadcast_in_dim3A = arith.constant 0.000000e+00 : f32
        %broadcast_in_dim3A_853 = vector.broadcast %broadcast_in_dim3A : f32 to vector<16xf32>
        %broadcast_in_dim3A_854 = arith.constant 0.000000e+00 : f32
        %broadcast_in_dim3A_855 = vector.broadcast %broadcast_in_dim3A_854 : f32 to vector<16xf32>
        %broadcast_in_dim3A_856 = arith.constant 0.000000e+00 : f32
        %broadcast_in_dim3A_857 = vector.broadcast %broadcast_in_dim3A_856 : f32 to vector<16xf32>
        %broadcast_in_dim3A_858 = arith.constant 0.000000e+00 : f32
        %broadcast_in_dim3A_859 = vector.broadcast %broadcast_in_dim3A_858 : f32 to vector<16xf32>
        %broadcast_in_dim3A_860 = arith.constant 0.000000e+00 : f32
        %broadcast_in_dim3A_861 = vector.broadcast %broadcast_in_dim3A_860 : f32 to vector<16xf32>
        %broadcast_in_dim3A_862 = arith.constant 0.000000e+00 : f32
        %broadcast_in_dim3A_863 = vector.broadcast %broadcast_in_dim3A_862 : f32 to vector<16xf32>
        %broadcast_in_dim3A_864 = arith.constant 0.000000e+00 : f32
        %broadcast_in_dim3A_865 = vector.broadcast %broadcast_in_dim3A_864 : f32 to vector<16xf32>
        %broadcast_in_dim3A_866 = arith.constant 0.000000e+00 : f32
        %broadcast_in_dim3A_867 = vector.broadcast %broadcast_in_dim3A_866 : f32 to vector<16xf32>
        %scan3A_868 = arith.constant 0 : i32
        %scan3A_869 = arith.constant 25 : i32
        %scan3A_870 = arith.addi %scan3A_868, %scan3A_869 : i32
        %scan3A_871 = arith.constant 1 : i32
        %scan3A_872:8 = scf.for %scan3A_888 = %scan3A_868 to %scan3A_870 step %scan3A_871 iter_args(%scan3A_889 = %broadcast_in_dim3A_853, %scan3A_890 = %broadcast_in_dim3A_855, %scan3A_891 = %broadcast_in_dim3A_857, %scan3A_892 = %broadcast_in_dim3A_859, %scan3A_893 = %broadcast_in_dim3A_861, %scan3A_894 = %broadcast_in_dim3A_863, %scan3A_895 = %broadcast_in_dim3A_865, %scan3A_896 = %broadcast_in_dim3A_867) -> (vector<16xf32>, vector<16xf32>, vector<16xf32>, vector<16xf32>, vector<16xf32>, vector<16xf32>, vector<16xf32>, vector<16xf32>)  : i32 {
          %mul3A_897 = arith.constant 8 : i32
          %mul3A_898 = arith.muli %scan3A_888, %mul3A_897 : i32
          %add3A_899 = arith.addi %mul3A_852, %mul3A_898 : i32
          %add3A_900 = arith.constant 0 : i32
          %add3A_901 = arith.addi %add3A_899, %add3A_900 : i32
          %get3A = arith.index_cast %add3A_901 : i32 to index
          %get3A_902 = arith.constant 0 : index
          %get3A_903 = tpu.vector_load %arg7[%get3A, %get3A_902] {strides = array<i32>} : memref<3200x16xf32, #tpu.memory_space<vmem>>, vector<1x16xf32>,
          %get3A_904 = vector.shape_cast %get3A_903 : vector<1x16xf32> to vector<16xf32>
          %add3A_905 = arith.addf %scan3A_889, %get3A_904 : vector<16xf32>
          %add3A_906 = arith.constant 1 : i32
          %add3A_907 = arith.addi %add3A_899, %add3A_906 : i32
          %get3A_908 = arith.index_cast %add3A_907 : i32 to index
          %get3A_909 = arith.constant 0 : index
          %get3A_910 = tpu.vector_load %arg7[%get3A_908, %get3A_909] {strides = array<i32>} : memref<3200x16xf32, #tpu.memory_space<vmem>>, vector<1x16xf32>,
          %get3A_911 = vector.shape_cast %get3A_910 : vector<1x16xf32> to vector<16xf32>
          %add3A_912 = arith.addf %scan3A_890, %get3A_911 : vector<16xf32>
          %add3A_913 = arith.constant 2 : i32
          %add3A_914 = arith.addi %add3A_899, %add3A_913 : i32
          %get3A_915 = arith.index_cast %add3A_914 : i32 to index
          %get3A_916 = arith.constant 0 : index
          %get3A_917 = tpu.vector_load %arg7[%get3A_915, %get3A_916] {strides = array<i32>} : memref<3200x16xf32, #tpu.memory_space<vmem>>, vector<1x16xf32>,
          %get3A_918 = vector.shape_cast %get3A_917 : vector<1x16xf32> to vector<16xf32>
          %add3A_919 = arith.addf %scan3A_891, %get3A_918 : vector<16xf32>
          %add3A_920 = arith.constant 3 : i32
          %add3A_921 = arith.addi %add3A_899, %add3A_920 : i32
          %get3A_922 = arith.index_cast %add3A_921 : i32 to index
          %get3A_923 = arith.constant 0 : index
          %get3A_924 = tpu.vector_load %arg7[%get3A_922, %get3A_923] {strides = array<i32>} : memref<3200x16xf32, #tpu.memory_space<vmem>>, vector<1x16xf32>,
          %get3A_925 = vector.shape_cast %get3A_924 : vector<1x16xf32> to vector<16xf32>
          %add3A_926 = arith.addf %scan3A_892, %get3A_925 : vector<16xf32>
          %add3A_927 = arith.constant 4 : i32
          %add3A_928 = arith.addi %add3A_899, %add3A_927 : i32
          %get3A_929 = arith.index_cast %add3A_928 : i32 to index
          %get3A_930 = arith.constant 0 : index
          %get3A_931 = tpu.vector_load %arg7[%get3A_929, %get3A_930] {strides = array<i32>} : memref<3200x16xf32, #tpu.memory_space<vmem>>, vector<1x16xf32>,
          %get3A_932 = vector.shape_cast %get3A_931 : vector<1x16xf32> to vector<16xf32>
          %add3A_933 = arith.addf %scan3A_893, %get3A_932 : vector<16xf32>
          %add3A_934 = arith.constant 5 : i32
          %add3A_935 = arith.addi %add3A_899, %add3A_934 : i32
          %get3A_936 = arith.index_cast %add3A_935 : i32 to index
          %get3A_937 = arith.constant 0 : index
          %get3A_938 = tpu.vector_load %arg7[%get3A_936, %get3A_937] {strides = array<i32>} : memref<3200x16xf32, #tpu.memory_space<vmem>>, vector<1x16xf32>,
          %get3A_939 = vector.shape_cast %get3A_938 : vector<1x16xf32> to vector<16xf32>
          %add3A_940 = arith.addf %scan3A_894, %get3A_939 : vector<16xf32>
          %add3A_941 = arith.constant 6 : i32
          %add3A_942 = arith.addi %add3A_899, %add3A_941 : i32
          %get3A_943 = arith.index_cast %add3A_942 : i32 to index
          %get3A_944 = arith.constant 0 : index
          %get3A_945 = tpu.vector_load %arg7[%get3A_943, %get3A_944] {strides = array<i32>} : memref<3200x16xf32, #tpu.memory_space<vmem>>, vector<1x16xf32>,
          %get3A_946 = vector.shape_cast %get3A_945 : vector<1x16xf32> to vector<16xf32>
          %add3A_947 = arith.addf %scan3A_895, %get3A_946 : vector<16xf32>
          %add3A_948 = arith.constant 7 : i32
          %add3A_949 = arith.addi %add3A_899, %add3A_948 : i32
          %get3A_950 = arith.index_cast %add3A_949 : i32 to index
          %get3A_951 = arith.constant 0 : index
          %get3A_952 = tpu.vector_load %arg7[%get3A_950, %get3A_951] {strides = array<i32>} : memref<3200x16xf32, #tpu.memory_space<vmem>>, vector<1x16xf32>,
          %get3A_953 = vector.shape_cast %get3A_952 : vector<1x16xf32> to vector<16xf32>
          %add3A_954 = arith.addf %scan3A_896, %get3A_953 : vector<16xf32>
          scf.yield %add3A_905, %add3A_912, %add3A_919, %add3A_926, %add3A_933, %add3A_940, %add3A_947, %add3A_954 : vector<16xf32>, vector<16xf32>, vector<16xf32>, vector<16xf32>, vector<16xf32>, vector<16xf32>, vector<16xf32>, vector<16xf32>
        }
        %scan3A_873 = arith.constant 25 : i32
        %add3A_874 = arith.addf %scan3A_872#0, %scan3A_872#1 : vector<16xf32>
        %add3A_875 = arith.addf %add3A_874, %scan3A_872#2 : vector<16xf32>
        %add3A_876 = arith.addf %add3A_875, %scan3A_872#3 : vector<16xf32>
        %add3A_877 = arith.addf %add3A_876, %scan3A_872#4 : vector<16xf32>
        %add3A_878 = arith.addf %add3A_877, %scan3A_872#5 : vector<16xf32>
        %add3A_879 = arith.addf %add3A_878, %scan3A_872#6 : vector<16xf32>
        %add3A_880 = arith.addf %add3A_879, %scan3A_872#7 : vector<16xf32>
        %mul3A_881 = arith.constant 5.000000e-03 : f32
        %mul3A_882 = vector.broadcast %mul3A_881 : f32 to vector<16xf32>
        %mul3A_883 = arith.mulf %add3A_880, %mul3A_882 : vector<16xf32>
        %swap3A = arith.index_cast %scan3A_850 : i32 to index
        %swap3A_884 = arith.constant 0 : index
        %swap3A_885 = tpu.vector_load %arg9[%swap3A, %swap3A_884] {strides = array<i32>} : memref<16x16xf32, #tpu.memory_space<vmem>>, vector<1x16xf32>,
        %swap3A_886 = vector.shape_cast %swap3A_885 : vector<1x16xf32> to vector<16xf32>
        %swap3A_887 = vector.shape_cast %mul3A_883 : vector<16xf32> to vector<1x16xf32>
        tpu.vector_store %arg9[%swap3A, %swap3A_884], %swap3A_887 {strides = array<i32>} : memref<16x16xf32, #tpu.memory_space<vmem>>, vector<1x16xf32>,
      }
      %scan3A_632 = arith.constant 16 : i32
      "tpu.region"() ({
        %run_scoped3A = tpu.sem_alloc : memref<!tpu.dma_semaphore, #tpu.memory_space<semaphore_mem>>
        %dma_start3A_850 = arith.constant 0 : i32
        %dma_start3A_851 = tpu.memref_slice %arg4[%add3A_427, %dma_start3A_850] : memref<16384x16xf32, #tpu.memory_space<hbm>> -> memref<16x16xf32, #tpu.memory_space<hbm>>
        %dma_start3A_852 = arith.constant 0 : i32
        %dma_start3A_853 = tpu.memref_slice %arg4[%add3A_427, %dma_start3A_852] : memref<16384x16xf32, #tpu.memory_space<hbm>> -> memref<16x16xf32, #tpu.memory_space<hbm>>
        tpu.enqueue_dma source(%arg9 : memref<16x16xf32, #tpu.memory_space<vmem>>) target(%dma_start3A_853 : memref<16x16xf32, #tpu.memory_space<hbm>>) target_semaphore(%run_scoped3A : memref<!tpu.dma_semaphore, #tpu.memory_space<semaphore_mem>>)
        %dma_wait3A_854 = arith.constant 0 : i32
        %dma_wait3A_855 = tpu.memref_slice %arg4[%add3A_427, %dma_wait3A_854] : memref<16384x16xf32, #tpu.memory_space<hbm>> -> memref<16x16xf32, #tpu.memory_space<hbm>>
        %dma_wait3A_856 = arith.constant 0 : i32
        %dma_wait3A_857 = tpu.memref_slice %arg4[%add3A_427, %dma_wait3A_856] : memref<16384x16xf32, #tpu.memory_space<hbm>> -> memref<16x16xf32, #tpu.memory_space<hbm>>
        tpu.wait_dma2 semaphore(%run_scoped3A : memref<!tpu.dma_semaphore, #tpu.memory_space<semaphore_mem>>) src(%arg9 : memref<16x16xf32, #tpu.memory_space<vmem>>) dst(%dma_wait3A_857 : memref<16x16xf32, #tpu.memory_space<hbm>>)
        tpu.yield
      }) : () -> ()
      %add3A_633 = arith.constant 2 : i32
      %add3A_634 = arith.addi %mul3A_213, %add3A_633 : i32
      %lt3A = arith.constant 32 : i32
      %lt3A_635 = arith.cmpi slt, %add3A_634, %lt3A : i32
      %convert_element_type3A = arith.extui %lt3A_635 : i1 to i32
      %cond3A = arith.constant 0 : i32
      %cond3A_636 = arith.cmpi ne, %convert_element_type3A, %cond3A : i32
      scf.if %cond3A_636 {
        %add3A_850 = arith.constant 2 : i32
        %add3A_851 = arith.addi %mul3A_213, %add3A_850 : i32
        %mul3A_852 = arith.constant 512 : i32
        %mul3A_853 = arith.muli %add3A, %mul3A_852 : i32
        %mul3A_854 = arith.constant 16 : i32
        %mul3A_855 = arith.muli %add3A_851, %mul3A_854 : i32
        %add3A_856 = arith.addi %mul3A_853, %mul3A_855 : i32
        %mul3A_857 = arith.constant 200 : i32
        %mul3A_858 = arith.muli %add3A_856, %mul3A_857 : i32
        "tpu.region"() ({
          %run_scoped3A = tpu.sem_alloc : memref<!tpu.dma_semaphore, #tpu.memory_space<semaphore_mem>>
          %dma_start3A_1059 = tpu.memref_slice %arg2[%mul3A_858] : memref<3276800xi32, #tpu.memory_space<hbm>> -> memref<3200xi32, #tpu.memory_space<hbm>>
          %dma_start3A_1060 = tpu.memref_slice %arg2[%mul3A_858] : memref<3276800xi32, #tpu.memory_space<hbm>> -> memref<3200xi32, #tpu.memory_space<hbm>>
          tpu.enqueue_dma source(%dma_start3A_1060 : memref<3200xi32, #tpu.memory_space<hbm>>) target(%arg5 : memref<3200xi32, #tpu.memory_space<vmem>>) target_semaphore(%run_scoped3A : memref<!tpu.dma_semaphore, #tpu.memory_space<semaphore_mem>>)
          %dma_wait3A_1061 = tpu.memref_slice %arg2[%mul3A_858] : memref<3276800xi32, #tpu.memory_space<hbm>> -> memref<3200xi32, #tpu.memory_space<hbm>>
          %dma_wait3A_1062 = tpu.memref_slice %arg2[%mul3A_858] : memref<3276800xi32, #tpu.memory_space<hbm>> -> memref<3200xi32, #tpu.memory_space<hbm>>
          tpu.wait_dma2 semaphore(%run_scoped3A : memref<!tpu.dma_semaphore, #tpu.memory_space<semaphore_mem>>) src(%dma_wait3A_1062 : memref<3200xi32, #tpu.memory_space<hbm>>) dst(%arg5 : memref<3200xi32, #tpu.memory_space<vmem>>)
          tpu.yield
        }) : () -> ()
        %dma_start3A_859 = arith.constant 0 : i32
        %dma_start3A_860 = arith.constant 0 : i32
        %dma_start3A_861 = tpu.memref_slice %arg7[%dma_start3A_859, %dma_start3A_860] : memref<3200x16xf32, #tpu.memory_space<vmem>> -> memref<128x16xf32, #tpu.memory_space<vmem>>
        %dma_start3A_862 = arith.constant 0 : i32
        %dma_start3A_863 = tpu.memref_slice %arg5[%dma_start3A_862] : memref<3200xi32, #tpu.memory_space<vmem>> -> memref<128xi32, #tpu.memory_space<vmem>>
        %dma_start3A_864 = arith.constant 0 : i32
        %dma_start3A_865 = arith.constant 0 : i32
        %dma_start3A_866 = tpu.memref_slice %arg3[%dma_start3A_864, %dma_start3A_865] : memref<1000000x16xf32, #tpu.memory_space<hbm>> -> memref<1000000x16xf32, #tpu.memory_space<hbm>>
        tpu.enqueue_indirect_dma source(%dma_start3A_866 : memref<1000000x16xf32, #tpu.memory_space<hbm>>) target(%dma_start3A_861 : memref<128x16xf32, #tpu.memory_space<vmem>>) offsets(%dma_start3A_863 : memref<128xi32, #tpu.memory_space<vmem>>) semaphore(%arg10 : memref<!tpu.dma_semaphore, #tpu.memory_space<semaphore_mem>>)
        %dma_start3A_867 = arith.constant 128 : i32
        %dma_start3A_868 = arith.constant 0 : i32
        %dma_start3A_869 = tpu.memref_slice %arg7[%dma_start3A_867, %dma_start3A_868] : memref<3200x16xf32, #tpu.memory_space<vmem>> -> memref<128x16xf32, #tpu.memory_space<vmem>>
        %dma_start3A_870 = arith.constant 128 : i32
        %dma_start3A_871 = tpu.memref_slice %arg5[%dma_start3A_870] : memref<3200xi32, #tpu.memory_space<vmem>> -> memref<128xi32, #tpu.memory_space<vmem>>
        %dma_start3A_872 = arith.constant 0 : i32
        %dma_start3A_873 = arith.constant 0 : i32
        %dma_start3A_874 = tpu.memref_slice %arg3[%dma_start3A_872, %dma_start3A_873] : memref<1000000x16xf32, #tpu.memory_space<hbm>> -> memref<1000000x16xf32, #tpu.memory_space<hbm>>
        tpu.enqueue_indirect_dma source(%dma_start3A_874 : memref<1000000x16xf32, #tpu.memory_space<hbm>>) target(%dma_start3A_869 : memref<128x16xf32, #tpu.memory_space<vmem>>) offsets(%dma_start3A_871 : memref<128xi32, #tpu.memory_space<vmem>>) semaphore(%arg10 : memref<!tpu.dma_semaphore, #tpu.memory_space<semaphore_mem>>)
        %dma_start3A_875 = arith.constant 256 : i32
        %dma_start3A_876 = arith.constant 0 : i32
        %dma_start3A_877 = tpu.memref_slice %arg7[%dma_start3A_875, %dma_start3A_876] : memref<3200x16xf32, #tpu.memory_space<vmem>> -> memref<128x16xf32, #tpu.memory_space<vmem>>
        %dma_start3A_878 = arith.constant 256 : i32
        %dma_start3A_879 = tpu.memref_slice %arg5[%dma_start3A_878] : memref<3200xi32, #tpu.memory_space<vmem>> -> memref<128xi32, #tpu.memory_space<vmem>>
        %dma_start3A_880 = arith.constant 0 : i32
        %dma_start3A_881 = arith.constant 0 : i32
        %dma_start3A_882 = tpu.memref_slice %arg3[%dma_start3A_880, %dma_start3A_881] : memref<1000000x16xf32, #tpu.memory_space<hbm>> -> memref<1000000x16xf32, #tpu.memory_space<hbm>>
        tpu.enqueue_indirect_dma source(%dma_start3A_882 : memref<1000000x16xf32, #tpu.memory_space<hbm>>) target(%dma_start3A_877 : memref<128x16xf32, #tpu.memory_space<vmem>>) offsets(%dma_start3A_879 : memref<128xi32, #tpu.memory_space<vmem>>) semaphore(%arg10 : memref<!tpu.dma_semaphore, #tpu.memory_space<semaphore_mem>>)
        %dma_start3A_883 = arith.constant 384 : i32
        %dma_start3A_884 = arith.constant 0 : i32
        %dma_start3A_885 = tpu.memref_slice %arg7[%dma_start3A_883, %dma_start3A_884] : memref<3200x16xf32, #tpu.memory_space<vmem>> -> memref<128x16xf32, #tpu.memory_space<vmem>>
        %dma_start3A_886 = arith.constant 384 : i32
        %dma_start3A_887 = tpu.memref_slice %arg5[%dma_start3A_886] : memref<3200xi32, #tpu.memory_space<vmem>> -> memref<128xi32, #tpu.memory_space<vmem>>
        %dma_start3A_888 = arith.constant 0 : i32
        %dma_start3A_889 = arith.constant 0 : i32
        %dma_start3A_890 = tpu.memref_slice %arg3[%dma_start3A_888, %dma_start3A_889] : memref<1000000x16xf32, #tpu.memory_space<hbm>> -> memref<1000000x16xf32, #tpu.memory_space<hbm>>
        tpu.enqueue_indirect_dma source(%dma_start3A_890 : memref<1000000x16xf32, #tpu.memory_space<hbm>>) target(%dma_start3A_885 : memref<128x16xf32, #tpu.memory_space<vmem>>) offsets(%dma_start3A_887 : memref<128xi32, #tpu.memory_space<vmem>>) semaphore(%arg10 : memref<!tpu.dma_semaphore, #tpu.memory_space<semaphore_mem>>)
        %dma_start3A_891 = arith.constant 512 : i32
        %dma_start3A_892 = arith.constant 0 : i32
        %dma_start3A_893 = tpu.memref_slice %arg7[%dma_start3A_891, %dma_start3A_892] : memref<3200x16xf32, #tpu.memory_space<vmem>> -> memref<128x16xf32, #tpu.memory_space<vmem>>
        %dma_start3A_894 = arith.constant 512 : i32
        %dma_start3A_895 = tpu.memref_slice %arg5[%dma_start3A_894] : memref<3200xi32, #tpu.memory_space<vmem>> -> memref<128xi32, #tpu.memory_space<vmem>>
        %dma_start3A_896 = arith.constant 0 : i32
        %dma_start3A_897 = arith.constant 0 : i32
        %dma_start3A_898 = tpu.memref_slice %arg3[%dma_start3A_896, %dma_start3A_897] : memref<1000000x16xf32, #tpu.memory_space<hbm>> -> memref<1000000x16xf32, #tpu.memory_space<hbm>>
        tpu.enqueue_indirect_dma source(%dma_start3A_898 : memref<1000000x16xf32, #tpu.memory_space<hbm>>) target(%dma_start3A_893 : memref<128x16xf32, #tpu.memory_space<vmem>>) offsets(%dma_start3A_895 : memref<128xi32, #tpu.memory_space<vmem>>) semaphore(%arg10 : memref<!tpu.dma_semaphore, #tpu.memory_space<semaphore_mem>>)
        %dma_start3A_899 = arith.constant 640 : i32
        %dma_start3A_900 = arith.constant 0 : i32
        %dma_start3A_901 = tpu.memref_slice %arg7[%dma_start3A_899, %dma_start3A_900] : memref<3200x16xf32, #tpu.memory_space<vmem>> -> memref<128x16xf32, #tpu.memory_space<vmem>>
        %dma_start3A_902 = arith.constant 640 : i32
        %dma_start3A_903 = tpu.memref_slice %arg5[%dma_start3A_902] : memref<3200xi32, #tpu.memory_space<vmem>> -> memref<128xi32, #tpu.memory_space<vmem>>
        %dma_start3A_904 = arith.constant 0 : i32
        %dma_start3A_905 = arith.constant 0 : i32
        %dma_start3A_906 = tpu.memref_slice %arg3[%dma_start3A_904, %dma_start3A_905] : memref<1000000x16xf32, #tpu.memory_space<hbm>> -> memref<1000000x16xf32, #tpu.memory_space<hbm>>
        tpu.enqueue_indirect_dma source(%dma_start3A_906 : memref<1000000x16xf32, #tpu.memory_space<hbm>>) target(%dma_start3A_901 : memref<128x16xf32, #tpu.memory_space<vmem>>) offsets(%dma_start3A_903 : memref<128xi32, #tpu.memory_space<vmem>>) semaphore(%arg10 : memref<!tpu.dma_semaphore, #tpu.memory_space<semaphore_mem>>)
        %dma_start3A_907 = arith.constant 768 : i32
        %dma_start3A_908 = arith.constant 0 : i32
        %dma_start3A_909 = tpu.memref_slice %arg7[%dma_start3A_907, %dma_start3A_908] : memref<3200x16xf32, #tpu.memory_space<vmem>> -> memref<128x16xf32, #tpu.memory_space<vmem>>
        %dma_start3A_910 = arith.constant 768 : i32
        %dma_start3A_911 = tpu.memref_slice %arg5[%dma_start3A_910] : memref<3200xi32, #tpu.memory_space<vmem>> -> memref<128xi32, #tpu.memory_space<vmem>>
        %dma_start3A_912 = arith.constant 0 : i32
        %dma_start3A_913 = arith.constant 0 : i32
        %dma_start3A_914 = tpu.memref_slice %arg3[%dma_start3A_912, %dma_start3A_913] : memref<1000000x16xf32, #tpu.memory_space<hbm>> -> memref<1000000x16xf32, #tpu.memory_space<hbm>>
        tpu.enqueue_indirect_dma source(%dma_start3A_914 : memref<1000000x16xf32, #tpu.memory_space<hbm>>) target(%dma_start3A_909 : memref<128x16xf32, #tpu.memory_space<vmem>>) offsets(%dma_start3A_911 : memref<128xi32, #tpu.memory_space<vmem>>) semaphore(%arg10 : memref<!tpu.dma_semaphore, #tpu.memory_space<semaphore_mem>>)
        %dma_start3A_915 = arith.constant 896 : i32
        %dma_start3A_916 = arith.constant 0 : i32
        %dma_start3A_917 = tpu.memref_slice %arg7[%dma_start3A_915, %dma_start3A_916] : memref<3200x16xf32, #tpu.memory_space<vmem>> -> memref<128x16xf32, #tpu.memory_space<vmem>>
        %dma_start3A_918 = arith.constant 896 : i32
        %dma_start3A_919 = tpu.memref_slice %arg5[%dma_start3A_918] : memref<3200xi32, #tpu.memory_space<vmem>> -> memref<128xi32, #tpu.memory_space<vmem>>
        %dma_start3A_920 = arith.constant 0 : i32
        %dma_start3A_921 = arith.constant 0 : i32
        %dma_start3A_922 = tpu.memref_slice %arg3[%dma_start3A_920, %dma_start3A_921] : memref<1000000x16xf32, #tpu.memory_space<hbm>> -> memref<1000000x16xf32, #tpu.memory_space<hbm>>
        tpu.enqueue_indirect_dma source(%dma_start3A_922 : memref<1000000x16xf32, #tpu.memory_space<hbm>>) target(%dma_start3A_917 : memref<128x16xf32, #tpu.memory_space<vmem>>) offsets(%dma_start3A_919 : memref<128xi32, #tpu.memory_space<vmem>>) semaphore(%arg10 : memref<!tpu.dma_semaphore, #tpu.memory_space<semaphore_mem>>)
        %dma_start3A_923 = arith.constant 1024 : i32
        %dma_start3A_924 = arith.constant 0 : i32
        %dma_start3A_925 = tpu.memref_slice %arg7[%dma_start3A_923, %dma_start3A_924] : memref<3200x16xf32, #tpu.memory_space<vmem>> -> memref<128x16xf32, #tpu.memory_space<vmem>>
        %dma_start3A_926 = arith.constant 1024 : i32
        %dma_start3A_927 = tpu.memref_slice %arg5[%dma_start3A_926] : memref<3200xi32, #tpu.memory_space<vmem>> -> memref<128xi32, #tpu.memory_space<vmem>>
        %dma_start3A_928 = arith.constant 0 : i32
        %dma_start3A_929 = arith.constant 0 : i32
        %dma_start3A_930 = tpu.memref_slice %arg3[%dma_start3A_928, %dma_start3A_929] : memref<1000000x16xf32, #tpu.memory_space<hbm>> -> memref<1000000x16xf32, #tpu.memory_space<hbm>>
        tpu.enqueue_indirect_dma source(%dma_start3A_930 : memref<1000000x16xf32, #tpu.memory_space<hbm>>) target(%dma_start3A_925 : memref<128x16xf32, #tpu.memory_space<vmem>>) offsets(%dma_start3A_927 : memref<128xi32, #tpu.memory_space<vmem>>) semaphore(%arg10 : memref<!tpu.dma_semaphore, #tpu.memory_space<semaphore_mem>>)
        %dma_start3A_931 = arith.constant 1152 : i32
        %dma_start3A_932 = arith.constant 0 : i32
        %dma_start3A_933 = tpu.memref_slice %arg7[%dma_start3A_931, %dma_start3A_932] : memref<3200x16xf32, #tpu.memory_space<vmem>> -> memref<128x16xf32, #tpu.memory_space<vmem>>
        %dma_start3A_934 = arith.constant 1152 : i32
        %dma_start3A_935 = tpu.memref_slice %arg5[%dma_start3A_934] : memref<3200xi32, #tpu.memory_space<vmem>> -> memref<128xi32, #tpu.memory_space<vmem>>
        %dma_start3A_936 = arith.constant 0 : i32
        %dma_start3A_937 = arith.constant 0 : i32
        %dma_start3A_938 = tpu.memref_slice %arg3[%dma_start3A_936, %dma_start3A_937] : memref<1000000x16xf32, #tpu.memory_space<hbm>> -> memref<1000000x16xf32, #tpu.memory_space<hbm>>
        tpu.enqueue_indirect_dma source(%dma_start3A_938 : memref<1000000x16xf32, #tpu.memory_space<hbm>>) target(%dma_start3A_933 : memref<128x16xf32, #tpu.memory_space<vmem>>) offsets(%dma_start3A_935 : memref<128xi32, #tpu.memory_space<vmem>>) semaphore(%arg10 : memref<!tpu.dma_semaphore, #tpu.memory_space<semaphore_mem>>)
        %dma_start3A_939 = arith.constant 1280 : i32
        %dma_start3A_940 = arith.constant 0 : i32
        %dma_start3A_941 = tpu.memref_slice %arg7[%dma_start3A_939, %dma_start3A_940] : memref<3200x16xf32, #tpu.memory_space<vmem>> -> memref<128x16xf32, #tpu.memory_space<vmem>>
        %dma_start3A_942 = arith.constant 1280 : i32
        %dma_start3A_943 = tpu.memref_slice %arg5[%dma_start3A_942] : memref<3200xi32, #tpu.memory_space<vmem>> -> memref<128xi32, #tpu.memory_space<vmem>>
        %dma_start3A_944 = arith.constant 0 : i32
        %dma_start3A_945 = arith.constant 0 : i32
        %dma_start3A_946 = tpu.memref_slice %arg3[%dma_start3A_944, %dma_start3A_945] : memref<1000000x16xf32, #tpu.memory_space<hbm>> -> memref<1000000x16xf32, #tpu.memory_space<hbm>>
        tpu.enqueue_indirect_dma source(%dma_start3A_946 : memref<1000000x16xf32, #tpu.memory_space<hbm>>) target(%dma_start3A_941 : memref<128x16xf32, #tpu.memory_space<vmem>>) offsets(%dma_start3A_943 : memref<128xi32, #tpu.memory_space<vmem>>) semaphore(%arg10 : memref<!tpu.dma_semaphore, #tpu.memory_space<semaphore_mem>>)
        %dma_start3A_947 = arith.constant 1408 : i32
        %dma_start3A_948 = arith.constant 0 : i32
        %dma_start3A_949 = tpu.memref_slice %arg7[%dma_start3A_947, %dma_start3A_948] : memref<3200x16xf32, #tpu.memory_space<vmem>> -> memref<128x16xf32, #tpu.memory_space<vmem>>
        %dma_start3A_950 = arith.constant 1408 : i32
        %dma_start3A_951 = tpu.memref_slice %arg5[%dma_start3A_950] : memref<3200xi32, #tpu.memory_space<vmem>> -> memref<128xi32, #tpu.memory_space<vmem>>
        %dma_start3A_952 = arith.constant 0 : i32
        %dma_start3A_953 = arith.constant 0 : i32
        %dma_start3A_954 = tpu.memref_slice %arg3[%dma_start3A_952, %dma_start3A_953] : memref<1000000x16xf32, #tpu.memory_space<hbm>> -> memref<1000000x16xf32, #tpu.memory_space<hbm>>
        tpu.enqueue_indirect_dma source(%dma_start3A_954 : memref<1000000x16xf32, #tpu.memory_space<hbm>>) target(%dma_start3A_949 : memref<128x16xf32, #tpu.memory_space<vmem>>) offsets(%dma_start3A_951 : memref<128xi32, #tpu.memory_space<vmem>>) semaphore(%arg10 : memref<!tpu.dma_semaphore, #tpu.memory_space<semaphore_mem>>)
        %dma_start3A_955 = arith.constant 1536 : i32
        %dma_start3A_956 = arith.constant 0 : i32
        %dma_start3A_957 = tpu.memref_slice %arg7[%dma_start3A_955, %dma_start3A_956] : memref<3200x16xf32, #tpu.memory_space<vmem>> -> memref<128x16xf32, #tpu.memory_space<vmem>>
        %dma_start3A_958 = arith.constant 1536 : i32
        %dma_start3A_959 = tpu.memref_slice %arg5[%dma_start3A_958] : memref<3200xi32, #tpu.memory_space<vmem>> -> memref<128xi32, #tpu.memory_space<vmem>>
        %dma_start3A_960 = arith.constant 0 : i32
        %dma_start3A_961 = arith.constant 0 : i32
        %dma_start3A_962 = tpu.memref_slice %arg3[%dma_start3A_960, %dma_start3A_961] : memref<1000000x16xf32, #tpu.memory_space<hbm>> -> memref<1000000x16xf32, #tpu.memory_space<hbm>>
        tpu.enqueue_indirect_dma source(%dma_start3A_962 : memref<1000000x16xf32, #tpu.memory_space<hbm>>) target(%dma_start3A_957 : memref<128x16xf32, #tpu.memory_space<vmem>>) offsets(%dma_start3A_959 : memref<128xi32, #tpu.memory_space<vmem>>) semaphore(%arg10 : memref<!tpu.dma_semaphore, #tpu.memory_space<semaphore_mem>>)
        %dma_start3A_963 = arith.constant 1664 : i32
        %dma_start3A_964 = arith.constant 0 : i32
        %dma_start3A_965 = tpu.memref_slice %arg7[%dma_start3A_963, %dma_start3A_964] : memref<3200x16xf32, #tpu.memory_space<vmem>> -> memref<128x16xf32, #tpu.memory_space<vmem>>
        %dma_start3A_966 = arith.constant 1664 : i32
        %dma_start3A_967 = tpu.memref_slice %arg5[%dma_start3A_966] : memref<3200xi32, #tpu.memory_space<vmem>> -> memref<128xi32, #tpu.memory_space<vmem>>
        %dma_start3A_968 = arith.constant 0 : i32
        %dma_start3A_969 = arith.constant 0 : i32
        %dma_start3A_970 = tpu.memref_slice %arg3[%dma_start3A_968, %dma_start3A_969] : memref<1000000x16xf32, #tpu.memory_space<hbm>> -> memref<1000000x16xf32, #tpu.memory_space<hbm>>
        tpu.enqueue_indirect_dma source(%dma_start3A_970 : memref<1000000x16xf32, #tpu.memory_space<hbm>>) target(%dma_start3A_965 : memref<128x16xf32, #tpu.memory_space<vmem>>) offsets(%dma_start3A_967 : memref<128xi32, #tpu.memory_space<vmem>>) semaphore(%arg10 : memref<!tpu.dma_semaphore, #tpu.memory_space<semaphore_mem>>)
        %dma_start3A_971 = arith.constant 1792 : i32
        %dma_start3A_972 = arith.constant 0 : i32
        %dma_start3A_973 = tpu.memref_slice %arg7[%dma_start3A_971, %dma_start3A_972] : memref<3200x16xf32, #tpu.memory_space<vmem>> -> memref<128x16xf32, #tpu.memory_space<vmem>>
        %dma_start3A_974 = arith.constant 1792 : i32
        %dma_start3A_975 = tpu.memref_slice %arg5[%dma_start3A_974] : memref<3200xi32, #tpu.memory_space<vmem>> -> memref<128xi32, #tpu.memory_space<vmem>>
        %dma_start3A_976 = arith.constant 0 : i32
        %dma_start3A_977 = arith.constant 0 : i32
        %dma_start3A_978 = tpu.memref_slice %arg3[%dma_start3A_976, %dma_start3A_977] : memref<1000000x16xf32, #tpu.memory_space<hbm>> -> memref<1000000x16xf32, #tpu.memory_space<hbm>>
        tpu.enqueue_indirect_dma source(%dma_start3A_978 : memref<1000000x16xf32, #tpu.memory_space<hbm>>) target(%dma_start3A_973 : memref<128x16xf32, #tpu.memory_space<vmem>>) offsets(%dma_start3A_975 : memref<128xi32, #tpu.memory_space<vmem>>) semaphore(%arg10 : memref<!tpu.dma_semaphore, #tpu.memory_space<semaphore_mem>>)
        %dma_start3A_979 = arith.constant 1920 : i32
        %dma_start3A_980 = arith.constant 0 : i32
        %dma_start3A_981 = tpu.memref_slice %arg7[%dma_start3A_979, %dma_start3A_980] : memref<3200x16xf32, #tpu.memory_space<vmem>> -> memref<128x16xf32, #tpu.memory_space<vmem>>
        %dma_start3A_982 = arith.constant 1920 : i32
        %dma_start3A_983 = tpu.memref_slice %arg5[%dma_start3A_982] : memref<3200xi32, #tpu.memory_space<vmem>> -> memref<128xi32, #tpu.memory_space<vmem>>
        %dma_start3A_984 = arith.constant 0 : i32
        %dma_start3A_985 = arith.constant 0 : i32
        %dma_start3A_986 = tpu.memref_slice %arg3[%dma_start3A_984, %dma_start3A_985] : memref<1000000x16xf32, #tpu.memory_space<hbm>> -> memref<1000000x16xf32, #tpu.memory_space<hbm>>
        tpu.enqueue_indirect_dma source(%dma_start3A_986 : memref<1000000x16xf32, #tpu.memory_space<hbm>>) target(%dma_start3A_981 : memref<128x16xf32, #tpu.memory_space<vmem>>) offsets(%dma_start3A_983 : memref<128xi32, #tpu.memory_space<vmem>>) semaphore(%arg10 : memref<!tpu.dma_semaphore, #tpu.memory_space<semaphore_mem>>)
        %dma_start3A_987 = arith.constant 2048 : i32
        %dma_start3A_988 = arith.constant 0 : i32
        %dma_start3A_989 = tpu.memref_slice %arg7[%dma_start3A_987, %dma_start3A_988] : memref<3200x16xf32, #tpu.memory_space<vmem>> -> memref<128x16xf32, #tpu.memory_space<vmem>>
        %dma_start3A_990 = arith.constant 2048 : i32
        %dma_start3A_991 = tpu.memref_slice %arg5[%dma_start3A_990] : memref<3200xi32, #tpu.memory_space<vmem>> -> memref<128xi32, #tpu.memory_space<vmem>>
        %dma_start3A_992 = arith.constant 0 : i32
        %dma_start3A_993 = arith.constant 0 : i32
        %dma_start3A_994 = tpu.memref_slice %arg3[%dma_start3A_992, %dma_start3A_993] : memref<1000000x16xf32, #tpu.memory_space<hbm>> -> memref<1000000x16xf32, #tpu.memory_space<hbm>>
        tpu.enqueue_indirect_dma source(%dma_start3A_994 : memref<1000000x16xf32, #tpu.memory_space<hbm>>) target(%dma_start3A_989 : memref<128x16xf32, #tpu.memory_space<vmem>>) offsets(%dma_start3A_991 : memref<128xi32, #tpu.memory_space<vmem>>) semaphore(%arg10 : memref<!tpu.dma_semaphore, #tpu.memory_space<semaphore_mem>>)
        %dma_start3A_995 = arith.constant 2176 : i32
        %dma_start3A_996 = arith.constant 0 : i32
        %dma_start3A_997 = tpu.memref_slice %arg7[%dma_start3A_995, %dma_start3A_996] : memref<3200x16xf32, #tpu.memory_space<vmem>> -> memref<128x16xf32, #tpu.memory_space<vmem>>
        %dma_start3A_998 = arith.constant 2176 : i32
        %dma_start3A_999 = tpu.memref_slice %arg5[%dma_start3A_998] : memref<3200xi32, #tpu.memory_space<vmem>> -> memref<128xi32, #tpu.memory_space<vmem>>
        %dma_start3A_1000 = arith.constant 0 : i32
        %dma_start3A_1001 = arith.constant 0 : i32
        %dma_start3A_1002 = tpu.memref_slice %arg3[%dma_start3A_1000, %dma_start3A_1001] : memref<1000000x16xf32, #tpu.memory_space<hbm>> -> memref<1000000x16xf32, #tpu.memory_space<hbm>>
        tpu.enqueue_indirect_dma source(%dma_start3A_1002 : memref<1000000x16xf32, #tpu.memory_space<hbm>>) target(%dma_start3A_997 : memref<128x16xf32, #tpu.memory_space<vmem>>) offsets(%dma_start3A_999 : memref<128xi32, #tpu.memory_space<vmem>>) semaphore(%arg10 : memref<!tpu.dma_semaphore, #tpu.memory_space<semaphore_mem>>)
        %dma_start3A_1003 = arith.constant 2304 : i32
        %dma_start3A_1004 = arith.constant 0 : i32
        %dma_start3A_1005 = tpu.memref_slice %arg7[%dma_start3A_1003, %dma_start3A_1004] : memref<3200x16xf32, #tpu.memory_space<vmem>> -> memref<128x16xf32, #tpu.memory_space<vmem>>
        %dma_start3A_1006 = arith.constant 2304 : i32
        %dma_start3A_1007 = tpu.memref_slice %arg5[%dma_start3A_1006] : memref<3200xi32, #tpu.memory_space<vmem>> -> memref<128xi32, #tpu.memory_space<vmem>>
        %dma_start3A_1008 = arith.constant 0 : i32
        %dma_start3A_1009 = arith.constant 0 : i32
        %dma_start3A_1010 = tpu.memref_slice %arg3[%dma_start3A_1008, %dma_start3A_1009] : memref<1000000x16xf32, #tpu.memory_space<hbm>> -> memref<1000000x16xf32, #tpu.memory_space<hbm>>
        tpu.enqueue_indirect_dma source(%dma_start3A_1010 : memref<1000000x16xf32, #tpu.memory_space<hbm>>) target(%dma_start3A_1005 : memref<128x16xf32, #tpu.memory_space<vmem>>) offsets(%dma_start3A_1007 : memref<128xi32, #tpu.memory_space<vmem>>) semaphore(%arg10 : memref<!tpu.dma_semaphore, #tpu.memory_space<semaphore_mem>>)
        %dma_start3A_1011 = arith.constant 2432 : i32
        %dma_start3A_1012 = arith.constant 0 : i32
        %dma_start3A_1013 = tpu.memref_slice %arg7[%dma_start3A_1011, %dma_start3A_1012] : memref<3200x16xf32, #tpu.memory_space<vmem>> -> memref<128x16xf32, #tpu.memory_space<vmem>>
        %dma_start3A_1014 = arith.constant 2432 : i32
        %dma_start3A_1015 = tpu.memref_slice %arg5[%dma_start3A_1014] : memref<3200xi32, #tpu.memory_space<vmem>> -> memref<128xi32, #tpu.memory_space<vmem>>
        %dma_start3A_1016 = arith.constant 0 : i32
        %dma_start3A_1017 = arith.constant 0 : i32
        %dma_start3A_1018 = tpu.memref_slice %arg3[%dma_start3A_1016, %dma_start3A_1017] : memref<1000000x16xf32, #tpu.memory_space<hbm>> -> memref<1000000x16xf32, #tpu.memory_space<hbm>>
        tpu.enqueue_indirect_dma source(%dma_start3A_1018 : memref<1000000x16xf32, #tpu.memory_space<hbm>>) target(%dma_start3A_1013 : memref<128x16xf32, #tpu.memory_space<vmem>>) offsets(%dma_start3A_1015 : memref<128xi32, #tpu.memory_space<vmem>>) semaphore(%arg10 : memref<!tpu.dma_semaphore, #tpu.memory_space<semaphore_mem>>)
        %dma_start3A_1019 = arith.constant 2560 : i32
        %dma_start3A_1020 = arith.constant 0 : i32
        %dma_start3A_1021 = tpu.memref_slice %arg7[%dma_start3A_1019, %dma_start3A_1020] : memref<3200x16xf32, #tpu.memory_space<vmem>> -> memref<128x16xf32, #tpu.memory_space<vmem>>
        %dma_start3A_1022 = arith.constant 2560 : i32
        %dma_start3A_1023 = tpu.memref_slice %arg5[%dma_start3A_1022] : memref<3200xi32, #tpu.memory_space<vmem>> -> memref<128xi32, #tpu.memory_space<vmem>>
        %dma_start3A_1024 = arith.constant 0 : i32
        %dma_start3A_1025 = arith.constant 0 : i32
        %dma_start3A_1026 = tpu.memref_slice %arg3[%dma_start3A_1024, %dma_start3A_1025] : memref<1000000x16xf32, #tpu.memory_space<hbm>> -> memref<1000000x16xf32, #tpu.memory_space<hbm>>
        tpu.enqueue_indirect_dma source(%dma_start3A_1026 : memref<1000000x16xf32, #tpu.memory_space<hbm>>) target(%dma_start3A_1021 : memref<128x16xf32, #tpu.memory_space<vmem>>) offsets(%dma_start3A_1023 : memref<128xi32, #tpu.memory_space<vmem>>) semaphore(%arg10 : memref<!tpu.dma_semaphore, #tpu.memory_space<semaphore_mem>>)
        %dma_start3A_1027 = arith.constant 2688 : i32
        %dma_start3A_1028 = arith.constant 0 : i32
        %dma_start3A_1029 = tpu.memref_slice %arg7[%dma_start3A_1027, %dma_start3A_1028] : memref<3200x16xf32, #tpu.memory_space<vmem>> -> memref<128x16xf32, #tpu.memory_space<vmem>>
        %dma_start3A_1030 = arith.constant 2688 : i32
        %dma_start3A_1031 = tpu.memref_slice %arg5[%dma_start3A_1030] : memref<3200xi32, #tpu.memory_space<vmem>> -> memref<128xi32, #tpu.memory_space<vmem>>
        %dma_start3A_1032 = arith.constant 0 : i32
        %dma_start3A_1033 = arith.constant 0 : i32
        %dma_start3A_1034 = tpu.memref_slice %arg3[%dma_start3A_1032, %dma_start3A_1033] : memref<1000000x16xf32, #tpu.memory_space<hbm>> -> memref<1000000x16xf32, #tpu.memory_space<hbm>>
        tpu.enqueue_indirect_dma source(%dma_start3A_1034 : memref<1000000x16xf32, #tpu.memory_space<hbm>>) target(%dma_start3A_1029 : memref<128x16xf32, #tpu.memory_space<vmem>>) offsets(%dma_start3A_1031 : memref<128xi32, #tpu.memory_space<vmem>>) semaphore(%arg10 : memref<!tpu.dma_semaphore, #tpu.memory_space<semaphore_mem>>)
        %dma_start3A_1035 = arith.constant 2816 : i32
        %dma_start3A_1036 = arith.constant 0 : i32
        %dma_start3A_1037 = tpu.memref_slice %arg7[%dma_start3A_1035, %dma_start3A_1036] : memref<3200x16xf32, #tpu.memory_space<vmem>> -> memref<128x16xf32, #tpu.memory_space<vmem>>
        %dma_start3A_1038 = arith.constant 2816 : i32
        %dma_start3A_1039 = tpu.memref_slice %arg5[%dma_start3A_1038] : memref<3200xi32, #tpu.memory_space<vmem>> -> memref<128xi32, #tpu.memory_space<vmem>>
        %dma_start3A_1040 = arith.constant 0 : i32
        %dma_start3A_1041 = arith.constant 0 : i32
        %dma_start3A_1042 = tpu.memref_slice %arg3[%dma_start3A_1040, %dma_start3A_1041] : memref<1000000x16xf32, #tpu.memory_space<hbm>> -> memref<1000000x16xf32, #tpu.memory_space<hbm>>
        tpu.enqueue_indirect_dma source(%dma_start3A_1042 : memref<1000000x16xf32, #tpu.memory_space<hbm>>) target(%dma_start3A_1037 : memref<128x16xf32, #tpu.memory_space<vmem>>) offsets(%dma_start3A_1039 : memref<128xi32, #tpu.memory_space<vmem>>) semaphore(%arg10 : memref<!tpu.dma_semaphore, #tpu.memory_space<semaphore_mem>>)
        %dma_start3A_1043 = arith.constant 2944 : i32
        %dma_start3A_1044 = arith.constant 0 : i32
        %dma_start3A_1045 = tpu.memref_slice %arg7[%dma_start3A_1043, %dma_start3A_1044] : memref<3200x16xf32, #tpu.memory_space<vmem>> -> memref<128x16xf32, #tpu.memory_space<vmem>>
        %dma_start3A_1046 = arith.constant 2944 : i32
        %dma_start3A_1047 = tpu.memref_slice %arg5[%dma_start3A_1046] : memref<3200xi32, #tpu.memory_space<vmem>> -> memref<128xi32, #tpu.memory_space<vmem>>
        %dma_start3A_1048 = arith.constant 0 : i32
        %dma_start3A_1049 = arith.constant 0 : i32
        %dma_start3A_1050 = tpu.memref_slice %arg3[%dma_start3A_1048, %dma_start3A_1049] : memref<1000000x16xf32, #tpu.memory_space<hbm>> -> memref<1000000x16xf32, #tpu.memory_space<hbm>>
        tpu.enqueue_indirect_dma source(%dma_start3A_1050 : memref<1000000x16xf32, #tpu.memory_space<hbm>>) target(%dma_start3A_1045 : memref<128x16xf32, #tpu.memory_space<vmem>>) offsets(%dma_start3A_1047 : memref<128xi32, #tpu.memory_space<vmem>>) semaphore(%arg10 : memref<!tpu.dma_semaphore, #tpu.memory_space<semaphore_mem>>)
        %dma_start3A_1051 = arith.constant 3072 : i32
        %dma_start3A_1052 = arith.constant 0 : i32
        %dma_start3A_1053 = tpu.memref_slice %arg7[%dma_start3A_1051, %dma_start3A_1052] : memref<3200x16xf32, #tpu.memory_space<vmem>> -> memref<128x16xf32, #tpu.memory_space<vmem>>
        %dma_start3A_1054 = arith.constant 3072 : i32
        %dma_start3A_1055 = tpu.memref_slice %arg5[%dma_start3A_1054] : memref<3200xi32, #tpu.memory_space<vmem>> -> memref<128xi32, #tpu.memory_space<vmem>>
        %dma_start3A_1056 = arith.constant 0 : i32
        %dma_start3A_1057 = arith.constant 0 : i32
        %dma_start3A_1058 = tpu.memref_slice %arg3[%dma_start3A_1056, %dma_start3A_1057] : memref<1000000x16xf32, #tpu.memory_space<hbm>> -> memref<1000000x16xf32, #tpu.memory_space<hbm>>
        tpu.enqueue_indirect_dma source(%dma_start3A_1058 : memref<1000000x16xf32, #tpu.memory_space<hbm>>) target(%dma_start3A_1053 : memref<128x16xf32, #tpu.memory_space<vmem>>) offsets(%dma_start3A_1055 : memref<128xi32, #tpu.memory_space<vmem>>) semaphore(%arg10 : memref<!tpu.dma_semaphore, #tpu.memory_space<semaphore_mem>>)
      } else {
      }
      %add3A_637 = arith.constant 1 : i32
      %add3A_638 = arith.addi %mul3A_213, %add3A_637 : i32
      %mul3A_639 = arith.constant 512 : i32
      %mul3A_640 = arith.muli %add3A, %mul3A_639 : i32
      %mul3A_641 = arith.constant 16 : i32
      %mul3A_642 = arith.muli %add3A_638, %mul3A_641 : i32
      %add3A_643 = arith.addi %mul3A_640, %mul3A_642 : i32
      %dma_wait3A_644 = arith.constant 0 : i32
      %dma_wait3A_645 = arith.constant 0 : i32
      %dma_wait3A_646 = tpu.memref_slice %arg8[%dma_wait3A_644, %dma_wait3A_645] : memref<3200x16xf32, #tpu.memory_space<vmem>> -> memref<128x16xf32, #tpu.memory_space<vmem>>
      %dma_wait3A_647 = arith.constant 0 : i32
      %dma_wait3A_648 = tpu.memref_slice %arg6[%dma_wait3A_647] : memref<3200xi32, #tpu.memory_space<vmem>> -> memref<128xi32, #tpu.memory_space<vmem>>
      %dma_wait3A_649 = arith.constant 0 : i32
      %dma_wait3A_650 = arith.constant 0 : i32
      %dma_wait3A_651 = tpu.memref_slice %arg3[%dma_wait3A_649, %dma_wait3A_650] : memref<1000000x16xf32, #tpu.memory_space<hbm>> -> memref<1000000x16xf32, #tpu.memory_space<hbm>>
      tpu.wait_indirect_dma semaphore(%arg11 : memref<!tpu.dma_semaphore, #tpu.memory_space<semaphore_mem>>) src(%dma_wait3A_651 : memref<1000000x16xf32, #tpu.memory_space<hbm>>) dst(%dma_wait3A_646 : memref<128x16xf32, #tpu.memory_space<vmem>>)
      %dma_wait3A_652 = arith.constant 128 : i32
      %dma_wait3A_653 = arith.constant 0 : i32
      %dma_wait3A_654 = tpu.memref_slice %arg8[%dma_wait3A_652, %dma_wait3A_653] : memref<3200x16xf32, #tpu.memory_space<vmem>> -> memref<128x16xf32, #tpu.memory_space<vmem>>
      %dma_wait3A_655 = arith.constant 128 : i32
      %dma_wait3A_656 = tpu.memref_slice %arg6[%dma_wait3A_655] : memref<3200xi32, #tpu.memory_space<vmem>> -> memref<128xi32, #tpu.memory_space<vmem>>
      %dma_wait3A_657 = arith.constant 0 : i32
      %dma_wait3A_658 = arith.constant 0 : i32
      %dma_wait3A_659 = tpu.memref_slice %arg3[%dma_wait3A_657, %dma_wait3A_658] : memref<1000000x16xf32, #tpu.memory_space<hbm>> -> memref<1000000x16xf32, #tpu.memory_space<hbm>>
      tpu.wait_indirect_dma semaphore(%arg11 : memref<!tpu.dma_semaphore, #tpu.memory_space<semaphore_mem>>) src(%dma_wait3A_659 : memref<1000000x16xf32, #tpu.memory_space<hbm>>) dst(%dma_wait3A_654 : memref<128x16xf32, #tpu.memory_space<vmem>>)
      %dma_wait3A_660 = arith.constant 256 : i32
      %dma_wait3A_661 = arith.constant 0 : i32
      %dma_wait3A_662 = tpu.memref_slice %arg8[%dma_wait3A_660, %dma_wait3A_661] : memref<3200x16xf32, #tpu.memory_space<vmem>> -> memref<128x16xf32, #tpu.memory_space<vmem>>
      %dma_wait3A_663 = arith.constant 256 : i32
      %dma_wait3A_664 = tpu.memref_slice %arg6[%dma_wait3A_663] : memref<3200xi32, #tpu.memory_space<vmem>> -> memref<128xi32, #tpu.memory_space<vmem>>
      %dma_wait3A_665 = arith.constant 0 : i32
      %dma_wait3A_666 = arith.constant 0 : i32
      %dma_wait3A_667 = tpu.memref_slice %arg3[%dma_wait3A_665, %dma_wait3A_666] : memref<1000000x16xf32, #tpu.memory_space<hbm>> -> memref<1000000x16xf32, #tpu.memory_space<hbm>>
      tpu.wait_indirect_dma semaphore(%arg11 : memref<!tpu.dma_semaphore, #tpu.memory_space<semaphore_mem>>) src(%dma_wait3A_667 : memref<1000000x16xf32, #tpu.memory_space<hbm>>) dst(%dma_wait3A_662 : memref<128x16xf32, #tpu.memory_space<vmem>>)
      %dma_wait3A_668 = arith.constant 384 : i32
      %dma_wait3A_669 = arith.constant 0 : i32
      %dma_wait3A_670 = tpu.memref_slice %arg8[%dma_wait3A_668, %dma_wait3A_669] : memref<3200x16xf32, #tpu.memory_space<vmem>> -> memref<128x16xf32, #tpu.memory_space<vmem>>
      %dma_wait3A_671 = arith.constant 384 : i32
      %dma_wait3A_672 = tpu.memref_slice %arg6[%dma_wait3A_671] : memref<3200xi32, #tpu.memory_space<vmem>> -> memref<128xi32, #tpu.memory_space<vmem>>
      %dma_wait3A_673 = arith.constant 0 : i32
      %dma_wait3A_674 = arith.constant 0 : i32
      %dma_wait3A_675 = tpu.memref_slice %arg3[%dma_wait3A_673, %dma_wait3A_674] : memref<1000000x16xf32, #tpu.memory_space<hbm>> -> memref<1000000x16xf32, #tpu.memory_space<hbm>>
      tpu.wait_indirect_dma semaphore(%arg11 : memref<!tpu.dma_semaphore, #tpu.memory_space<semaphore_mem>>) src(%dma_wait3A_675 : memref<1000000x16xf32, #tpu.memory_space<hbm>>) dst(%dma_wait3A_670 : memref<128x16xf32, #tpu.memory_space<vmem>>)
      %dma_wait3A_676 = arith.constant 512 : i32
      %dma_wait3A_677 = arith.constant 0 : i32
      %dma_wait3A_678 = tpu.memref_slice %arg8[%dma_wait3A_676, %dma_wait3A_677] : memref<3200x16xf32, #tpu.memory_space<vmem>> -> memref<128x16xf32, #tpu.memory_space<vmem>>
      %dma_wait3A_679 = arith.constant 512 : i32
      %dma_wait3A_680 = tpu.memref_slice %arg6[%dma_wait3A_679] : memref<3200xi32, #tpu.memory_space<vmem>> -> memref<128xi32, #tpu.memory_space<vmem>>
      %dma_wait3A_681 = arith.constant 0 : i32
      %dma_wait3A_682 = arith.constant 0 : i32
      %dma_wait3A_683 = tpu.memref_slice %arg3[%dma_wait3A_681, %dma_wait3A_682] : memref<1000000x16xf32, #tpu.memory_space<hbm>> -> memref<1000000x16xf32, #tpu.memory_space<hbm>>
      tpu.wait_indirect_dma semaphore(%arg11 : memref<!tpu.dma_semaphore, #tpu.memory_space<semaphore_mem>>) src(%dma_wait3A_683 : memref<1000000x16xf32, #tpu.memory_space<hbm>>) dst(%dma_wait3A_678 : memref<128x16xf32, #tpu.memory_space<vmem>>)
      %dma_wait3A_684 = arith.constant 640 : i32
      %dma_wait3A_685 = arith.constant 0 : i32
      %dma_wait3A_686 = tpu.memref_slice %arg8[%dma_wait3A_684, %dma_wait3A_685] : memref<3200x16xf32, #tpu.memory_space<vmem>> -> memref<128x16xf32, #tpu.memory_space<vmem>>
      %dma_wait3A_687 = arith.constant 640 : i32
      %dma_wait3A_688 = tpu.memref_slice %arg6[%dma_wait3A_687] : memref<3200xi32, #tpu.memory_space<vmem>> -> memref<128xi32, #tpu.memory_space<vmem>>
      %dma_wait3A_689 = arith.constant 0 : i32
      %dma_wait3A_690 = arith.constant 0 : i32
      %dma_wait3A_691 = tpu.memref_slice %arg3[%dma_wait3A_689, %dma_wait3A_690] : memref<1000000x16xf32, #tpu.memory_space<hbm>> -> memref<1000000x16xf32, #tpu.memory_space<hbm>>
      tpu.wait_indirect_dma semaphore(%arg11 : memref<!tpu.dma_semaphore, #tpu.memory_space<semaphore_mem>>) src(%dma_wait3A_691 : memref<1000000x16xf32, #tpu.memory_space<hbm>>) dst(%dma_wait3A_686 : memref<128x16xf32, #tpu.memory_space<vmem>>)
      %dma_wait3A_692 = arith.constant 768 : i32
      %dma_wait3A_693 = arith.constant 0 : i32
      %dma_wait3A_694 = tpu.memref_slice %arg8[%dma_wait3A_692, %dma_wait3A_693] : memref<3200x16xf32, #tpu.memory_space<vmem>> -> memref<128x16xf32, #tpu.memory_space<vmem>>
      %dma_wait3A_695 = arith.constant 768 : i32
      %dma_wait3A_696 = tpu.memref_slice %arg6[%dma_wait3A_695] : memref<3200xi32, #tpu.memory_space<vmem>> -> memref<128xi32, #tpu.memory_space<vmem>>
      %dma_wait3A_697 = arith.constant 0 : i32
      %dma_wait3A_698 = arith.constant 0 : i32
      %dma_wait3A_699 = tpu.memref_slice %arg3[%dma_wait3A_697, %dma_wait3A_698] : memref<1000000x16xf32, #tpu.memory_space<hbm>> -> memref<1000000x16xf32, #tpu.memory_space<hbm>>
      tpu.wait_indirect_dma semaphore(%arg11 : memref<!tpu.dma_semaphore, #tpu.memory_space<semaphore_mem>>) src(%dma_wait3A_699 : memref<1000000x16xf32, #tpu.memory_space<hbm>>) dst(%dma_wait3A_694 : memref<128x16xf32, #tpu.memory_space<vmem>>)
      %dma_wait3A_700 = arith.constant 896 : i32
      %dma_wait3A_701 = arith.constant 0 : i32
      %dma_wait3A_702 = tpu.memref_slice %arg8[%dma_wait3A_700, %dma_wait3A_701] : memref<3200x16xf32, #tpu.memory_space<vmem>> -> memref<128x16xf32, #tpu.memory_space<vmem>>
      %dma_wait3A_703 = arith.constant 896 : i32
      %dma_wait3A_704 = tpu.memref_slice %arg6[%dma_wait3A_703] : memref<3200xi32, #tpu.memory_space<vmem>> -> memref<128xi32, #tpu.memory_space<vmem>>
      %dma_wait3A_705 = arith.constant 0 : i32
      %dma_wait3A_706 = arith.constant 0 : i32
      %dma_wait3A_707 = tpu.memref_slice %arg3[%dma_wait3A_705, %dma_wait3A_706] : memref<1000000x16xf32, #tpu.memory_space<hbm>> -> memref<1000000x16xf32, #tpu.memory_space<hbm>>
      tpu.wait_indirect_dma semaphore(%arg11 : memref<!tpu.dma_semaphore, #tpu.memory_space<semaphore_mem>>) src(%dma_wait3A_707 : memref<1000000x16xf32, #tpu.memory_space<hbm>>) dst(%dma_wait3A_702 : memref<128x16xf32, #tpu.memory_space<vmem>>)
      %dma_wait3A_708 = arith.constant 1024 : i32
      %dma_wait3A_709 = arith.constant 0 : i32
      %dma_wait3A_710 = tpu.memref_slice %arg8[%dma_wait3A_708, %dma_wait3A_709] : memref<3200x16xf32, #tpu.memory_space<vmem>> -> memref<128x16xf32, #tpu.memory_space<vmem>>
      %dma_wait3A_711 = arith.constant 1024 : i32
      %dma_wait3A_712 = tpu.memref_slice %arg6[%dma_wait3A_711] : memref<3200xi32, #tpu.memory_space<vmem>> -> memref<128xi32, #tpu.memory_space<vmem>>
      %dma_wait3A_713 = arith.constant 0 : i32
      %dma_wait3A_714 = arith.constant 0 : i32
      %dma_wait3A_715 = tpu.memref_slice %arg3[%dma_wait3A_713, %dma_wait3A_714] : memref<1000000x16xf32, #tpu.memory_space<hbm>> -> memref<1000000x16xf32, #tpu.memory_space<hbm>>
      tpu.wait_indirect_dma semaphore(%arg11 : memref<!tpu.dma_semaphore, #tpu.memory_space<semaphore_mem>>) src(%dma_wait3A_715 : memref<1000000x16xf32, #tpu.memory_space<hbm>>) dst(%dma_wait3A_710 : memref<128x16xf32, #tpu.memory_space<vmem>>)
      %dma_wait3A_716 = arith.constant 1152 : i32
      %dma_wait3A_717 = arith.constant 0 : i32
      %dma_wait3A_718 = tpu.memref_slice %arg8[%dma_wait3A_716, %dma_wait3A_717] : memref<3200x16xf32, #tpu.memory_space<vmem>> -> memref<128x16xf32, #tpu.memory_space<vmem>>
      %dma_wait3A_719 = arith.constant 1152 : i32
      %dma_wait3A_720 = tpu.memref_slice %arg6[%dma_wait3A_719] : memref<3200xi32, #tpu.memory_space<vmem>> -> memref<128xi32, #tpu.memory_space<vmem>>
      %dma_wait3A_721 = arith.constant 0 : i32
      %dma_wait3A_722 = arith.constant 0 : i32
      %dma_wait3A_723 = tpu.memref_slice %arg3[%dma_wait3A_721, %dma_wait3A_722] : memref<1000000x16xf32, #tpu.memory_space<hbm>> -> memref<1000000x16xf32, #tpu.memory_space<hbm>>
      tpu.wait_indirect_dma semaphore(%arg11 : memref<!tpu.dma_semaphore, #tpu.memory_space<semaphore_mem>>) src(%dma_wait3A_723 : memref<1000000x16xf32, #tpu.memory_space<hbm>>) dst(%dma_wait3A_718 : memref<128x16xf32, #tpu.memory_space<vmem>>)
      %dma_wait3A_724 = arith.constant 1280 : i32
      %dma_wait3A_725 = arith.constant 0 : i32
      %dma_wait3A_726 = tpu.memref_slice %arg8[%dma_wait3A_724, %dma_wait3A_725] : memref<3200x16xf32, #tpu.memory_space<vmem>> -> memref<128x16xf32, #tpu.memory_space<vmem>>
      %dma_wait3A_727 = arith.constant 1280 : i32
      %dma_wait3A_728 = tpu.memref_slice %arg6[%dma_wait3A_727] : memref<3200xi32, #tpu.memory_space<vmem>> -> memref<128xi32, #tpu.memory_space<vmem>>
      %dma_wait3A_729 = arith.constant 0 : i32
      %dma_wait3A_730 = arith.constant 0 : i32
      %dma_wait3A_731 = tpu.memref_slice %arg3[%dma_wait3A_729, %dma_wait3A_730] : memref<1000000x16xf32, #tpu.memory_space<hbm>> -> memref<1000000x16xf32, #tpu.memory_space<hbm>>
      tpu.wait_indirect_dma semaphore(%arg11 : memref<!tpu.dma_semaphore, #tpu.memory_space<semaphore_mem>>) src(%dma_wait3A_731 : memref<1000000x16xf32, #tpu.memory_space<hbm>>) dst(%dma_wait3A_726 : memref<128x16xf32, #tpu.memory_space<vmem>>)
      %dma_wait3A_732 = arith.constant 1408 : i32
      %dma_wait3A_733 = arith.constant 0 : i32
      %dma_wait3A_734 = tpu.memref_slice %arg8[%dma_wait3A_732, %dma_wait3A_733] : memref<3200x16xf32, #tpu.memory_space<vmem>> -> memref<128x16xf32, #tpu.memory_space<vmem>>
      %dma_wait3A_735 = arith.constant 1408 : i32
      %dma_wait3A_736 = tpu.memref_slice %arg6[%dma_wait3A_735] : memref<3200xi32, #tpu.memory_space<vmem>> -> memref<128xi32, #tpu.memory_space<vmem>>
      %dma_wait3A_737 = arith.constant 0 : i32
      %dma_wait3A_738 = arith.constant 0 : i32
      %dma_wait3A_739 = tpu.memref_slice %arg3[%dma_wait3A_737, %dma_wait3A_738] : memref<1000000x16xf32, #tpu.memory_space<hbm>> -> memref<1000000x16xf32, #tpu.memory_space<hbm>>
      tpu.wait_indirect_dma semaphore(%arg11 : memref<!tpu.dma_semaphore, #tpu.memory_space<semaphore_mem>>) src(%dma_wait3A_739 : memref<1000000x16xf32, #tpu.memory_space<hbm>>) dst(%dma_wait3A_734 : memref<128x16xf32, #tpu.memory_space<vmem>>)
      %dma_wait3A_740 = arith.constant 1536 : i32
      %dma_wait3A_741 = arith.constant 0 : i32
      %dma_wait3A_742 = tpu.memref_slice %arg8[%dma_wait3A_740, %dma_wait3A_741] : memref<3200x16xf32, #tpu.memory_space<vmem>> -> memref<128x16xf32, #tpu.memory_space<vmem>>
      %dma_wait3A_743 = arith.constant 1536 : i32
      %dma_wait3A_744 = tpu.memref_slice %arg6[%dma_wait3A_743] : memref<3200xi32, #tpu.memory_space<vmem>> -> memref<128xi32, #tpu.memory_space<vmem>>
      %dma_wait3A_745 = arith.constant 0 : i32
      %dma_wait3A_746 = arith.constant 0 : i32
      %dma_wait3A_747 = tpu.memref_slice %arg3[%dma_wait3A_745, %dma_wait3A_746] : memref<1000000x16xf32, #tpu.memory_space<hbm>> -> memref<1000000x16xf32, #tpu.memory_space<hbm>>
      tpu.wait_indirect_dma semaphore(%arg11 : memref<!tpu.dma_semaphore, #tpu.memory_space<semaphore_mem>>) src(%dma_wait3A_747 : memref<1000000x16xf32, #tpu.memory_space<hbm>>) dst(%dma_wait3A_742 : memref<128x16xf32, #tpu.memory_space<vmem>>)
      %dma_wait3A_748 = arith.constant 1664 : i32
      %dma_wait3A_749 = arith.constant 0 : i32
      %dma_wait3A_750 = tpu.memref_slice %arg8[%dma_wait3A_748, %dma_wait3A_749] : memref<3200x16xf32, #tpu.memory_space<vmem>> -> memref<128x16xf32, #tpu.memory_space<vmem>>
      %dma_wait3A_751 = arith.constant 1664 : i32
      %dma_wait3A_752 = tpu.memref_slice %arg6[%dma_wait3A_751] : memref<3200xi32, #tpu.memory_space<vmem>> -> memref<128xi32, #tpu.memory_space<vmem>>
      %dma_wait3A_753 = arith.constant 0 : i32
      %dma_wait3A_754 = arith.constant 0 : i32
      %dma_wait3A_755 = tpu.memref_slice %arg3[%dma_wait3A_753, %dma_wait3A_754] : memref<1000000x16xf32, #tpu.memory_space<hbm>> -> memref<1000000x16xf32, #tpu.memory_space<hbm>>
      tpu.wait_indirect_dma semaphore(%arg11 : memref<!tpu.dma_semaphore, #tpu.memory_space<semaphore_mem>>) src(%dma_wait3A_755 : memref<1000000x16xf32, #tpu.memory_space<hbm>>) dst(%dma_wait3A_750 : memref<128x16xf32, #tpu.memory_space<vmem>>)
      %dma_wait3A_756 = arith.constant 1792 : i32
      %dma_wait3A_757 = arith.constant 0 : i32
      %dma_wait3A_758 = tpu.memref_slice %arg8[%dma_wait3A_756, %dma_wait3A_757] : memref<3200x16xf32, #tpu.memory_space<vmem>> -> memref<128x16xf32, #tpu.memory_space<vmem>>
      %dma_wait3A_759 = arith.constant 1792 : i32
      %dma_wait3A_760 = tpu.memref_slice %arg6[%dma_wait3A_759] : memref<3200xi32, #tpu.memory_space<vmem>> -> memref<128xi32, #tpu.memory_space<vmem>>
      %dma_wait3A_761 = arith.constant 0 : i32
      %dma_wait3A_762 = arith.constant 0 : i32
      %dma_wait3A_763 = tpu.memref_slice %arg3[%dma_wait3A_761, %dma_wait3A_762] : memref<1000000x16xf32, #tpu.memory_space<hbm>> -> memref<1000000x16xf32, #tpu.memory_space<hbm>>
      tpu.wait_indirect_dma semaphore(%arg11 : memref<!tpu.dma_semaphore, #tpu.memory_space<semaphore_mem>>) src(%dma_wait3A_763 : memref<1000000x16xf32, #tpu.memory_space<hbm>>) dst(%dma_wait3A_758 : memref<128x16xf32, #tpu.memory_space<vmem>>)
      %dma_wait3A_764 = arith.constant 1920 : i32
      %dma_wait3A_765 = arith.constant 0 : i32
      %dma_wait3A_766 = tpu.memref_slice %arg8[%dma_wait3A_764, %dma_wait3A_765] : memref<3200x16xf32, #tpu.memory_space<vmem>> -> memref<128x16xf32, #tpu.memory_space<vmem>>
      %dma_wait3A_767 = arith.constant 1920 : i32
      %dma_wait3A_768 = tpu.memref_slice %arg6[%dma_wait3A_767] : memref<3200xi32, #tpu.memory_space<vmem>> -> memref<128xi32, #tpu.memory_space<vmem>>
      %dma_wait3A_769 = arith.constant 0 : i32
      %dma_wait3A_770 = arith.constant 0 : i32
      %dma_wait3A_771 = tpu.memref_slice %arg3[%dma_wait3A_769, %dma_wait3A_770] : memref<1000000x16xf32, #tpu.memory_space<hbm>> -> memref<1000000x16xf32, #tpu.memory_space<hbm>>
      tpu.wait_indirect_dma semaphore(%arg11 : memref<!tpu.dma_semaphore, #tpu.memory_space<semaphore_mem>>) src(%dma_wait3A_771 : memref<1000000x16xf32, #tpu.memory_space<hbm>>) dst(%dma_wait3A_766 : memref<128x16xf32, #tpu.memory_space<vmem>>)
      %dma_wait3A_772 = arith.constant 2048 : i32
      %dma_wait3A_773 = arith.constant 0 : i32
      %dma_wait3A_774 = tpu.memref_slice %arg8[%dma_wait3A_772, %dma_wait3A_773] : memref<3200x16xf32, #tpu.memory_space<vmem>> -> memref<128x16xf32, #tpu.memory_space<vmem>>
      %dma_wait3A_775 = arith.constant 2048 : i32
      %dma_wait3A_776 = tpu.memref_slice %arg6[%dma_wait3A_775] : memref<3200xi32, #tpu.memory_space<vmem>> -> memref<128xi32, #tpu.memory_space<vmem>>
      %dma_wait3A_777 = arith.constant 0 : i32
      %dma_wait3A_778 = arith.constant 0 : i32
      %dma_wait3A_779 = tpu.memref_slice %arg3[%dma_wait3A_777, %dma_wait3A_778] : memref<1000000x16xf32, #tpu.memory_space<hbm>> -> memref<1000000x16xf32, #tpu.memory_space<hbm>>
      tpu.wait_indirect_dma semaphore(%arg11 : memref<!tpu.dma_semaphore, #tpu.memory_space<semaphore_mem>>) src(%dma_wait3A_779 : memref<1000000x16xf32, #tpu.memory_space<hbm>>) dst(%dma_wait3A_774 : memref<128x16xf32, #tpu.memory_space<vmem>>)
      %dma_wait3A_780 = arith.constant 2176 : i32
      %dma_wait3A_781 = arith.constant 0 : i32
      %dma_wait3A_782 = tpu.memref_slice %arg8[%dma_wait3A_780, %dma_wait3A_781] : memref<3200x16xf32, #tpu.memory_space<vmem>> -> memref<128x16xf32, #tpu.memory_space<vmem>>
      %dma_wait3A_783 = arith.constant 2176 : i32
      %dma_wait3A_784 = tpu.memref_slice %arg6[%dma_wait3A_783] : memref<3200xi32, #tpu.memory_space<vmem>> -> memref<128xi32, #tpu.memory_space<vmem>>
      %dma_wait3A_785 = arith.constant 0 : i32
      %dma_wait3A_786 = arith.constant 0 : i32
      %dma_wait3A_787 = tpu.memref_slice %arg3[%dma_wait3A_785, %dma_wait3A_786] : memref<1000000x16xf32, #tpu.memory_space<hbm>> -> memref<1000000x16xf32, #tpu.memory_space<hbm>>
      tpu.wait_indirect_dma semaphore(%arg11 : memref<!tpu.dma_semaphore, #tpu.memory_space<semaphore_mem>>) src(%dma_wait3A_787 : memref<1000000x16xf32, #tpu.memory_space<hbm>>) dst(%dma_wait3A_782 : memref<128x16xf32, #tpu.memory_space<vmem>>)
      %dma_wait3A_788 = arith.constant 2304 : i32
      %dma_wait3A_789 = arith.constant 0 : i32
      %dma_wait3A_790 = tpu.memref_slice %arg8[%dma_wait3A_788, %dma_wait3A_789] : memref<3200x16xf32, #tpu.memory_space<vmem>> -> memref<128x16xf32, #tpu.memory_space<vmem>>
      %dma_wait3A_791 = arith.constant 2304 : i32
      %dma_wait3A_792 = tpu.memref_slice %arg6[%dma_wait3A_791] : memref<3200xi32, #tpu.memory_space<vmem>> -> memref<128xi32, #tpu.memory_space<vmem>>
      %dma_wait3A_793 = arith.constant 0 : i32
      %dma_wait3A_794 = arith.constant 0 : i32
      %dma_wait3A_795 = tpu.memref_slice %arg3[%dma_wait3A_793, %dma_wait3A_794] : memref<1000000x16xf32, #tpu.memory_space<hbm>> -> memref<1000000x16xf32, #tpu.memory_space<hbm>>
      tpu.wait_indirect_dma semaphore(%arg11 : memref<!tpu.dma_semaphore, #tpu.memory_space<semaphore_mem>>) src(%dma_wait3A_795 : memref<1000000x16xf32, #tpu.memory_space<hbm>>) dst(%dma_wait3A_790 : memref<128x16xf32, #tpu.memory_space<vmem>>)
      %dma_wait3A_796 = arith.constant 2432 : i32
      %dma_wait3A_797 = arith.constant 0 : i32
      %dma_wait3A_798 = tpu.memref_slice %arg8[%dma_wait3A_796, %dma_wait3A_797] : memref<3200x16xf32, #tpu.memory_space<vmem>> -> memref<128x16xf32, #tpu.memory_space<vmem>>
      %dma_wait3A_799 = arith.constant 2432 : i32
      %dma_wait3A_800 = tpu.memref_slice %arg6[%dma_wait3A_799] : memref<3200xi32, #tpu.memory_space<vmem>> -> memref<128xi32, #tpu.memory_space<vmem>>
      %dma_wait3A_801 = arith.constant 0 : i32
      %dma_wait3A_802 = arith.constant 0 : i32
      %dma_wait3A_803 = tpu.memref_slice %arg3[%dma_wait3A_801, %dma_wait3A_802] : memref<1000000x16xf32, #tpu.memory_space<hbm>> -> memref<1000000x16xf32, #tpu.memory_space<hbm>>
      tpu.wait_indirect_dma semaphore(%arg11 : memref<!tpu.dma_semaphore, #tpu.memory_space<semaphore_mem>>) src(%dma_wait3A_803 : memref<1000000x16xf32, #tpu.memory_space<hbm>>) dst(%dma_wait3A_798 : memref<128x16xf32, #tpu.memory_space<vmem>>)
      %dma_wait3A_804 = arith.constant 2560 : i32
      %dma_wait3A_805 = arith.constant 0 : i32
      %dma_wait3A_806 = tpu.memref_slice %arg8[%dma_wait3A_804, %dma_wait3A_805] : memref<3200x16xf32, #tpu.memory_space<vmem>> -> memref<128x16xf32, #tpu.memory_space<vmem>>
      %dma_wait3A_807 = arith.constant 2560 : i32
      %dma_wait3A_808 = tpu.memref_slice %arg6[%dma_wait3A_807] : memref<3200xi32, #tpu.memory_space<vmem>> -> memref<128xi32, #tpu.memory_space<vmem>>
      %dma_wait3A_809 = arith.constant 0 : i32
      %dma_wait3A_810 = arith.constant 0 : i32
      %dma_wait3A_811 = tpu.memref_slice %arg3[%dma_wait3A_809, %dma_wait3A_810] : memref<1000000x16xf32, #tpu.memory_space<hbm>> -> memref<1000000x16xf32, #tpu.memory_space<hbm>>
      tpu.wait_indirect_dma semaphore(%arg11 : memref<!tpu.dma_semaphore, #tpu.memory_space<semaphore_mem>>) src(%dma_wait3A_811 : memref<1000000x16xf32, #tpu.memory_space<hbm>>) dst(%dma_wait3A_806 : memref<128x16xf32, #tpu.memory_space<vmem>>)
      %dma_wait3A_812 = arith.constant 2688 : i32
      %dma_wait3A_813 = arith.constant 0 : i32
      %dma_wait3A_814 = tpu.memref_slice %arg8[%dma_wait3A_812, %dma_wait3A_813] : memref<3200x16xf32, #tpu.memory_space<vmem>> -> memref<128x16xf32, #tpu.memory_space<vmem>>
      %dma_wait3A_815 = arith.constant 2688 : i32
      %dma_wait3A_816 = tpu.memref_slice %arg6[%dma_wait3A_815] : memref<3200xi32, #tpu.memory_space<vmem>> -> memref<128xi32, #tpu.memory_space<vmem>>
      %dma_wait3A_817 = arith.constant 0 : i32
      %dma_wait3A_818 = arith.constant 0 : i32
      %dma_wait3A_819 = tpu.memref_slice %arg3[%dma_wait3A_817, %dma_wait3A_818] : memref<1000000x16xf32, #tpu.memory_space<hbm>> -> memref<1000000x16xf32, #tpu.memory_space<hbm>>
      tpu.wait_indirect_dma semaphore(%arg11 : memref<!tpu.dma_semaphore, #tpu.memory_space<semaphore_mem>>) src(%dma_wait3A_819 : memref<1000000x16xf32, #tpu.memory_space<hbm>>) dst(%dma_wait3A_814 : memref<128x16xf32, #tpu.memory_space<vmem>>)
      %dma_wait3A_820 = arith.constant 2816 : i32
      %dma_wait3A_821 = arith.constant 0 : i32
      %dma_wait3A_822 = tpu.memref_slice %arg8[%dma_wait3A_820, %dma_wait3A_821] : memref<3200x16xf32, #tpu.memory_space<vmem>> -> memref<128x16xf32, #tpu.memory_space<vmem>>
      %dma_wait3A_823 = arith.constant 2816 : i32
      %dma_wait3A_824 = tpu.memref_slice %arg6[%dma_wait3A_823] : memref<3200xi32, #tpu.memory_space<vmem>> -> memref<128xi32, #tpu.memory_space<vmem>>
      %dma_wait3A_825 = arith.constant 0 : i32
      %dma_wait3A_826 = arith.constant 0 : i32
      %dma_wait3A_827 = tpu.memref_slice %arg3[%dma_wait3A_825, %dma_wait3A_826] : memref<1000000x16xf32, #tpu.memory_space<hbm>> -> memref<1000000x16xf32, #tpu.memory_space<hbm>>
      tpu.wait_indirect_dma semaphore(%arg11 : memref<!tpu.dma_semaphore, #tpu.memory_space<semaphore_mem>>) src(%dma_wait3A_827 : memref<1000000x16xf32, #tpu.memory_space<hbm>>) dst(%dma_wait3A_822 : memref<128x16xf32, #tpu.memory_space<vmem>>)
      %dma_wait3A_828 = arith.constant 2944 : i32
      %dma_wait3A_829 = arith.constant 0 : i32
      %dma_wait3A_830 = tpu.memref_slice %arg8[%dma_wait3A_828, %dma_wait3A_829] : memref<3200x16xf32, #tpu.memory_space<vmem>> -> memref<128x16xf32, #tpu.memory_space<vmem>>
      %dma_wait3A_831 = arith.constant 2944 : i32
      %dma_wait3A_832 = tpu.memref_slice %arg6[%dma_wait3A_831] : memref<3200xi32, #tpu.memory_space<vmem>> -> memref<128xi32, #tpu.memory_space<vmem>>
      %dma_wait3A_833 = arith.constant 0 : i32
      %dma_wait3A_834 = arith.constant 0 : i32
      %dma_wait3A_835 = tpu.memref_slice %arg3[%dma_wait3A_833, %dma_wait3A_834] : memref<1000000x16xf32, #tpu.memory_space<hbm>> -> memref<1000000x16xf32, #tpu.memory_space<hbm>>
      tpu.wait_indirect_dma semaphore(%arg11 : memref<!tpu.dma_semaphore, #tpu.memory_space<semaphore_mem>>) src(%dma_wait3A_835 : memref<1000000x16xf32, #tpu.memory_space<hbm>>) dst(%dma_wait3A_830 : memref<128x16xf32, #tpu.memory_space<vmem>>)
      %dma_wait3A_836 = arith.constant 3072 : i32
      %dma_wait3A_837 = arith.constant 0 : i32
      %dma_wait3A_838 = tpu.memref_slice %arg8[%dma_wait3A_836, %dma_wait3A_837] : memref<3200x16xf32, #tpu.memory_space<vmem>> -> memref<128x16xf32, #tpu.memory_space<vmem>>
      %dma_wait3A_839 = arith.constant 3072 : i32
      %dma_wait3A_840 = tpu.memref_slice %arg6[%dma_wait3A_839] : memref<3200xi32, #tpu.memory_space<vmem>> -> memref<128xi32, #tpu.memory_space<vmem>>
      %dma_wait3A_841 = arith.constant 0 : i32
      %dma_wait3A_842 = arith.constant 0 : i32
      %dma_wait3A_843 = tpu.memref_slice %arg3[%dma_wait3A_841, %dma_wait3A_842] : memref<1000000x16xf32, #tpu.memory_space<hbm>> -> memref<1000000x16xf32, #tpu.memory_space<hbm>>
      tpu.wait_indirect_dma semaphore(%arg11 : memref<!tpu.dma_semaphore, #tpu.memory_space<semaphore_mem>>) src(%dma_wait3A_843 : memref<1000000x16xf32, #tpu.memory_space<hbm>>) dst(%dma_wait3A_838 : memref<128x16xf32, #tpu.memory_space<vmem>>)
      %scan3A_844 = arith.constant 0 : i32
      %scan3A_845 = arith.constant 0 : i32
      %scan3A_846 = arith.constant 16 : i32
      %scan3A_847 = arith.addi %scan3A_845, %scan3A_846 : i32
      %scan3A_848 = arith.constant 1 : i32
      scf.for %scan3A_850 = %scan3A_845 to %scan3A_847 step %scan3A_848  : i32 {
        %mul3A_851 = arith.constant 200 : i32
        %mul3A_852 = arith.muli %scan3A_850, %mul3A_851 : i32
        %broadcast_in_dim3A = arith.constant 0.000000e+00 : f32
        %broadcast_in_dim3A_853 = vector.broadcast %broadcast_in_dim3A : f32 to vector<16xf32>
        %broadcast_in_dim3A_854 = arith.constant 0.000000e+00 : f32
        %broadcast_in_dim3A_855 = vector.broadcast %broadcast_in_dim3A_854 : f32 to vector<16xf32>
        %broadcast_in_dim3A_856 = arith.constant 0.000000e+00 : f32
        %broadcast_in_dim3A_857 = vector.broadcast %broadcast_in_dim3A_856 : f32 to vector<16xf32>
        %broadcast_in_dim3A_858 = arith.constant 0.000000e+00 : f32
        %broadcast_in_dim3A_859 = vector.broadcast %broadcast_in_dim3A_858 : f32 to vector<16xf32>
        %broadcast_in_dim3A_860 = arith.constant 0.000000e+00 : f32
        %broadcast_in_dim3A_861 = vector.broadcast %broadcast_in_dim3A_860 : f32 to vector<16xf32>
        %broadcast_in_dim3A_862 = arith.constant 0.000000e+00 : f32
        %broadcast_in_dim3A_863 = vector.broadcast %broadcast_in_dim3A_862 : f32 to vector<16xf32>
        %broadcast_in_dim3A_864 = arith.constant 0.000000e+00 : f32
        %broadcast_in_dim3A_865 = vector.broadcast %broadcast_in_dim3A_864 : f32 to vector<16xf32>
        %broadcast_in_dim3A_866 = arith.constant 0.000000e+00 : f32
        %broadcast_in_dim3A_867 = vector.broadcast %broadcast_in_dim3A_866 : f32 to vector<16xf32>
        %scan3A_868 = arith.constant 0 : i32
        %scan3A_869 = arith.constant 25 : i32
        %scan3A_870 = arith.addi %scan3A_868, %scan3A_869 : i32
        %scan3A_871 = arith.constant 1 : i32
        %scan3A_872:8 = scf.for %scan3A_888 = %scan3A_868 to %scan3A_870 step %scan3A_871 iter_args(%scan3A_889 = %broadcast_in_dim3A_853, %scan3A_890 = %broadcast_in_dim3A_855, %scan3A_891 = %broadcast_in_dim3A_857, %scan3A_892 = %broadcast_in_dim3A_859, %scan3A_893 = %broadcast_in_dim3A_861, %scan3A_894 = %broadcast_in_dim3A_863, %scan3A_895 = %broadcast_in_dim3A_865, %scan3A_896 = %broadcast_in_dim3A_867) -> (vector<16xf32>, vector<16xf32>, vector<16xf32>, vector<16xf32>, vector<16xf32>, vector<16xf32>, vector<16xf32>, vector<16xf32>)  : i32 {
          %mul3A_897 = arith.constant 8 : i32
          %mul3A_898 = arith.muli %scan3A_888, %mul3A_897 : i32
          %add3A_899 = arith.addi %mul3A_852, %mul3A_898 : i32
          %add3A_900 = arith.constant 0 : i32
          %add3A_901 = arith.addi %add3A_899, %add3A_900 : i32
          %get3A = arith.index_cast %add3A_901 : i32 to index
          %get3A_902 = arith.constant 0 : index
          %get3A_903 = tpu.vector_load %arg8[%get3A, %get3A_902] {strides = array<i32>} : memref<3200x16xf32, #tpu.memory_space<vmem>>, vector<1x16xf32>,
          %get3A_904 = vector.shape_cast %get3A_903 : vector<1x16xf32> to vector<16xf32>
          %add3A_905 = arith.addf %scan3A_889, %get3A_904 : vector<16xf32>
          %add3A_906 = arith.constant 1 : i32
          %add3A_907 = arith.addi %add3A_899, %add3A_906 : i32
          %get3A_908 = arith.index_cast %add3A_907 : i32 to index
          %get3A_909 = arith.constant 0 : index
          %get3A_910 = tpu.vector_load %arg8[%get3A_908, %get3A_909] {strides = array<i32>} : memref<3200x16xf32, #tpu.memory_space<vmem>>, vector<1x16xf32>,
          %get3A_911 = vector.shape_cast %get3A_910 : vector<1x16xf32> to vector<16xf32>
          %add3A_912 = arith.addf %scan3A_890, %get3A_911 : vector<16xf32>
          %add3A_913 = arith.constant 2 : i32
          %add3A_914 = arith.addi %add3A_899, %add3A_913 : i32
          %get3A_915 = arith.index_cast %add3A_914 : i32 to index
          %get3A_916 = arith.constant 0 : index
          %get3A_917 = tpu.vector_load %arg8[%get3A_915, %get3A_916] {strides = array<i32>} : memref<3200x16xf32, #tpu.memory_space<vmem>>, vector<1x16xf32>,
          %get3A_918 = vector.shape_cast %get3A_917 : vector<1x16xf32> to vector<16xf32>
          %add3A_919 = arith.addf %scan3A_891, %get3A_918 : vector<16xf32>
          %add3A_920 = arith.constant 3 : i32
          %add3A_921 = arith.addi %add3A_899, %add3A_920 : i32
          %get3A_922 = arith.index_cast %add3A_921 : i32 to index
          %get3A_923 = arith.constant 0 : index
          %get3A_924 = tpu.vector_load %arg8[%get3A_922, %get3A_923] {strides = array<i32>} : memref<3200x16xf32, #tpu.memory_space<vmem>>, vector<1x16xf32>,
          %get3A_925 = vector.shape_cast %get3A_924 : vector<1x16xf32> to vector<16xf32>
          %add3A_926 = arith.addf %scan3A_892, %get3A_925 : vector<16xf32>
          %add3A_927 = arith.constant 4 : i32
          %add3A_928 = arith.addi %add3A_899, %add3A_927 : i32
          %get3A_929 = arith.index_cast %add3A_928 : i32 to index
          %get3A_930 = arith.constant 0 : index
          %get3A_931 = tpu.vector_load %arg8[%get3A_929, %get3A_930] {strides = array<i32>} : memref<3200x16xf32, #tpu.memory_space<vmem>>, vector<1x16xf32>,
          %get3A_932 = vector.shape_cast %get3A_931 : vector<1x16xf32> to vector<16xf32>
          %add3A_933 = arith.addf %scan3A_893, %get3A_932 : vector<16xf32>
          %add3A_934 = arith.constant 5 : i32
          %add3A_935 = arith.addi %add3A_899, %add3A_934 : i32
          %get3A_936 = arith.index_cast %add3A_935 : i32 to index
          %get3A_937 = arith.constant 0 : index
          %get3A_938 = tpu.vector_load %arg8[%get3A_936, %get3A_937] {strides = array<i32>} : memref<3200x16xf32, #tpu.memory_space<vmem>>, vector<1x16xf32>,
          %get3A_939 = vector.shape_cast %get3A_938 : vector<1x16xf32> to vector<16xf32>
          %add3A_940 = arith.addf %scan3A_894, %get3A_939 : vector<16xf32>
          %add3A_941 = arith.constant 6 : i32
          %add3A_942 = arith.addi %add3A_899, %add3A_941 : i32
          %get3A_943 = arith.index_cast %add3A_942 : i32 to index
          %get3A_944 = arith.constant 0 : index
          %get3A_945 = tpu.vector_load %arg8[%get3A_943, %get3A_944] {strides = array<i32>} : memref<3200x16xf32, #tpu.memory_space<vmem>>, vector<1x16xf32>,
          %get3A_946 = vector.shape_cast %get3A_945 : vector<1x16xf32> to vector<16xf32>
          %add3A_947 = arith.addf %scan3A_895, %get3A_946 : vector<16xf32>
          %add3A_948 = arith.constant 7 : i32
          %add3A_949 = arith.addi %add3A_899, %add3A_948 : i32
          %get3A_950 = arith.index_cast %add3A_949 : i32 to index
          %get3A_951 = arith.constant 0 : index
          %get3A_952 = tpu.vector_load %arg8[%get3A_950, %get3A_951] {strides = array<i32>} : memref<3200x16xf32, #tpu.memory_space<vmem>>, vector<1x16xf32>,
          %get3A_953 = vector.shape_cast %get3A_952 : vector<1x16xf32> to vector<16xf32>
          %add3A_954 = arith.addf %scan3A_896, %get3A_953 : vector<16xf32>
          scf.yield %add3A_905, %add3A_912, %add3A_919, %add3A_926, %add3A_933, %add3A_940, %add3A_947, %add3A_954 : vector<16xf32>, vector<16xf32>, vector<16xf32>, vector<16xf32>, vector<16xf32>, vector<16xf32>, vector<16xf32>, vector<16xf32>
        }
        %scan3A_873 = arith.constant 25 : i32
        %add3A_874 = arith.addf %scan3A_872#0, %scan3A_872#1 : vector<16xf32>
        %add3A_875 = arith.addf %add3A_874, %scan3A_872#2 : vector<16xf32>
        %add3A_876 = arith.addf %add3A_875, %scan3A_872#3 : vector<16xf32>
        %add3A_877 = arith.addf %add3A_876, %scan3A_872#4 : vector<16xf32>
        %add3A_878 = arith.addf %add3A_877, %scan3A_872#5 : vector<16xf32>
        %add3A_879 = arith.addf %add3A_878, %scan3A_872#6 : vector<16xf32>
        %add3A_880 = arith.addf %add3A_879, %scan3A_872#7 : vector<16xf32>
        %mul3A_881 = arith.constant 5.000000e-03 : f32
        %mul3A_882 = vector.broadcast %mul3A_881 : f32 to vector<16xf32>
        %mul3A_883 = arith.mulf %add3A_880, %mul3A_882 : vector<16xf32>
        %swap3A = arith.index_cast %scan3A_850 : i32 to index
        %swap3A_884 = arith.constant 0 : index
        %swap3A_885 = tpu.vector_load %arg9[%swap3A, %swap3A_884] {strides = array<i32>} : memref<16x16xf32, #tpu.memory_space<vmem>>, vector<1x16xf32>,
        %swap3A_886 = vector.shape_cast %swap3A_885 : vector<1x16xf32> to vector<16xf32>
        %swap3A_887 = vector.shape_cast %mul3A_883 : vector<16xf32> to vector<1x16xf32>
        tpu.vector_store %arg9[%swap3A, %swap3A_884], %swap3A_887 {strides = array<i32>} : memref<16x16xf32, #tpu.memory_space<vmem>>, vector<1x16xf32>,
      }
      %scan3A_849 = arith.constant 16 : i32
      "tpu.region"() ({
        %run_scoped3A = tpu.sem_alloc : memref<!tpu.dma_semaphore, #tpu.memory_space<semaphore_mem>>
        %dma_start3A_850 = arith.constant 0 : i32
        %dma_start3A_851 = tpu.memref_slice %arg4[%add3A_643, %dma_start3A_850] : memref<16384x16xf32, #tpu.memory_space<hbm>> -> memref<16x16xf32, #tpu.memory_space<hbm>>
        %dma_start3A_852 = arith.constant 0 : i32
        %dma_start3A_853 = tpu.memref_slice %arg4[%add3A_643, %dma_start3A_852] : memref<16384x16xf32, #tpu.memory_space<hbm>> -> memref<16x16xf32, #tpu.memory_space<hbm>>
        tpu.enqueue_dma source(%arg9 : memref<16x16xf32, #tpu.memory_space<vmem>>) target(%dma_start3A_853 : memref<16x16xf32, #tpu.memory_space<hbm>>) target_semaphore(%run_scoped3A : memref<!tpu.dma_semaphore, #tpu.memory_space<semaphore_mem>>)
        %dma_wait3A_854 = arith.constant 0 : i32
        %dma_wait3A_855 = tpu.memref_slice %arg4[%add3A_643, %dma_wait3A_854] : memref<16384x16xf32, #tpu.memory_space<hbm>> -> memref<16x16xf32, #tpu.memory_space<hbm>>
        %dma_wait3A_856 = arith.constant 0 : i32
        %dma_wait3A_857 = tpu.memref_slice %arg4[%add3A_643, %dma_wait3A_856] : memref<16384x16xf32, #tpu.memory_space<hbm>> -> memref<16x16xf32, #tpu.memory_space<hbm>>
        tpu.wait_dma2 semaphore(%run_scoped3A : memref<!tpu.dma_semaphore, #tpu.memory_space<semaphore_mem>>) src(%arg9 : memref<16x16xf32, #tpu.memory_space<vmem>>) dst(%dma_wait3A_857 : memref<16x16xf32, #tpu.memory_space<hbm>>)
        tpu.yield
      }) : () -> ()
    }
    %scan3A_210 = arith.constant 16 : i32
    return
  }
}

module attributes {stable_mosaic.version = 14 : i64} {
  func.func @_convert_tc_body(%arg0: i32, %arg1: memref<16x32768xf32, #tpu.memory_space<vmem>>, %arg2: memref<4096x128xf32, #tpu.memory_space<vmem>>) attributes {dimension_semantics = [#tpu.dimension_semantics<arbitrary>], iteration_bounds = array<i64: 31>, scalar_prefetch = 0 : i64, scratch_operands = 0 : i64, tpu.core_type = #tpu.core_type<tc>, window_params = [{transform_indices = @transform_0, window_bounds = array<i64: 16, 32768>}, {transform_indices = @transform_1, window_bounds = array<i64: 4096, 128>}]} {
    %get3A = arith.constant 0 : index
    %get3A_0 = arith.constant 0 : index
    %get3A_1 = vector.load %arg1[%get3A, %get3A_0] : memref<16x32768xf32, #tpu.memory_space<vmem>>, vector<16x32768xf32>
    %transpose3A = tpu.transpose %get3A_1, [1, 0] : vector<16x32768xf32> -> vector<32768x16xf32>
    %reshape3A = vector.shape_cast %transpose3A : vector<32768x16xf32> to vector<4096x8x16xf32>
    %slice3A = vector.extract_strided_slice %reshape3A {offsets = [0, 0, 0], sizes = [4096, 1, 16], strides = [1, 1, 1]} : vector<4096x8x16xf32> to vector<4096x1x16xf32>
    %squeeze3A = vector.shape_cast %slice3A : vector<4096x1x16xf32> to vector<4096x16xf32>
    %swap3A = arith.constant 0 : index
    %swap3A_2 = arith.constant 0 : index
    %swap3A_3 = vector.load %arg2[%swap3A, %swap3A_2] : memref<4096x128xf32, #tpu.memory_space<vmem>>, vector<4096x16xf32>
    tpu.vector_store %arg2[%swap3A, %swap3A_2], %squeeze3A {strides = array<i32>} : memref<4096x128xf32, #tpu.memory_space<vmem>>, vector<4096x16xf32>,
    %slice3A_4 = vector.extract_strided_slice %reshape3A {offsets = [0, 1, 0], sizes = [4096, 1, 16], strides = [1, 1, 1]} : vector<4096x8x16xf32> to vector<4096x1x16xf32>
    %squeeze3A_5 = vector.shape_cast %slice3A_4 : vector<4096x1x16xf32> to vector<4096x16xf32>
    %swap3A_6 = arith.constant 0 : index
    %swap3A_7 = arith.constant 16 : index
    %swap3A_8 = vector.load %arg2[%swap3A_6, %swap3A_7] : memref<4096x128xf32, #tpu.memory_space<vmem>>, vector<4096x16xf32>
    tpu.vector_store %arg2[%swap3A_6, %swap3A_7], %squeeze3A_5 {strides = array<i32>} : memref<4096x128xf32, #tpu.memory_space<vmem>>, vector<4096x16xf32>,
    %slice3A_9 = vector.extract_strided_slice %reshape3A {offsets = [0, 2, 0], sizes = [4096, 1, 16], strides = [1, 1, 1]} : vector<4096x8x16xf32> to vector<4096x1x16xf32>
    %squeeze3A_10 = vector.shape_cast %slice3A_9 : vector<4096x1x16xf32> to vector<4096x16xf32>
    %swap3A_11 = arith.constant 0 : index
    %swap3A_12 = arith.constant 32 : index
    %swap3A_13 = vector.load %arg2[%swap3A_11, %swap3A_12] : memref<4096x128xf32, #tpu.memory_space<vmem>>, vector<4096x16xf32>
    tpu.vector_store %arg2[%swap3A_11, %swap3A_12], %squeeze3A_10 {strides = array<i32>} : memref<4096x128xf32, #tpu.memory_space<vmem>>, vector<4096x16xf32>,
    %slice3A_14 = vector.extract_strided_slice %reshape3A {offsets = [0, 3, 0], sizes = [4096, 1, 16], strides = [1, 1, 1]} : vector<4096x8x16xf32> to vector<4096x1x16xf32>
    %squeeze3A_15 = vector.shape_cast %slice3A_14 : vector<4096x1x16xf32> to vector<4096x16xf32>
    %swap3A_16 = arith.constant 0 : index
    %swap3A_17 = arith.constant 48 : index
    %swap3A_18 = vector.load %arg2[%swap3A_16, %swap3A_17] : memref<4096x128xf32, #tpu.memory_space<vmem>>, vector<4096x16xf32>
    tpu.vector_store %arg2[%swap3A_16, %swap3A_17], %squeeze3A_15 {strides = array<i32>} : memref<4096x128xf32, #tpu.memory_space<vmem>>, vector<4096x16xf32>,
    %slice3A_19 = vector.extract_strided_slice %reshape3A {offsets = [0, 4, 0], sizes = [4096, 1, 16], strides = [1, 1, 1]} : vector<4096x8x16xf32> to vector<4096x1x16xf32>
    %squeeze3A_20 = vector.shape_cast %slice3A_19 : vector<4096x1x16xf32> to vector<4096x16xf32>
    %swap3A_21 = arith.constant 0 : index
    %swap3A_22 = arith.constant 64 : index
    %swap3A_23 = vector.load %arg2[%swap3A_21, %swap3A_22] : memref<4096x128xf32, #tpu.memory_space<vmem>>, vector<4096x16xf32>
    tpu.vector_store %arg2[%swap3A_21, %swap3A_22], %squeeze3A_20 {strides = array<i32>} : memref<4096x128xf32, #tpu.memory_space<vmem>>, vector<4096x16xf32>,
    %slice3A_24 = vector.extract_strided_slice %reshape3A {offsets = [0, 5, 0], sizes = [4096, 1, 16], strides = [1, 1, 1]} : vector<4096x8x16xf32> to vector<4096x1x16xf32>
    %squeeze3A_25 = vector.shape_cast %slice3A_24 : vector<4096x1x16xf32> to vector<4096x16xf32>
    %swap3A_26 = arith.constant 0 : index
    %swap3A_27 = arith.constant 80 : index
    %swap3A_28 = vector.load %arg2[%swap3A_26, %swap3A_27] : memref<4096x128xf32, #tpu.memory_space<vmem>>, vector<4096x16xf32>
    tpu.vector_store %arg2[%swap3A_26, %swap3A_27], %squeeze3A_25 {strides = array<i32>} : memref<4096x128xf32, #tpu.memory_space<vmem>>, vector<4096x16xf32>,
    %slice3A_29 = vector.extract_strided_slice %reshape3A {offsets = [0, 6, 0], sizes = [4096, 1, 16], strides = [1, 1, 1]} : vector<4096x8x16xf32> to vector<4096x1x16xf32>
    %squeeze3A_30 = vector.shape_cast %slice3A_29 : vector<4096x1x16xf32> to vector<4096x16xf32>
    %swap3A_31 = arith.constant 0 : index
    %swap3A_32 = arith.constant 96 : index
    %swap3A_33 = vector.load %arg2[%swap3A_31, %swap3A_32] : memref<4096x128xf32, #tpu.memory_space<vmem>>, vector<4096x16xf32>
    tpu.vector_store %arg2[%swap3A_31, %swap3A_32], %squeeze3A_30 {strides = array<i32>} : memref<4096x128xf32, #tpu.memory_space<vmem>>, vector<4096x16xf32>,
    %slice3A_34 = vector.extract_strided_slice %reshape3A {offsets = [0, 7, 0], sizes = [4096, 1, 16], strides = [1, 1, 1]} : vector<4096x8x16xf32> to vector<4096x1x16xf32>
    %squeeze3A_35 = vector.shape_cast %slice3A_34 : vector<4096x1x16xf32> to vector<4096x16xf32>
    %swap3A_36 = arith.constant 0 : index
    %swap3A_37 = arith.constant 112 : index
    %swap3A_38 = vector.load %arg2[%swap3A_36, %swap3A_37] : memref<4096x128xf32, #tpu.memory_space<vmem>>, vector<4096x16xf32>
    tpu.vector_store %arg2[%swap3A_36, %swap3A_37], %squeeze3A_35 {strides = array<i32>} : memref<4096x128xf32, #tpu.memory_space<vmem>>, vector<4096x16xf32>,
    return
  }
  func.func @transform_0(%arg0: i32) -> (i32, i32) {
    %c0_i32 = arith.constant 0 : i32
    %c0_i32_0 = arith.constant 0 : i32
    return %c0_i32, %arg0 : i32, i32
  }
  func.func @transform_1(%arg0: i32) -> (i32, i32) {
    %c0_i32 = arith.constant 0 : i32
    %c0_i32_0 = arith.constant 0 : i32
    return %arg0, %c0_i32 : i32, i32
  }
}

module attributes {stable_mosaic.version = 14 : i64} {
  func.func @_mlp_body(%arg0: memref<16384x16xf32, #tpu.memory_space<vmem>>, %arg1: memref<16x16xf32, #tpu.memory_space<vmem>>, %arg2: memref<1x16xf32, #tpu.memory_space<vmem>>, %arg3: memref<2x16xf32, #tpu.memory_space<vmem>>, %arg4: memref<1x2xf32, #tpu.memory_space<vmem>>, %arg5: memref<16384x2xf32, #tpu.memory_space<vmem>>) attributes {dimension_semantics = [], scalar_prefetch = 0 : i64, scratch_operands = 0 : i64, tpu.core_type = #tpu.core_type<tc>} {
    %get3A = arith.constant 0 : index
    %get3A_0 = arith.constant 0 : index
    %get3A_1 = vector.load %arg0[%get3A, %get3A_0] : memref<16384x16xf32, #tpu.memory_space<vmem>>, vector<16384x16xf32>
    %get3A_2 = arith.constant 0 : index
    %get3A_3 = arith.constant 0 : index
    %get3A_4 = vector.load %arg1[%get3A_2, %get3A_3] : memref<16x16xf32, #tpu.memory_space<vmem>>, vector<16x16xf32>
    %transpose3A = tpu.transpose %get3A_4, [1, 0] : vector<16x16xf32> -> vector<16x16xf32>
    %dot_general3A = arith.constant dense<0.000000e+00> : vector<16384x16xf32>
    %dot_general3A_5 = tpu.matmul %get3A_1, %transpose3A, %dot_general3A {dimension_numbers = #tpu.dot_dimension_numbers<[1], [0], [0], [1], [0, 0, 1, 1], [], []>, transpose_lhs_hint = false} : vector<16384x16xf32>, vector<16x16xf32>, vector<16384x16xf32> -> vector<16384x16xf32>
    %get3A_6 = arith.constant 0 : index
    %get3A_7 = arith.constant 0 : index
    %get3A_8 = vector.load %arg2[%get3A_6, %get3A_7] : memref<1x16xf32, #tpu.memory_space<vmem>>, vector<1x16xf32>
    %add3A = vector.broadcast %get3A_8 : vector<1x16xf32> to vector<16384x16xf32>
    %add3A_9 = arith.addf %dot_general3A_5, %add3A : vector<16384x16xf32>
    %max3A = arith.constant 0.000000e+00 : f32
    %max3A_10 = vector.broadcast %max3A : f32 to vector<16384x16xf32>
    %max3A_11 = arith.maximumf %add3A_9, %max3A_10 : vector<16384x16xf32>
    %get3A_12 = arith.constant 0 : index
    %get3A_13 = arith.constant 0 : index
    %get3A_14 = vector.load %arg3[%get3A_12, %get3A_13] : memref<2x16xf32, #tpu.memory_space<vmem>>, vector<2x16xf32>
    %transpose3A_15 = tpu.transpose %get3A_14, [1, 0] : vector<2x16xf32> -> vector<16x2xf32>
    %dot_general3A_16 = arith.constant dense<0.000000e+00> : vector<16384x2xf32>
    %dot_general3A_17 = tpu.matmul %max3A_11, %transpose3A_15, %dot_general3A_16 {dimension_numbers = #tpu.dot_dimension_numbers<[1], [0], [0], [1], [0, 0, 1, 1], [], []>, transpose_lhs_hint = false} : vector<16384x16xf32>, vector<16x2xf32>, vector<16384x2xf32> -> vector<16384x2xf32>
    %get3A_18 = arith.constant 0 : index
    %get3A_19 = arith.constant 0 : index
    %get3A_20 = vector.load %arg4[%get3A_18, %get3A_19] : memref<1x2xf32, #tpu.memory_space<vmem>>, vector<1x2xf32>
    %add3A_21 = vector.broadcast %get3A_20 : vector<1x2xf32> to vector<16384x2xf32>
    %add3A_22 = arith.addf %dot_general3A_17, %add3A_21 : vector<16384x2xf32>
    %swap3A = arith.constant 0 : index
    %swap3A_23 = arith.constant 0 : index
    %swap3A_24 = vector.load %arg5[%swap3A, %swap3A_23] : memref<16384x2xf32, #tpu.memory_space<vmem>>, vector<16384x2xf32>
    tpu.vector_store %arg5[%swap3A, %swap3A_23], %add3A_22 {strides = array<i32>} : memref<16384x2xf32, #tpu.memory_space<vmem>>, vector<16384x2xf32>,
    return
  }
}

</mosaic_0001>

<sc_bundles>
// kernel: kernel.5.cloned.1.call-start
scs
__scs_entry_jumppad:
0x0: {  	(pc) =	sbr.rel $0x88, $3  }
0x1: {  	(tag) =	ssettag $0x0;
	lr =	simm.s32 $0x1  }
0x2: {  	[smem:$0x3F9B] =	sst lr;
	_ =	strace $0xD0000000  }
0x3: {  	_ = 	snop  }
0x4: {  	_ = 	snop  }
0x5: {  	_ = 	snop  }
0x6: {  	_ = 	snop  }
0x7: {  	_ = 	snop  }
__scs_overlays_trampoline_lowered:
0x8: {  	[smem:$0x3FAA] =	sst s0  }
0x9: {  	[smem:$0x3FAB] =	sst s1  }
0xa: {  	[smem:$0x3FAC] =	sst s2  }
0xb: {  	[smem:$0x3FAD] =	sst s3  }
0xc: {  	[smem:$0x3FAE] =	sst s4  }
0xd: {  	[smem:$0x3FAF] =	sst s5  }
0xe: {  	[smem:$0x3FB0] =	sst s6  }
0xf: {  	[smem:$0x3FB1] =	sst s7  }
0x10: {  	[smem:$0x3FB2] =	sst s8  }
0x11: {  	[smem:$0x3FB3] =	sst s9;
	s0 =	simm.s32 @!p0 $0x0  }
0x12: {  	s1 =	sld [smem:$0x3F99];
	s0 =	simm.s32 @p0 $0x1  }
0x13: {  	[smem:$0x3FB4] =	sst s0;
	s0 =	simm.s32 @!p1 $0x0  }
0x14: {  	s2 =	sld [smem:$0x3F98];
	s0 =	simm.s32 @p1 $0x1  }
0x15: {  	[smem:$0x3FB5] =	sst s0;
	s0 =	simm.s32 @!p2 $0x0  }
0x16: {  	s3 =	sld [smem:$0x3FDB];
	s0 =	simm.s32 @p2 $0x1  }
0x17: {  	s4 =	simm.s32 $0x1BF5;
	[smem:$0x3FB7] =	sst s0  }
0x18: {  	s0 =	sld [smem:$0x3F9A];
	_ =	swait.ge [sflag:s4], $0x0  }
0x19: {  	s7 =	sld [smem:$0x3F9B]  }
0x1a: {  	s8 =	sadd.s32 $0xFFFFE003, lr  }
0x1b: {  	s9 =	sadd.s32 $0xFFFFFEF7, lr;
	s5 =	simm.s32 $0xFFFFFFFF;
	p2 =	slt.u32 s8, $0xFFFFF086  }
0x1c: {  	p1 =	slt.u32 s9, $0xF7A;
	s5 =	simm.s32 @!p2 $0x0  }
0x1d: {  	s5 =	simm.s32 @p1 $0x1;
	p0 =	seq.s32 s7, s2  }
0x1e: {  	s7 =	smul.u32 @!p0 $0xF7A, s2;
	p2 =	seq.s32 @!p0 s5, $0x0  }
0x1f: {  	s9 =	smul.u32 $0xF7A, s1;
	s8 =	simm.s32 @!p0 $0x1BF5;
	p2 =	por !p2, p0  }
0x20: {  	[sflag:s8] =	ssyncset.s32 @!p0 $0xFFFFF086;
	s6 =	sadd.s32 @!p0 s3, s7;
	s7 =	simm.s32 @!p0 $0x108  }
0x21: {  	s3 =	sadd.s32 s3, s9;
	s6 =	sadd.s32 @!p0 $0x88, s6;
	s7 =	simm.s32 @p2 $0x1082  }
0x22: {  	[simem:s7], [sflag:s8] =	dma.local @!p0 [hbm:s6], $0xF7A  }
0x23: {  	s9 =	sor.u32 $0xD0000000, s2;
	s6 =	simm.s32 $0x108;
	_ =	swait.ge @!p0 [sflag:s8], $0x0  }
0x24: {  	s3 =	sadd.s32 $0x88, s3;
	s6 =	simm.s32 @!p1 $0x1082;
	[sflag:s4] =	ssyncset.s32 $0xFFFFF086  }
0x25: {  	[simem:s6], [sflag:s4] =	dma.local [hbm:s3], $0xF7A  }
0x26: {  	[smem:$0x3F9B] =	sst s1;
	(tag) =	ssettag s2;
	_ =	strace s9  }
0x27: {  	s1 =	sld [smem:$0x3FAB]  }
0x28: {  	s2 =	sld [smem:$0x3FAC]  }
0x29: {  	s4 =	sld [smem:$0x3FAE]  }
0x2a: {  	p0 =	seq.s32 s5, $0x0;
	s5 =	sld [smem:$0x3FAF]  }
0x2b: {  	s6 =	sld [smem:$0x3FB0]  }
0x2c: {  	s7 =	sld [smem:$0x3FB1]  }
0x2d: {  	s3 =	simm.s32 $0x108;
	s8 =	sld [smem:$0x3FB2]  }
0x2e: {  	s3 =	simm.s32 @!p0 $0x1082;
	s9 =	sld [smem:$0x3FB3]  }
0x2f: {  	lr =	sadd.s32 s0, s3;
	s0 =	sld [smem:$0x3FAA]  }
0x30: {  	s3 =	sld [smem:$0x3FAD]  }
0x31: {  	[smem:$0x3FB6] =	sst s10  }
0x32: {  	s10 =	sld [smem:$0x3FB4];
	_ =	sdelay $0x3  }
0x33: {  	p0 =	seq.s32 s10, $0x1;
	s10 =	sld [smem:$0x3FB6];
	_ =	sdelay $0x3  }
0x34: {  	[smem:$0x3FB6] =	sst s10  }
0x35: {  	s10 =	sld [smem:$0x3FB5];
	_ =	sdelay $0x3  }
0x36: {  	p1 =	seq.s32 s10, $0x1;
	s10 =	sld [smem:$0x3FB6];
	_ =	sdelay $0x3  }
0x37: {  	[smem:$0x3FB6] =	sst s10  }
0x38: {  	s10 =	sld [smem:$0x3FB7]  }
0x39: {  	_ = 	snop;
	(pc) =	sbr.ind lr, $3  }
0x3a: {  	_ = 	snop  }
0x3b: {  	_ = 	snop  }
0x3c: {  	p2 =	seq.s32 s10, $0x1;
	s10 =	sld [smem:$0x3FB6]  }
0x3d: {  	_ =	shalt  }
0x3e: {  	_ =	shalt  }
0x3f: {  	_ =	shalt  }
0x40: {  	_ =	shalt  }
0x41: {  	_ =	shalt  }
0x42: {  	_ =	shalt  }
0x43: {  	_ =	shalt  }
0x44: {  	_ =	shalt  }
0x45: {  	_ =	shalt  }
0x46: {  	_ =	shalt  }
0x47: {  	_ =	shalt  }
0x48: {  	_ =	shalt  }
0x49: {  	_ =	shalt  }
0x4a: {  	_ =	shalt  }
0x4b: {  	_ =	shalt  }
0x4c: {  	_ =	shalt  }
0x4d: {  	_ =	shalt  }
0x4e: {  	_ =	shalt  }
0x4f: {  	_ =	shalt  }
0x50: {  	_ =	shalt  }
0x51: {  	_ =	shalt  }
0x52: {  	_ =	shalt  }
0x53: {  	_ =	shalt  }
0x54: {  	_ =	shalt  }
0x55: {  	_ =	shalt  }
0x56: {  	_ =	shalt  }
0x57: {  	_ =	shalt  }
0x58: {  	_ =	shalt  }
0x59: {  	_ =	shalt  }
0x5a: {  	_ =	shalt  }
0x5b: {  	_ =	shalt  }
0x5c: {  	_ =	shalt  }
0x5d: {  	_ =	shalt  }
0x5e: {  	_ =	shalt  }
0x5f: {  	_ =	shalt  }
0x60: {  	_ =	shalt  }
0x61: {  	_ =	shalt  }
0x62: {  	_ =	shalt  }
0x63: {  	_ =	shalt  }
0x64: {  	_ =	shalt  }
0x65: {  	_ =	shalt  }
0x66: {  	_ =	shalt  }
0x67: {  	_ =	shalt  }
0x68: {  	_ =	shalt  }
0x69: {  	_ =	shalt  }
0x6a: {  	_ =	shalt  }
0x6b: {  	_ =	shalt  }
0x6c: {  	_ =	shalt  }
0x6d: {  	_ =	shalt  }
0x6e: {  	_ =	shalt  }
0x6f: {  	_ =	shalt  }
0x70: {  	_ =	shalt  }
0x71: {  	_ =	shalt  }
0x72: {  	_ =	shalt  }
0x73: {  	_ =	shalt  }
0x74: {  	_ =	shalt  }
0x75: {  	_ =	shalt  }
0x76: {  	_ =	shalt  }
0x77: {  	_ =	shalt  }
0x78: {  	_ =	shalt  }
0x79: {  	_ =	shalt  }
0x7a: {  	_ =	shalt  }
0x7b: {  	_ =	shalt  }
0x7c: {  	_ =	shalt  }
0x7d: {  	_ =	shalt  }
0x7e: {  	_ =	shalt  }
0x7f: {  	_ =	shalt  }
0x80: {  	_ =	shalt  }
0x81: {  	_ =	shalt  }
0x82: {  	_ =	shalt  }
0x83: {  	_ =	shalt  }
0x84: {  	_ =	shalt  }
0x85: {  	_ =	shalt  }
0x86: {  	_ =	shalt  }
0x87: {  	_ =	shalt  }
.Lfunc_end0:
.L_simem_size_0:
called_computation_lowered:
.L_overlay_start_0:
0x88: {  	s2 =	sld [smem:$0x3FD9]  }
0x89: {  	s3 =	sld [smem:$0x3FFE];
	_ =	sdelay $0x1  }
0x8a: {  	s1 =	srdreg.scid  }
0x8b: {  	s0 =	sand.u32 $0x1, s1  }
0x8c: {  	s16 =	sshll.u32 s0, $0xA;
	s2 =	sadd.s32 s3, s2  }
0x8d: {  	s2 =	sadd.s32 s2, s16  }
0x8e: {  	[smem:$0x3FC2] =	sst s2  }
0x8f: {  	_ = 	snop  }
0x90: {  	(tm) =	ssettm $0x1  }
0x91: {  	s17 =	sld [smem:$0x3FFB];
	_ =	sdelay $0x3  }
0x92: {  	_ =	strace s17  }
0x93: {  	s2 =	sld [smem:$0x3FFC];
	_ =	sdelay $0x3  }
0x94: {  	_ =	strace s2  }
0x95: {  	s2 =	sld [smem:$0x3FFD];
	_ =	sdelay $0x3  }
0x96: {  	_ =	strace s2  }
0x97: {  	_ =	strace $0x8FFFFFFF  }
0x98: {  	s18 =	sld [smem:$0x3FDB];
	_ =	sdelay $0x1  }
0x99: {  	s19 =	simm.s32 $_scs_section_size  }
0x9a: {  	s4 =	simm.s32 $_size__tile_overlayer_lowered;
	s5 =	simm.s32 $_tile_overlayer_lowered  }
0x9b: {  	s22 =	simm.s32 $0x1BFF;
	s21 =	sshll.u32 s5, $0x1;
	s2 =	sadd.s32 s19, s18  }
0x9c: {  	s6 =	simm.s32 $0x0;
	s20 =	sshll.u32 s4, $0x1;
	s4 =	sadd.s32 s21, s2  }
0x9d: {  	[timem:s6], [sflag:s22] =	dma.local [hbm:s4], s20  }
0x9e: {  	_ =	swait.ge [sflag:s22], s20  }
0x9f: {  	s3 =	ssub.s32 $0x0, s20;
	[sflag:s22] =	ssyncset.done $0x0  }
0xa0: {  	[sflag:s22] =	ssyncadd.s32 s3;
	_ =	sdelay $0x1  }
0xa1: {  	s23 =	simm.s32 $0x1B8B  }
0xa2: {  	_ =	swait.ge [sflag:s23], $0x1  }
0xa3: {  	[sflag:s23] =	ssyncset.done $0x0  }
0xa4: {  	s25 =	simm.s32 $0x1B8E;
	s24 =	sld [smem:$0x3FFE];
	[sflag:s23] =	ssyncadd.s32 $0xFFFFFFFF  }
0xa5: {  	s26 =	simm.s32 $execute0_lowered;
	[smem:$0x3FD2] =	sst s25  }
0xa6: {  	s4 =	sshll.u32 s26, $0x1;
	_ =	strace $0x80000046;
	[dreg:$0x1] =	wrdreg $0xFFFFFFFF  }
0xa7: {  	s28 =	simm.s32 $_size_execute0_lowered;
	s2 =	sadd.s32 s2, s4;
	[dreg:$0x0] =	wrdreg $0x0  }
0xa8: {  	s4 =	sshll.u32 s28, $0x1;
	[dreg:$0x2] =	wrdreg s2  }
0xa9: {  	[dreg:$0x3] =	wrdreg s4  }
0xaa: {  	[dreg:$0x4] =	wrdreg $0xC0  }
0xab: {  	_ =	task [dreg:s6], $0x5FFFF  }
0xac: {  	[dreg:$0x1] =	wrdreg $0xFFFFFFFF  }
0xad: {  	[dreg:$0x0] =	wrdreg $0x60  }
0xae: {  	[dreg:$0x2] =	wrdreg s24  }
0xaf: {  	[dreg:$0x3] =	wrdreg $0x9  }
0xb0: {  	_ =	task.clear_ibuf [dreg:s6], $0x4FFFF;
	_ =	strace $0x90000046  }
0xb1: {  	s29 =	simm.s32 $0x9;
	_ =	strace $0x80000048  }
0xb2: {  	_ =	swait.ge [sflag:s29], $0x1  }
0xb3: {  	[sflag:s29] =	ssyncadd.s32 $0xFFFFFFFF  }
0xb4: {  	_ =	strace $0x90000048  }
0xb5: {  	_ =	sfence  }
0xb6: {  	s30 =	sld [smem:$0x0];
	_ =	sdelay $0x2  }
0xb7: {  	s31 =	sshll.u32 s1, $0xD;
	s1 =	sshrl.u32 s1, $0x2  }
0xb8: {  	s3 =	sand.u32 $0x4000, s31;
	s1 =	sadd.s32 s1, s30  }
0xb9: {  	s0 =	sor.u32 s3, s0;
	s1 =	sshll.u32 s1, $0x11  }
0xba: {  	s0 =	sor.u32 s1, s0  }
0xbb: {  	s0 =	sadd.s32 $0x8F2B, s0  }
0xbc: {  	[sflag:s0] =	ssyncadd.remote.s32 $0x1  }
0xbd: {  	_ =	sfence.sel $0xFFFF  }
0xbe: {  	[dreg:$0x0] =	wrdreg $0xFFFFFFFF;
	(pc) =	sbr.abs _section_cstart, $3  }
0xbf: {  	[dreg:$0x1] =	wrdreg $0xFFFFFFFF  }
0xc0: {  	_ =	task.clear_ibuf [dreg:s6], $0x2FFFF;
	_ =	strace $0x9FFFFFFF  }
0xc1: {  	(tm) =	ssettm $0x7FFFFFFF  }
tec
execute0_lowered:
.L_overlay_start_1:
0x0: {  	(tag) =	ssettag $0x1  }
0x1: {  	s0 =	rddreg [dreg:$0x0];
	s1 =	srdreg.scid  }
0x2: {  	s2 =	simm.s32 $0x0;
	s4 =	stileid.u32;
	s11 =	simm.s32 $0x3  }
0x3: {  	s12 =	simm.s32 $0x80;
	s17 =	simm.s32 $0xC80;
	s9 =	simm.s32 $0x17900  }
0x4: {  	s13 =	simm.s32 $0x1680;
	s14 =	simm.s32 $0x18100;
	s15 =	simm.s32 $0x1700  }
0x5: {  	s16 =	simm.s32 $0x18900;
	s18 =	simm.s32 $0x19100;
	s19 =	simm.s32 $0x1800  }
0x6: {  	s20 =	simm.s32 $0x19900;
	s21 =	simm.s32 $0x1880;
	s22 =	simm.s32 $0x1A100  }
0x7: {  	s23 =	simm.s32 $0x1;
	s24 =	simm.s32 $0x1A900;
	s25 =	simm.s32 $0x2  }
0x8: {  	s1 =	sand.u32 $0x1, s1;
	[smem:$0x7FF] =	sst s2;
	s5 =	sadd.s32 $0x24D200, s0  }
0x9: {  	s3 =	sshll.u32 s1, $0x4;
	_ =	strace $0x80000047;
	s1 =	ssub.s32 $0x2, s1  }
0xa: {  	s6 =	sor.u32 s4, s3;
	s3 =	sadd.s32 $0xC00, s0;
	s7 =	sshrl.u32 s1, $0x1  }
0xb: {  	s4 =	sadd.s32 $0x64C00, s0;
	s8 =	smul.u32 $0x3200, s6;
	s30 =	sshll.u32 s6, $0x9  }
0xc: {  	s28 =	ssub.s32 s1, s7;
	s6 =	sshll.u32 s6, $0xA;
	s31 =	sor.u32 $0x20, s30  }
0xd: {  	s1 =	simm.s32 $0x0;
	s0 =	smax.u32 s28, $0x1;
	[dreg:$0x3] =	wrdreg s31  }
0xe: {  	s7 =	sadd.s32 s5, s6;
	s29 =	sadd.s32 s3, s8;
	[dreg:$0x4] =	wrdreg s0  }
0xf: {  	s10 =	sor.u32 $0x10, s30;
	s8 =	simm.s32 $0x1780;
	[dreg:$0x2] =	wrdreg s29  }
.LBB2_1:
0x10: {  	[dreg:$0x5] =	wrdreg s1  }
0x11: {  	s0 =	rddreg [dreg:$0x2]  }
0x12: {  	[tilespmem:s2], [sflag:$0x3] =	stream.linear.gather [hbm4b:s0+s2], $0xC80, $0x38;
	[tilespmem:$0x1AA00] =	vst v63  }
0x13: {  	_ =	swait.ge [sflag:s11], $0xC80  }
0x14: {  	[sflag:s11] =	ssyncset.done $0x0  }
0x15: {  	s6 =	simm.s32 $0x1900;
	[sflag:s11] =	ssyncadd.s32 $0xFFFFF380  }
0x16: {  	[tilespmem:s6], [sflag:$0x1] =	stream.indirect.gather [hbm4b:s4+s12], $0x10, s2, s12, $0xb8;
	[tilespmem:$0x1AA00] =	vst v63  }
0x17: {  	s26 =	simm.s32 $0x2100  }
0x18: {  	[tilespmem:s26], [sflag:$0x1] =	stream.indirect.gather [hbm4b:s4+s12], $0x10, s12, s12, $0xb8;
	[tilespmem:$0x1AA00] =	vst v63  }
0x19: {  	s28 =	simm.s32 $0x100;
	s29 =	simm.s32 $0x2900  }
0x1a: {  	[tilespmem:s29], [sflag:$0x1] =	stream.indirect.gather [hbm4b:s4+s12], $0x10, s28, s12, $0xb8;
	[tilespmem:$0x1AA00] =	vst v63  }
0x1b: {  	s30 =	simm.s32 $0x180;
	s31 =	simm.s32 $0x3100  }
0x1c: {  	[tilespmem:s31], [sflag:$0x1] =	stream.indirect.gather [hbm4b:s4+s12], $0x10, s30, s12, $0xb8;
	[tilespmem:$0x1AA00] =	vst v63  }
0x1d: {  	s6 =	simm.s32 $0x200;
	s26 =	simm.s32 $0x3900  }
0x1e: {  	[tilespmem:s26], [sflag:$0x1] =	stream.indirect.gather [hbm4b:s4+s12], $0x10, s6, s12, $0xb8;
	[tilespmem:$0x1AA00] =	vst v63  }
0x1f: {  	s28 =	simm.s32 $0x280;
	s29 =	simm.s32 $0x4100  }
0x20: {  	[tilespmem:s29], [sflag:$0x1] =	stream.indirect.gather [hbm4b:s4+s12], $0x10, s28, s12, $0xb8;
	[tilespmem:$0x1AA00] =	vst v63  }
0x21: {  	s30 =	simm.s32 $0x300;
	s31 =	simm.s32 $0x4900  }
0x22: {  	[tilespmem:s31], [sflag:$0x1] =	stream.indirect.gather [hbm4b:s4+s12], $0x10, s30, s12, $0xb8;
	[tilespmem:$0x1AA00] =	vst v63  }
0x23: {  	s6 =	simm.s32 $0x380;
	s26 =	simm.s32 $0x5100  }
0x24: {  	[tilespmem:s26], [sflag:$0x1] =	stream.indirect.gather [hbm4b:s4+s12], $0x10, s6, s12, $0xb8;
	[tilespmem:$0x1AA00] =	vst v63  }
0x25: {  	s28 =	simm.s32 $0x400;
	s29 =	simm.s32 $0x5900  }
0x26: {  	[tilespmem:s29], [sflag:$0x1] =	stream.indirect.gather [hbm4b:s4+s12], $0x10, s28, s12, $0xb8;
	[tilespmem:$0x1AA00] =	vst v63  }
0x27: {  	s30 =	simm.s32 $0x480;
	s31 =	simm.s32 $0x6100  }
0x28: {  	[tilespmem:s31], [sflag:$0x1] =	stream.indirect.gather [hbm4b:s4+s12], $0x10, s30, s12, $0xb8;
	[tilespmem:$0x1AA00] =	vst v63  }
0x29: {  	s6 =	simm.s32 $0x500;
	s26 =	simm.s32 $0x6900  }
0x2a: {  	[tilespmem:s26], [sflag:$0x1] =	stream.indirect.gather [hbm4b:s4+s12], $0x10, s6, s12, $0xb8;
	[tilespmem:$0x1AA00] =	vst v63  }
0x2b: {  	s28 =	simm.s32 $0x580;
	s29 =	simm.s32 $0x7100  }
0x2c: {  	[tilespmem:s29], [sflag:$0x1] =	stream.indirect.gather [hbm4b:s4+s12], $0x10, s28, s12, $0xb8;
	[tilespmem:$0x1AA00] =	vst v63  }
0x2d: {  	s30 =	simm.s32 $0x600;
	s31 =	simm.s32 $0x7900  }
0x2e: {  	[tilespmem:s31], [sflag:$0x1] =	stream.indirect.gather [hbm4b:s4+s12], $0x10, s30, s12, $0xb8;
	[tilespmem:$0x1AA00] =	vst v63  }
0x2f: {  	s6 =	simm.s32 $0x680;
	s26 =	simm.s32 $0x8100  }
0x30: {  	[tilespmem:s26], [sflag:$0x1] =	stream.indirect.gather [hbm4b:s4+s12], $0x10, s6, s12, $0xb8;
	[tilespmem:$0x1AA00] =	vst v63  }
0x31: {  	s28 =	simm.s32 $0x700;
	s29 =	simm.s32 $0x8900  }
0x32: {  	[tilespmem:s29], [sflag:$0x1] =	stream.indirect.gather [hbm4b:s4+s12], $0x10, s28, s12, $0xb8;
	[tilespmem:$0x1AA00] =	vst v63  }
0x33: {  	s30 =	simm.s32 $0x780;
	s31 =	simm.s32 $0x9100  }
0x34: {  	[tilespmem:s31], [sflag:$0x1] =	stream.indirect.gather [hbm4b:s4+s12], $0x10, s30, s12, $0xb8;
	[tilespmem:$0x1AA00] =	vst v63  }
0x35: {  	s6 =	simm.s32 $0x800;
	s26 =	simm.s32 $0x9900  }
0x36: {  	[tilespmem:s26], [sflag:$0x1] =	stream.indirect.gather [hbm4b:s4+s12], $0x10, s6, s12, $0xb8;
	[tilespmem:$0x1AA00] =	vst v63  }
0x37: {  	s28 =	simm.s32 $0x880;
	s29 =	simm.s32 $0xA100  }
0x38: {  	[tilespmem:s29], [sflag:$0x1] =	stream.indirect.gather [hbm4b:s4+s12], $0x10, s28, s12, $0xb8;
	[tilespmem:$0x1AA00] =	vst v63  }
0x39: {  	s30 =	simm.s32 $0x900;
	s31 =	simm.s32 $0xA900  }
0x3a: {  	[tilespmem:s31], [sflag:$0x1] =	stream.indirect.gather [hbm4b:s4+s12], $0x10, s30, s12, $0xb8;
	[tilespmem:$0x1AA00] =	vst v63  }
0x3b: {  	s6 =	simm.s32 $0x980;
	s26 =	simm.s32 $0xB100  }
0x3c: {  	[tilespmem:s26], [sflag:$0x1] =	stream.indirect.gather [hbm4b:s4+s12], $0x10, s6, s12, $0xb8;
	[tilespmem:$0x1AA00] =	vst v63  }
0x3d: {  	s28 =	simm.s32 $0xA00;
	s29 =	simm.s32 $0xB900  }
0x3e: {  	[tilespmem:s29], [sflag:$0x1] =	stream.indirect.gather [hbm4b:s4+s12], $0x10, s28, s12, $0xb8;
	[tilespmem:$0x1AA00] =	vst v63  }
0x3f: {  	s30 =	simm.s32 $0xA80;
	s31 =	simm.s32 $0xC100  }
0x40: {  	[tilespmem:s31], [sflag:$0x1] =	stream.indirect.gather [hbm4b:s4+s12], $0x10, s30, s12, $0xb8;
	[tilespmem:$0x1AA00] =	vst v63  }
0x41: {  	s6 =	simm.s32 $0xB00;
	s26 =	simm.s32 $0xC900  }
0x42: {  	[tilespmem:s26], [sflag:$0x1] =	stream.indirect.gather [hbm4b:s4+s12], $0x10, s6, s12, $0xb8;
	[tilespmem:$0x1AA00] =	vst v63  }
0x43: {  	s28 =	simm.s32 $0xB80;
	s29 =	simm.s32 $0xD100  }
0x44: {  	[tilespmem:s29], [sflag:$0x1] =	stream.indirect.gather [hbm4b:s4+s12], $0x10, s28, s12, $0xb8;
	[tilespmem:$0x1AA00] =	vst v63  }
0x45: {  	s30 =	simm.s32 $0xC00;
	s31 =	simm.s32 $0xD900;
	s26 =	simm.s32 $0x0  }
0x46: {  	[tilespmem:s31], [sflag:$0x1] =	stream.indirect.gather [hbm4b:s4+s12], $0x10, s30, s12, $0xb8;
	[tilespmem:$0x1AA00] =	vst v63  }
.LBB2_2:
0x47: {  	s29 =	sshll.u32 s26, $0x5  }
0x48: {  	s28 =	sor.u32 s10, s29  }
0x49: {  	s0 =	smul.u32 $0x19, s28;
	_ =	sdelay $0x1  }
0x4a: {  	s30 =	simm.s32 $0x0;
	s0 =	sadd.s32 s3, s0  }
0x4b: {  	[tilespmem:s17], [sflag:$0x3] =	stream.linear.gather [hbm4b:s0+s30], $0xC80, $0x38;
	[tilespmem:$0x1AA00] =	vst v63  }
0x4c: {  	_ =	swait.ge [sflag:s11], $0xC80  }
0x4d: {  	[sflag:s11] =	ssyncset.done $0x0  }
0x4e: {  	s1 =	simm.s32 $0xE100;
	[sflag:s11] =	ssyncadd.s32 $0xFFFFF380  }
0x4f: {  	[tilespmem:s1], [sflag:$0x2] =	stream.indirect.gather [hbm4b:s4+s12], $0x10, s17, s12, $0xb8;
	[tilespmem:$0x1AA00] =	vst v63  }
0x50: {  	s6 =	simm.s32 $0xD00;
	s1 =	simm.s32 $0xE900  }
0x51: {  	[tilespmem:s1], [sflag:$0x2] =	stream.indirect.gather [hbm4b:s4+s12], $0x10, s6, s12, $0xb8;
	[tilespmem:$0x1AA00] =	vst v63  }
0x52: {  	s1 =	simm.s32 $0xD80;
	s6 =	simm.s32 $0xF100  }
0x53: {  	[tilespmem:s6], [sflag:$0x2] =	stream.indirect.gather [hbm4b:s4+s12], $0x10, s1, s12, $0xb8;
	[tilespmem:$0x1AA00] =	vst v63  }
0x54: {  	s1 =	simm.s32 $0xE00;
	s6 =	simm.s32 $0xF900  }
0x55: {  	[tilespmem:s6], [sflag:$0x2] =	stream.indirect.gather [hbm4b:s4+s12], $0x10, s1, s12, $0xb8;
	[tilespmem:$0x1AA00] =	vst v63  }
0x56: {  	s1 =	simm.s32 $0xE80;
	s6 =	simm.s32 $0x10100  }
0x57: {  	[tilespmem:s6], [sflag:$0x2] =	stream.indirect.gather [hbm4b:s4+s12], $0x10, s1, s12, $0xb8;
	[tilespmem:$0x1AA00] =	vst v63  }
0x58: {  	s1 =	simm.s32 $0xF00;
	s6 =	simm.s32 $0x10900  }
0x59: {  	[tilespmem:s6], [sflag:$0x2] =	stream.indirect.gather [hbm4b:s4+s12], $0x10, s1, s12, $0xb8;
	[tilespmem:$0x1AA00] =	vst v63  }
0x5a: {  	s1 =	simm.s32 $0xF80;
	s6 =	simm.s32 $0x11100  }
0x5b: {  	[tilespmem:s6], [sflag:$0x2] =	stream.indirect.gather [hbm4b:s4+s12], $0x10, s1, s12, $0xb8;
	[tilespmem:$0x1AA00] =	vst v63  }
0x5c: {  	s1 =	simm.s32 $0x1000;
	s6 =	simm.s32 $0x11900  }
0x5d: {  	[tilespmem:s6], [sflag:$0x2] =	stream.indirect.gather [hbm4b:s4+s12], $0x10, s1, s12, $0xb8;
	[tilespmem:$0x1AA00] =	vst v63  }
0x5e: {  	s1 =	simm.s32 $0x1080;
	s6 =	simm.s32 $0x12100  }
0x5f: {  	[tilespmem:s6], [sflag:$0x2] =	stream.indirect.gather [hbm4b:s4+s12], $0x10, s1, s12, $0xb8;
	[tilespmem:$0x1AA00] =	vst v63  }
0x60: {  	s1 =	simm.s32 $0x1100;
	s6 =	simm.s32 $0x12900  }
0x61: {  	[tilespmem:s6], [sflag:$0x2] =	stream.indirect.gather [hbm4b:s4+s12], $0x10, s1, s12, $0xb8;
	[tilespmem:$0x1AA00] =	vst v63  }
0x62: {  	s1 =	simm.s32 $0x1180;
	s6 =	simm.s32 $0x13100  }
0x63: {  	[tilespmem:s6], [sflag:$0x2] =	stream.indirect.gather [hbm4b:s4+s12], $0x10, s1, s12, $0xb8;
	[tilespmem:$0x1AA00] =	vst v63  }
0x64: {  	s1 =	simm.s32 $0x1200;
	s6 =	simm.s32 $0x13900  }
0x65: {  	[tilespmem:s6], [sflag:$0x2] =	stream.indirect.gather [hbm4b:s4+s12], $0x10, s1, s12, $0xb8;
	[tilespmem:$0x1AA00] =	vst v63  }
0x66: {  	s1 =	simm.s32 $0x1280;
	s6 =	simm.s32 $0x14100  }
0x67: {  	[tilespmem:s6], [sflag:$0x2] =	stream.indirect.gather [hbm4b:s4+s12], $0x10, s1, s12, $0xb8;
	[tilespmem:$0x1AA00] =	vst v63  }
0x68: {  	s1 =	simm.s32 $0x1300;
	s6 =	simm.s32 $0x14900  }
0x69: {  	[tilespmem:s6], [sflag:$0x2] =	stream.indirect.gather [hbm4b:s4+s12], $0x10, s1, s12, $0xb8;
	[tilespmem:$0x1AA00] =	vst v63  }
0x6a: {  	s1 =	simm.s32 $0x1380;
	s6 =	simm.s32 $0x15100  }
0x6b: {  	[tilespmem:s6], [sflag:$0x2] =	stream.indirect.gather [hbm4b:s4+s12], $0x10, s1, s12, $0xb8;
	[tilespmem:$0x1AA00] =	vst v63  }
0x6c: {  	s1 =	simm.s32 $0x1400;
	s6 =	simm.s32 $0x15900  }
0x6d: {  	[tilespmem:s6], [sflag:$0x2] =	stream.indirect.gather [hbm4b:s4+s12], $0x10, s1, s12, $0xb8;
	[tilespmem:$0x1AA00] =	vst v63  }
0x6e: {  	s1 =	simm.s32 $0x1480;
	s6 =	simm.s32 $0x16100  }
0x6f: {  	[tilespmem:s6], [sflag:$0x2] =	stream.indirect.gather [hbm4b:s4+s12], $0x10, s1, s12, $0xb8;
	[tilespmem:$0x1AA00] =	vst v63  }
0x70: {  	s1 =	simm.s32 $0x1500;
	s6 =	simm.s32 $0x16900  }
0x71: {  	[tilespmem:s6], [sflag:$0x2] =	stream.indirect.gather [hbm4b:s4+s12], $0x10, s1, s12, $0xb8;
	[tilespmem:$0x1AA00] =	vst v63  }
0x72: {  	s1 =	simm.s32 $0x1580;
	s6 =	simm.s32 $0x17100  }
0x73: {  	[tilespmem:s6], [sflag:$0x2] =	stream.indirect.gather [hbm4b:s4+s12], $0x10, s1, s12, $0xb8;
	[tilespmem:$0x1AA00] =	vst v63  }
0x74: {  	s6 =	simm.s32 $0x1600  }
0x75: {  	[tilespmem:s9], [sflag:$0x2] =	stream.indirect.gather [hbm4b:s4+s12], $0x10, s6, s12, $0xb8;
	[tilespmem:$0x1AA00] =	vst v63  }
0x76: {  	_ = 	snop  }
0x77: {  	[tilespmem:s14], [sflag:$0x2] =	stream.indirect.gather [hbm4b:s4+s12], $0x10, s13, s12, $0xb8;
	[tilespmem:$0x1AA00] =	vst v63  }
0x78: {  	_ = 	snop  }
0x79: {  	[tilespmem:s16], [sflag:$0x2] =	stream.indirect.gather [hbm4b:s4+s12], $0x10, s15, s12, $0xb8;
	[tilespmem:$0x1AA00] =	vst v63  }
0x7a: {  	_ = 	snop  }
0x7b: {  	[tilespmem:s18], [sflag:$0x2] =	stream.indirect.gather [hbm4b:s4+s12], $0x10, s8, s12, $0xb8;
	[tilespmem:$0x1AA00] =	vst v63  }
0x7c: {  	_ = 	snop  }
0x7d: {  	[tilespmem:s20], [sflag:$0x2] =	stream.indirect.gather [hbm4b:s4+s12], $0x10, s19, s12, $0xb8;
	[tilespmem:$0x1AA00] =	vst v63  }
0x7e: {  	_ = 	snop  }
0x7f: {  	[tilespmem:s22], [sflag:$0x2] =	stream.indirect.gather [hbm4b:s4+s12], $0x10, s21, s12, $0xb8;
	[tilespmem:$0x1AA00] =	vst v63  }
0x80: {  	_ =	swait.ge [sflag:s23], $0x800  }
0x81: {  	[sflag:s23] =	ssyncset.done $0x0  }
0x82: {  	[sflag:s23] =	ssyncadd.s32 $0xFFFFF800  }
0x83: {  	_ =	swait.ge [sflag:s23], $0x800  }
0x84: {  	[sflag:s23] =	ssyncset.done $0x0  }
0x85: {  	[sflag:s23] =	ssyncadd.s32 $0xFFFFF800  }
0x86: {  	_ =	swait.ge [sflag:s23], $0x800  }
0x87: {  	[sflag:s23] =	ssyncset.done $0x0  }
0x88: {  	[sflag:s23] =	ssyncadd.s32 $0xFFFFF800  }
0x89: {  	_ =	swait.ge [sflag:s23], $0x800  }
0x8a: {  	[sflag:s23] =	ssyncset.done $0x0  }
0x8b: {  	[sflag:s23] =	ssyncadd.s32 $0xFFFFF800  }
0x8c: {  	_ =	swait.ge [sflag:s23], $0x800  }
0x8d: {  	[sflag:s23] =	ssyncset.done $0x0  }
0x8e: {  	[sflag:s23] =	ssyncadd.s32 $0xFFFFF800  }
0x8f: {  	_ =	swait.ge [sflag:s23], $0x800  }
0x90: {  	[sflag:s23] =	ssyncset.done $0x0  }
0x91: {  	[sflag:s23] =	ssyncadd.s32 $0xFFFFF800  }
0x92: {  	_ =	swait.ge [sflag:s23], $0x800  }
0x93: {  	[sflag:s23] =	ssyncset.done $0x0  }
0x94: {  	[sflag:s23] =	ssyncadd.s32 $0xFFFFF800  }
0x95: {  	_ =	swait.ge [sflag:s23], $0x800  }
0x96: {  	[sflag:s23] =	ssyncset.done $0x0  }
0x97: {  	[sflag:s23] =	ssyncadd.s32 $0xFFFFF800  }
0x98: {  	_ =	swait.ge [sflag:s23], $0x800  }
0x99: {  	[sflag:s23] =	ssyncset.done $0x0  }
0x9a: {  	[sflag:s23] =	ssyncadd.s32 $0xFFFFF800  }
0x9b: {  	_ =	swait.ge [sflag:s23], $0x800  }
0x9c: {  	[sflag:s23] =	ssyncset.done $0x0  }
0x9d: {  	[sflag:s23] =	ssyncadd.s32 $0xFFFFF800  }
0x9e: {  	_ =	swait.ge [sflag:s23], $0x800  }
0x9f: {  	[sflag:s23] =	ssyncset.done $0x0  }
0xa0: {  	[sflag:s23] =	ssyncadd.s32 $0xFFFFF800  }
0xa1: {  	_ =	swait.ge [sflag:s23], $0x800  }
0xa2: {  	[sflag:s23] =	ssyncset.done $0x0  }
0xa3: {  	[sflag:s23] =	ssyncadd.s32 $0xFFFFF800  }
0xa4: {  	_ =	swait.ge [sflag:s23], $0x800  }
0xa5: {  	[sflag:s23] =	ssyncset.done $0x0  }
0xa6: {  	[sflag:s23] =	ssyncadd.s32 $0xFFFFF800  }
0xa7: {  	_ =	swait.ge [sflag:s23], $0x800  }
0xa8: {  	[sflag:s23] =	ssyncset.done $0x0  }
0xa9: {  	[sflag:s23] =	ssyncadd.s32 $0xFFFFF800  }
0xaa: {  	_ =	swait.ge [sflag:s23], $0x800  }
0xab: {  	[sflag:s23] =	ssyncset.done $0x0  }
0xac: {  	[sflag:s23] =	ssyncadd.s32 $0xFFFFF800  }
0xad: {  	_ =	swait.ge [sflag:s23], $0x800  }
0xae: {  	[sflag:s23] =	ssyncset.done $0x0  }
0xaf: {  	[sflag:s23] =	ssyncadd.s32 $0xFFFFF800  }
0xb0: {  	_ =	swait.ge [sflag:s23], $0x800  }
0xb1: {  	[sflag:s23] =	ssyncset.done $0x0  }
0xb2: {  	[sflag:s23] =	ssyncadd.s32 $0xFFFFF800  }
0xb3: {  	_ =	swait.ge [sflag:s23], $0x800  }
0xb4: {  	[sflag:s23] =	ssyncset.done $0x0  }
0xb5: {  	[sflag:s23] =	ssyncadd.s32 $0xFFFFF800  }
0xb6: {  	_ =	swait.ge [sflag:s23], $0x800  }
0xb7: {  	[sflag:s23] =	ssyncset.done $0x0  }
0xb8: {  	[sflag:s23] =	ssyncadd.s32 $0xFFFFF800  }
0xb9: {  	_ =	swait.ge [sflag:s23], $0x800  }
0xba: {  	[sflag:s23] =	ssyncset.done $0x0  }
0xbb: {  	[sflag:s23] =	ssyncadd.s32 $0xFFFFF800  }
0xbc: {  	_ =	swait.ge [sflag:s23], $0x800  }
0xbd: {  	[sflag:s23] =	ssyncset.done $0x0  }
0xbe: {  	[sflag:s23] =	ssyncadd.s32 $0xFFFFF800  }
0xbf: {  	_ =	swait.ge [sflag:s23], $0x800  }
0xc0: {  	[sflag:s23] =	ssyncset.done $0x0  }
0xc1: {  	[sflag:s23] =	ssyncadd.s32 $0xFFFFF800  }
0xc2: {  	_ =	swait.ge [sflag:s23], $0x800  }
0xc3: {  	[sflag:s23] =	ssyncset.done $0x0  }
0xc4: {  	[sflag:s23] =	ssyncadd.s32 $0xFFFFF800  }
0xc5: {  	_ =	swait.ge [sflag:s23], $0x800  }
0xc6: {  	[sflag:s23] =	ssyncset.done $0x0  }
0xc7: {  	[sflag:s23] =	ssyncadd.s32 $0xFFFFF800  }
0xc8: {  	_ =	swait.ge [sflag:s23], $0x800  }
0xc9: {  	[sflag:s23] =	ssyncset.done $0x0  }
0xca: {  	s31 =	simm.s32 $0x1940;
	[sflag:s23] =	ssyncadd.s32 $0xFFFFF800  }
.LBB2_3:
0xcb: {  	v0 =	vmov s31;
	_ =	sdelay $0x3  }
0xcc: {  	s6 =	simm.s32 $0x0  }
0xcd: {  	v1 =	vld.idx.msk [tilespmem:v0+s6+$0x30 ss:$0x1], $0xffff  }
0xce: {  	v2 =	vld.idx.msk [tilespmem:v0+s6+$0xFFFFFFC0 ss:$0x1], $0xffff  }
0xcf: {  	v12 =	vld.idx.msk [tilespmem:v0+s6+$0xFFFFFFD0 ss:$0x1], $0xffff  }
0xd0: {  	v13 =	vld.idx.msk [tilespmem:v0+s6+$0xFFFFFFE0 ss:$0x1], $0xffff  }
0xd1: {  	v8 =	vld.idx.msk [tilespmem:v0+s6+$0xFFFFFFF0 ss:$0x1], $0xffff  }
0xd2: {  	v7 =	vimm.f32 $0.0e+00;
	v14 =	vimm.f32 $0.0e+00;
	v4 =	vld.idx.msk [tilespmem:v0+s6+$0x0 ss:$0x1], $0xffff  }
0xd3: {  	v9 =	vimm.f32 $0.0e+00;
	v10 =	vimm.f32 $0.0e+00;
	v6 =	vimm.f32 $0.0e+00;
	v3 =	vld.idx.msk [tilespmem:v0+s6+$0x10 ss:$0x1], $0xffff  }
0xd4: {  	s0 =	simm.s32 $0x80;
	s1 =	simm.s32 $0x400;
	v5 =	vld.idx.msk [tilespmem:v0+s6+$0x20 ss:$0x1], $0xffff;
	v1 =	vadd.f32 v1, v7;
	v11 =	vadd.f32 v2, v7;
	v2 =	vimm.f32 $0.0e+00  }
.LBB2_4:
0xd5: {  	p0 =	sne.s32 s1, $0x3000;
	v15 =	vld.idx.msk [tilespmem:v0+s0+$0x30 ss:$0x1], $0xffff;
	v7 =	vadd.f32 v12, v7  }
0xd6: {  	v14 =	vadd.f32 v13, v14;
	v16 =	vld.idx.msk [tilespmem:v0+s0+$0xFFFFFFC0 ss:$0x1], $0xffff  }
0xd7: {  	v9 =	vadd.f32 v8, v9;
	v12 =	vld.idx.msk [tilespmem:v0+s0+$0xFFFFFFD0 ss:$0x1], $0xffff  }
.Ltmp0:
0xd8: {  	v10 =	vadd.f32 v4, v10;
	v13 =	vld.idx.msk [tilespmem:v0+s0+$0xFFFFFFE0 ss:$0x1], $0xffff;
	(pc) =	sbr.rel @p0 .LBB2_4-.Ltmp0, $4  }
0xd9: {  	v6 =	vadd.f32 v3, v6;
	v8 =	vld.idx.msk [tilespmem:v0+s0+$0xFFFFFFF0 ss:$0x1], $0xffff  }
0xda: {  	v2 =	vadd.f32 v5, v2;
	v4 =	vld.idx.msk [tilespmem:v0+s0+$0x0 ss:$0x1], $0xffff  }
0xdb: {  	v1 =	vadd.f32 v15, v1;
	v3 =	vld.idx.msk [tilespmem:v0+s0+$0x10 ss:$0x1], $0xffff  }
0xdc: {  	v11 =	vadd.f32 v16, v11;
	v5 =	vld.idx.msk [tilespmem:v0+s0+$0x20 ss:$0x1], $0xffff;
	s0 =	sshra.s32 s1, $0x2;
	s1 =	sadd.s32 $0x200, s1  }
0xdd: {  	_ =	sdelay $0x3  }
0xde: {  	v15 =	vld.idx.msk [tilespmem:v0+s0+$0xFFFFFFC0 ss:$0x1], $0xffff  }
0xdf: {  	v16 =	vld.idx.msk [tilespmem:v0+s0+$0xFFFFFFD0 ss:$0x1], $0xffff;
	_ =	sdelay $0x1  }
0xe0: {  	v17 =	vld.idx.msk [tilespmem:v0+s0+$0xFFFFFFE0 ss:$0x1], $0xffff  }
0xe1: {  	v7 =	vadd.f32 v12, v7  }
0xe2: {  	v57 =	vadd.f32 v13, v14;
	v58 =	vld.idx.msk [tilespmem:v0+s0+$0xFFFFFFF0 ss:$0x1], $0xffff  }
0xe3: {  	v11 =	vadd.f32 v15, v11;
	v7 =	vadd.f32 v16, v7  }
0xe4: {  	v59 =	vld.idx.msk [tilespmem:v0+s0+$0x0 ss:$0x1], $0xffff;
	v8 =	vadd.f32 v8, v9  }
0xe5: {  	v12 =	vadd.f32 v17, v57;
	v7 =	vadd.f32 v7, v11  }
0xe6: {  	v60 =	vld.idx.msk [tilespmem:v0+s0+$0x10 ss:$0x1], $0xffff;
	v4 =	vadd.f32 v4, v10  }
0xe7: {  	v8 =	vadd.f32 v58, v8;
	v7 =	vadd.f32 v12, v7  }
0xe8: {  	v61 =	vld.idx.msk [tilespmem:v0+s0+$0x20 ss:$0x1], $0xffff;
	v3 =	vadd.f32 v3, v6  }
0xe9: {  	v4 =	vadd.f32 v59, v4;
	v7 =	vadd.f32 v8, v7  }
0xea: {  	v62 =	vld.idx.msk [tilespmem:v0+s0+$0x30 ss:$0x1], $0xffff;
	v2 =	vadd.f32 v5, v2  }
0xeb: {  	v3 =	vadd.f32 v60, v3;
	v4 =	vadd.f32 v4, v7;
	_ =	sdelay $0x1  }
0xec: {  	v2 =	vadd.f32 v61, v2;
	v3 =	vadd.f32 v3, v4;
	_ =	sdelay $0x1  }
0xed: {  	s6 =	sshll.u32 s30, $0x4;
	s30 =	sadd.s32 $0x1, s30;
	v0 =	vadd.f32 v62, v1;
	v63 =	vadd.f32 v2, v3  }
0xee: {  	p0 =	sne.s32 s30, $0x10  }
.Ltmp1:
0xef: {  	v0 =	vadd.f32 v0, v63;
	(pc) =	sbr.rel @p0 .LBB2_3-.Ltmp1, $4  }
0xf0: {  	_ = 	snop  }
0xf1: {  	v0 =	vmul.f32 $4.999999890e-03, v0  }
0xf2: {  	s0 =	sand.u32 $0x3FFFFFF0, s6  }
0xf3: {  	s31 =	sadd.s32 $0xC80, s31;
	[tilespmem:s0+$0x1A900] =	vst v0  }
0xf4: {  	s0 =	sshll.u32 s26, $0x6;
	p0 =	seq.s32 s26, $0xF  }
.Ltmp2:
0xf5: {  	s0 =	sadd.s32 s0, s7;
	(pc) =	sbr.rel @p0 .LBB2_8-.Ltmp2, $4  }
0xf6: {  	[hbm4b:s0+s2] =	stream.linear.scatter [tilespmem:s24], [sflag:$0x3], $0x100, $0x38;
	[tilespmem:$0x1AA00] =	vst v63  }
0xf7: {  	_ =	swait.ge [sflag:s11], $0x100  }
0xf8: {  	[sflag:s11] =	ssyncset.done $0x0  }
0xf9: {  	[sflag:s11] =	ssyncadd.s32 $0xFFFFFF00  }
0xfa: {  	s0 =	rddreg [dreg:$0x3]  }
0xfb: {  	s0 =	sadd.s32 s29, s0  }
0xfc: {  	s0 =	smul.u32 $0x19, s0;
	_ =	sdelay $0x1  }
0xfd: {  	s0 =	sadd.s32 s3, s0  }
0xfe: {  	[tilespmem:s2], [sflag:$0x3] =	stream.linear.gather [hbm4b:s0+s2], $0xC80, $0x38;
	[tilespmem:$0x1AA00] =	vst v63  }
0xff: {  	_ =	swait.ge [sflag:s11], $0xC80  }
0x100: {  	[sflag:s11] =	ssyncset.done $0x0  }
0x101: {  	s29 =	simm.s32 $0x1900;
	[sflag:s11] =	ssyncadd.s32 $0xFFFFF380  }
0x102: {  	[tilespmem:s29], [sflag:$0x1] =	stream.indirect.gather [hbm4b:s4+s12], $0x10, s2, s12, $0xb8;
	[tilespmem:$0x1AA00] =	vst v63  }
0x103: {  	s30 =	simm.s32 $0x2100  }
0x104: {  	[tilespmem:s30], [sflag:$0x1] =	stream.indirect.gather [hbm4b:s4+s12], $0x10, s12, s12, $0xb8;
	[tilespmem:$0x1AA00] =	vst v63  }
0x105: {  	s31 =	simm.s32 $0x100;
	s1 =	simm.s32 $0x2900  }
0x106: {  	[tilespmem:s1], [sflag:$0x1] =	stream.indirect.gather [hbm4b:s4+s12], $0x10, s31, s12, $0xb8;
	[tilespmem:$0x1AA00] =	vst v63  }
0x107: {  	s6 =	simm.s32 $0x180;
	s29 =	simm.s32 $0x3100  }
0x108: {  	[tilespmem:s29], [sflag:$0x1] =	stream.indirect.gather [hbm4b:s4+s12], $0x10, s6, s12, $0xb8;
	[tilespmem:$0x1AA00] =	vst v63  }
0x109: {  	s30 =	simm.s32 $0x200;
	s31 =	simm.s32 $0x3900  }
0x10a: {  	[tilespmem:s31], [sflag:$0x1] =	stream.indirect.gather [hbm4b:s4+s12], $0x10, s30, s12, $0xb8;
	[tilespmem:$0x1AA00] =	vst v63  }
0x10b: {  	s6 =	simm.s32 $0x280;
	s29 =	simm.s32 $0x4100  }
0x10c: {  	[tilespmem:s29], [sflag:$0x1] =	stream.indirect.gather [hbm4b:s4+s12], $0x10, s6, s12, $0xb8;
	[tilespmem:$0x1AA00] =	vst v63  }
0x10d: {  	s30 =	simm.s32 $0x300;
	s31 =	simm.s32 $0x4900  }
0x10e: {  	[tilespmem:s31], [sflag:$0x1] =	stream.indirect.gather [hbm4b:s4+s12], $0x10, s30, s12, $0xb8;
	[tilespmem:$0x1AA00] =	vst v63  }
0x10f: {  	s6 =	simm.s32 $0x380;
	s29 =	simm.s32 $0x5100  }
0x110: {  	[tilespmem:s29], [sflag:$0x1] =	stream.indirect.gather [hbm4b:s4+s12], $0x10, s6, s12, $0xb8;
	[tilespmem:$0x1AA00] =	vst v63  }
0x111: {  	s30 =	simm.s32 $0x400;
	s31 =	simm.s32 $0x5900  }
0x112: {  	[tilespmem:s31], [sflag:$0x1] =	stream.indirect.gather [hbm4b:s4+s12], $0x10, s30, s12, $0xb8;
	[tilespmem:$0x1AA00] =	vst v63  }
0x113: {  	s6 =	simm.s32 $0x480;
	s29 =	simm.s32 $0x6100  }
0x114: {  	[tilespmem:s29], [sflag:$0x1] =	stream.indirect.gather [hbm4b:s4+s12], $0x10, s6, s12, $0xb8;
	[tilespmem:$0x1AA00] =	vst v63  }
0x115: {  	s30 =	simm.s32 $0x500;
	s31 =	simm.s32 $0x6900  }
0x116: {  	[tilespmem:s31], [sflag:$0x1] =	stream.indirect.gather [hbm4b:s4+s12], $0x10, s30, s12, $0xb8;
	[tilespmem:$0x1AA00] =	vst v63  }
0x117: {  	s6 =	simm.s32 $0x580;
	s29 =	simm.s32 $0x7100  }
0x118: {  	[tilespmem:s29], [sflag:$0x1] =	stream.indirect.gather [hbm4b:s4+s12], $0x10, s6, s12, $0xb8;
	[tilespmem:$0x1AA00] =	vst v63  }
0x119: {  	s30 =	simm.s32 $0x600;
	s31 =	simm.s32 $0x7900  }
0x11a: {  	[tilespmem:s31], [sflag:$0x1] =	stream.indirect.gather [hbm4b:s4+s12], $0x10, s30, s12, $0xb8;
	[tilespmem:$0x1AA00] =	vst v63  }
0x11b: {  	s6 =	simm.s32 $0x680;
	s29 =	simm.s32 $0x8100  }
0x11c: {  	[tilespmem:s29], [sflag:$0x1] =	stream.indirect.gather [hbm4b:s4+s12], $0x10, s6, s12, $0xb8;
	[tilespmem:$0x1AA00] =	vst v63  }
0x11d: {  	s30 =	simm.s32 $0x700;
	s31 =	simm.s32 $0x8900  }
0x11e: {  	[tilespmem:s31], [sflag:$0x1] =	stream.indirect.gather [hbm4b:s4+s12], $0x10, s30, s12, $0xb8;
	[tilespmem:$0x1AA00] =	vst v63  }
0x11f: {  	s6 =	simm.s32 $0x780;
	s29 =	simm.s32 $0x9100  }
0x120: {  	[tilespmem:s29], [sflag:$0x1] =	stream.indirect.gather [hbm4b:s4+s12], $0x10, s6, s12, $0xb8;
	[tilespmem:$0x1AA00] =	vst v63  }
0x121: {  	s30 =	simm.s32 $0x800;
	s31 =	simm.s32 $0x9900  }
0x122: {  	[tilespmem:s31], [sflag:$0x1] =	stream.indirect.gather [hbm4b:s4+s12], $0x10, s30, s12, $0xb8;
	[tilespmem:$0x1AA00] =	vst v63  }
0x123: {  	s6 =	simm.s32 $0x880;
	s29 =	simm.s32 $0xA100  }
0x124: {  	[tilespmem:s29], [sflag:$0x1] =	stream.indirect.gather [hbm4b:s4+s12], $0x10, s6, s12, $0xb8;
	[tilespmem:$0x1AA00] =	vst v63  }
0x125: {  	s30 =	simm.s32 $0x900;
	s31 =	simm.s32 $0xA900  }
0x126: {  	[tilespmem:s31], [sflag:$0x1] =	stream.indirect.gather [hbm4b:s4+s12], $0x10, s30, s12, $0xb8;
	[tilespmem:$0x1AA00] =	vst v63  }
0x127: {  	s6 =	simm.s32 $0x980;
	s29 =	simm.s32 $0xB100  }
0x128: {  	[tilespmem:s29], [sflag:$0x1] =	stream.indirect.gather [hbm4b:s4+s12], $0x10, s6, s12, $0xb8;
	[tilespmem:$0x1AA00] =	vst v63  }
0x129: {  	s30 =	simm.s32 $0xA00;
	s31 =	simm.s32 $0xB900  }
0x12a: {  	[tilespmem:s31], [sflag:$0x1] =	stream.indirect.gather [hbm4b:s4+s12], $0x10, s30, s12, $0xb8;
	[tilespmem:$0x1AA00] =	vst v63  }
0x12b: {  	s6 =	simm.s32 $0xA80;
	s29 =	simm.s32 $0xC100  }
0x12c: {  	[tilespmem:s29], [sflag:$0x1] =	stream.indirect.gather [hbm4b:s4+s12], $0x10, s6, s12, $0xb8;
	[tilespmem:$0x1AA00] =	vst v63  }
0x12d: {  	s30 =	simm.s32 $0xB00;
	s31 =	simm.s32 $0xC900  }
0x12e: {  	[tilespmem:s31], [sflag:$0x1] =	stream.indirect.gather [hbm4b:s4+s12], $0x10, s30, s12, $0xb8;
	[tilespmem:$0x1AA00] =	vst v63  }
0x12f: {  	s6 =	simm.s32 $0xB80;
	s29 =	simm.s32 $0xD100  }
0x130: {  	[tilespmem:s29], [sflag:$0x1] =	stream.indirect.gather [hbm4b:s4+s12], $0x10, s6, s12, $0xb8;
	[tilespmem:$0x1AA00] =	vst v63  }
0x131: {  	s30 =	simm.s32 $0xC00;
	s31 =	simm.s32 $0xD900  }
0x132: {  	[tilespmem:s31], [sflag:$0x1] =	stream.indirect.gather [hbm4b:s4+s12], $0x10, s30, s12, $0xb8;
	[tilespmem:$0x1AA00] =	vst v63  }
.LBB2_8:
0x133: {  	_ =	swait.ge [sflag:s25], $0x800  }
0x134: {  	[sflag:s25] =	ssyncset.done $0x0  }
0x135: {  	[sflag:s25] =	ssyncadd.s32 $0xFFFFF800  }
0x136: {  	_ =	swait.ge [sflag:s25], $0x800  }
0x137: {  	[sflag:s25] =	ssyncset.done $0x0  }
0x138: {  	[sflag:s25] =	ssyncadd.s32 $0xFFFFF800  }
0x139: {  	_ =	swait.ge [sflag:s25], $0x800  }
0x13a: {  	[sflag:s25] =	ssyncset.done $0x0  }
0x13b: {  	[sflag:s25] =	ssyncadd.s32 $0xFFFFF800  }
0x13c: {  	_ =	swait.ge [sflag:s25], $0x800  }
0x13d: {  	[sflag:s25] =	ssyncset.done $0x0  }
0x13e: {  	[sflag:s25] =	ssyncadd.s32 $0xFFFFF800  }
0x13f: {  	_ =	swait.ge [sflag:s25], $0x800  }
0x140: {  	[sflag:s25] =	ssyncset.done $0x0  }
0x141: {  	[sflag:s25] =	ssyncadd.s32 $0xFFFFF800  }
0x142: {  	_ =	swait.ge [sflag:s25], $0x800  }
0x143: {  	[sflag:s25] =	ssyncset.done $0x0  }
0x144: {  	[sflag:s25] =	ssyncadd.s32 $0xFFFFF800  }
0x145: {  	_ =	swait.ge [sflag:s25], $0x800  }
0x146: {  	[sflag:s25] =	ssyncset.done $0x0  }
0x147: {  	[sflag:s25] =	ssyncadd.s32 $0xFFFFF800  }
0x148: {  	_ =	swait.ge [sflag:s25], $0x800  }
0x149: {  	[sflag:s25] =	ssyncset.done $0x0  }
0x14a: {  	[sflag:s25] =	ssyncadd.s32 $0xFFFFF800  }
0x14b: {  	_ =	swait.ge [sflag:s25], $0x800  }
0x14c: {  	[sflag:s25] =	ssyncset.done $0x0  }
0x14d: {  	[sflag:s25] =	ssyncadd.s32 $0xFFFFF800  }
0x14e: {  	_ =	swait.ge [sflag:s25], $0x800  }
0x14f: {  	[sflag:s25] =	ssyncset.done $0x0  }
0x150: {  	[sflag:s25] =	ssyncadd.s32 $0xFFFFF800  }
0x151: {  	_ =	swait.ge [sflag:s25], $0x800  }
0x152: {  	[sflag:s25] =	ssyncset.done $0x0  }
0x153: {  	[sflag:s25] =	ssyncadd.s32 $0xFFFFF800  }
0x154: {  	_ =	swait.ge [sflag:s25], $0x800  }
0x155: {  	[sflag:s25] =	ssyncset.done $0x0  }
0x156: {  	[sflag:s25] =	ssyncadd.s32 $0xFFFFF800  }
0x157: {  	_ =	swait.ge [sflag:s25], $0x800  }
0x158: {  	[sflag:s25] =	ssyncset.done $0x0  }
0x159: {  	[sflag:s25] =	ssyncadd.s32 $0xFFFFF800  }
0x15a: {  	_ =	swait.ge [sflag:s25], $0x800  }
0x15b: {  	[sflag:s25] =	ssyncset.done $0x0  }
0x15c: {  	[sflag:s25] =	ssyncadd.s32 $0xFFFFF800  }
0x15d: {  	_ =	swait.ge [sflag:s25], $0x800  }
0x15e: {  	[sflag:s25] =	ssyncset.done $0x0  }
0x15f: {  	[sflag:s25] =	ssyncadd.s32 $0xFFFFF800  }
0x160: {  	_ =	swait.ge [sflag:s25], $0x800  }
0x161: {  	[sflag:s25] =	ssyncset.done $0x0  }
0x162: {  	[sflag:s25] =	ssyncadd.s32 $0xFFFFF800  }
0x163: {  	_ =	swait.ge [sflag:s25], $0x800  }
0x164: {  	[sflag:s25] =	ssyncset.done $0x0  }
0x165: {  	[sflag:s25] =	ssyncadd.s32 $0xFFFFF800  }
0x166: {  	_ =	swait.ge [sflag:s25], $0x800  }
0x167: {  	[sflag:s25] =	ssyncset.done $0x0  }
0x168: {  	[sflag:s25] =	ssyncadd.s32 $0xFFFFF800  }
0x169: {  	_ =	swait.ge [sflag:s25], $0x800  }
0x16a: {  	[sflag:s25] =	ssyncset.done $0x0  }
0x16b: {  	[sflag:s25] =	ssyncadd.s32 $0xFFFFF800  }
0x16c: {  	_ =	swait.ge [sflag:s25], $0x800  }
0x16d: {  	[sflag:s25] =	ssyncset.done $0x0  }
0x16e: {  	[sflag:s25] =	ssyncadd.s32 $0xFFFFF800  }
0x16f: {  	_ =	swait.ge [sflag:s25], $0x800  }
0x170: {  	[sflag:s25] =	ssyncset.done $0x0  }
0x171: {  	[sflag:s25] =	ssyncadd.s32 $0xFFFFF800  }
0x172: {  	_ =	swait.ge [sflag:s25], $0x800  }
0x173: {  	[sflag:s25] =	ssyncset.done $0x0  }
0x174: {  	[sflag:s25] =	ssyncadd.s32 $0xFFFFF800  }
0x175: {  	_ =	swait.ge [sflag:s25], $0x800  }
0x176: {  	[sflag:s25] =	ssyncset.done $0x0  }
0x177: {  	[sflag:s25] =	ssyncadd.s32 $0xFFFFF800  }
0x178: {  	_ =	swait.ge [sflag:s25], $0x800  }
0x179: {  	[sflag:s25] =	ssyncset.done $0x0  }
0x17a: {  	[sflag:s25] =	ssyncadd.s32 $0xFFFFF800  }
0x17b: {  	_ =	swait.ge [sflag:s25], $0x800  }
0x17c: {  	[sflag:s25] =	ssyncset.done $0x0  }
0x17d: {  	s29 =	simm.s32 $0x0;
	s30 =	simm.s32 $0xE140;
	[sflag:s25] =	ssyncadd.s32 $0xFFFFF800  }
.LBB2_9:
0x17e: {  	v0 =	vmov s30;
	_ =	sdelay $0x3  }
0x17f: {  	s6 =	simm.s32 $0x0  }
0x180: {  	v1 =	vld.idx.msk [tilespmem:v0+s6+$0x30 ss:$0x1], $0xffff  }
0x181: {  	v2 =	vld.idx.msk [tilespmem:v0+s6+$0xFFFFFFC0 ss:$0x1], $0xffff  }
0x182: {  	v12 =	vld.idx.msk [tilespmem:v0+s6+$0xFFFFFFD0 ss:$0x1], $0xffff  }
0x183: {  	v13 =	vld.idx.msk [tilespmem:v0+s6+$0xFFFFFFE0 ss:$0x1], $0xffff  }
0x184: {  	v8 =	vld.idx.msk [tilespmem:v0+s6+$0xFFFFFFF0 ss:$0x1], $0xffff  }
0x185: {  	v7 =	vimm.f32 $0.0e+00;
	v14 =	vimm.f32 $0.0e+00;
	v4 =	vld.idx.msk [tilespmem:v0+s6+$0x0 ss:$0x1], $0xffff  }
0x186: {  	v9 =	vimm.f32 $0.0e+00;
	v10 =	vimm.f32 $0.0e+00;
	v6 =	vimm.f32 $0.0e+00;
	v3 =	vld.idx.msk [tilespmem:v0+s6+$0x10 ss:$0x1], $0xffff  }
0x187: {  	s0 =	simm.s32 $0x80;
	s1 =	simm.s32 $0x400;
	v5 =	vld.idx.msk [tilespmem:v0+s6+$0x20 ss:$0x1], $0xffff;
	v1 =	vadd.f32 v1, v7;
	v11 =	vadd.f32 v2, v7;
	v2 =	vimm.f32 $0.0e+00  }
.LBB2_10:
0x188: {  	p0 =	sne.s32 s1, $0x3000;
	v15 =	vld.idx.msk [tilespmem:v0+s0+$0x30 ss:$0x1], $0xffff;
	v7 =	vadd.f32 v12, v7  }
0x189: {  	v14 =	vadd.f32 v13, v14;
	v16 =	vld.idx.msk [tilespmem:v0+s0+$0xFFFFFFC0 ss:$0x1], $0xffff  }
0x18a: {  	v9 =	vadd.f32 v8, v9;
	v12 =	vld.idx.msk [tilespmem:v0+s0+$0xFFFFFFD0 ss:$0x1], $0xffff  }
.Ltmp3:
0x18b: {  	v10 =	vadd.f32 v4, v10;
	v13 =	vld.idx.msk [tilespmem:v0+s0+$0xFFFFFFE0 ss:$0x1], $0xffff;
	(pc) =	sbr.rel @p0 .LBB2_10-.Ltmp3, $4  }
0x18c: {  	v6 =	vadd.f32 v3, v6;
	v8 =	vld.idx.msk [tilespmem:v0+s0+$0xFFFFFFF0 ss:$0x1], $0xffff  }
0x18d: {  	v2 =	vadd.f32 v5, v2;
	v4 =	vld.idx.msk [tilespmem:v0+s0+$0x0 ss:$0x1], $0xffff  }
0x18e: {  	v1 =	vadd.f32 v15, v1;
	v3 =	vld.idx.msk [tilespmem:v0+s0+$0x10 ss:$0x1], $0xffff  }
0x18f: {  	v11 =	vadd.f32 v16, v11;
	v5 =	vld.idx.msk [tilespmem:v0+s0+$0x20 ss:$0x1], $0xffff;
	s0 =	sshra.s32 s1, $0x2;
	s1 =	sadd.s32 $0x200, s1  }
0x190: {  	_ =	sdelay $0x3  }
0x191: {  	v15 =	vld.idx.msk [tilespmem:v0+s0+$0xFFFFFFC0 ss:$0x1], $0xffff  }
0x192: {  	v16 =	vld.idx.msk [tilespmem:v0+s0+$0xFFFFFFD0 ss:$0x1], $0xffff;
	_ =	sdelay $0x1  }
0x193: {  	v17 =	vld.idx.msk [tilespmem:v0+s0+$0xFFFFFFE0 ss:$0x1], $0xffff  }
0x194: {  	v7 =	vadd.f32 v12, v7  }
0x195: {  	v57 =	vadd.f32 v13, v14;
	v58 =	vld.idx.msk [tilespmem:v0+s0+$0xFFFFFFF0 ss:$0x1], $0xffff  }
0x196: {  	v11 =	vadd.f32 v15, v11;
	v7 =	vadd.f32 v16, v7  }
0x197: {  	v59 =	vld.idx.msk [tilespmem:v0+s0+$0x0 ss:$0x1], $0xffff;
	v8 =	vadd.f32 v8, v9  }
0x198: {  	v12 =	vadd.f32 v17, v57;
	v7 =	vadd.f32 v7, v11  }
0x199: {  	v60 =	vld.idx.msk [tilespmem:v0+s0+$0x10 ss:$0x1], $0xffff;
	v4 =	vadd.f32 v4, v10  }
0x19a: {  	v8 =	vadd.f32 v58, v8;
	v7 =	vadd.f32 v12, v7  }
0x19b: {  	v61 =	vld.idx.msk [tilespmem:v0+s0+$0x20 ss:$0x1], $0xffff;
	v3 =	vadd.f32 v3, v6  }
0x19c: {  	v4 =	vadd.f32 v59, v4;
	v7 =	vadd.f32 v8, v7  }
0x19d: {  	v62 =	vld.idx.msk [tilespmem:v0+s0+$0x30 ss:$0x1], $0xffff;
	v2 =	vadd.f32 v5, v2  }
0x19e: {  	v3 =	vadd.f32 v60, v3;
	v4 =	vadd.f32 v4, v7;
	_ =	sdelay $0x1  }
0x19f: {  	v2 =	vadd.f32 v61, v2;
	v3 =	vadd.f32 v3, v4;
	_ =	sdelay $0x1  }
0x1a0: {  	s31 =	sshll.u32 s29, $0x4;
	s29 =	sadd.s32 $0x1, s29;
	v0 =	vadd.f32 v62, v1;
	v63 =	vadd.f32 v2, v3  }
0x1a1: {  	p0 =	sne.s32 s29, $0x10  }
.Ltmp4:
0x1a2: {  	v0 =	vadd.f32 v0, v63;
	(pc) =	sbr.rel @p0 .LBB2_9-.Ltmp4, $4  }
0x1a3: {  	_ = 	snop  }
0x1a4: {  	v0 =	vmul.f32 $4.999999890e-03, v0  }
0x1a5: {  	s0 =	sand.u32 $0x3FFFFFF0, s31  }
0x1a6: {  	s30 =	sadd.s32 $0xC80, s30;
	[tilespmem:s0+$0x1A900] =	vst v0  }
0x1a7: {  	s0 =	sshll.u32 s28, $0x1;
	s26 =	sadd.s32 $0x1, s26  }
0x1a8: {  	s0 =	sand.u32 $0x1FFFFFE0, s0;
	p0 =	sne.s32 s26, $0x10  }
.Ltmp5:
0x1a9: {  	s0 =	sadd.s32 s5, s0;
	(pc) =	sbr.rel @p0 .LBB2_2-.Ltmp5, $4  }
0x1aa: {  	[hbm4b:s0+s2] =	stream.linear.scatter [tilespmem:s24], [sflag:$0x3], $0x100, $0x38;
	[tilespmem:$0x1AA00] =	vst v63  }
0x1ab: {  	_ =	swait.ge [sflag:s11], $0x100  }
0x1ac: {  	[sflag:s11] =	ssyncset.done $0x0  }
0x1ad: {  	[sflag:s11] =	ssyncadd.s32 $0xFFFFFF00  }
0x1ae: {  	s1 =	rddreg [dreg:$0x5]  }
0x1af: {  	s0 =	rddreg [dreg:$0x4];
	s1 =	sadd.s32 $0x1, s1  }
0x1b0: {  	p0 =	sne.s32 s1, s0  }
.Ltmp6:
0x1b1: {  	_ = 	snop;
	(pc) =	sbr.rel @p0 .LBB2_1-.Ltmp6, $1  }
0x1b2: {  	_ =	sdelay $0x3  }
0x1b3: {  	_ =	sfence.sel $0x180000  }
0x1b4: {  	[bflag:$0x0] =	sbarrier.arrive $0xFFFF  }
0x1b5: {  	_ =	strace $0x90000047  }
0x1b6: {  	s0 =	stileid.u32;
	[bflag:$0x2] =	sbarrier.arrive $0xFFFF  }
0x1b7: {  	p0 =	sne.s32 s0, $0x0;
	s0 =	rddreg [dreg:$0x1]  }
0x1b8: {  	s0 =	sadd.s32 @!p0 $0x100000, s0  }
0x1b9: {  	[sflag:s0] =	ssyncadd.tile.s32 @!p0 $0x1;
	_ =	shalt  }
.Lfunc_end2:
_tile_overlayer_lowered:
.L_overlay_start_2:
0x1ba: {  	(tag) =	ssettag $0x2  }
0x1bb: {  	s0 =	rddreg [dreg:$0x0];
	s2 =	stileid.u32  }
0x1bc: {  	s1 =	rddreg [dreg:$0x1];
	p0 =	sne.s32 s2, $0x0  }
0x1bd: {  	s3 =	rddreg [dreg:$0x2];
	[bflag:$0x3] =	sbarrier.arrive $0xFFFF;
	s2 =	simm.s32 @!p0 $0x1C03  }
0x1be: {  	[timem:s3], [sflag:s2] =	dma.local @!p0 [hbm:s0], s1  }
0x1bf: {  	s0 =	simm.s32 @!p0 $0x3  }
0x1c0: {  	_ =	swait.ge @!p0 [sflag:s0], s1  }
0x1c1: {  	s1 =	ssub.s32 @!p0 $0x0, s1;
	[sflag:s0] =	ssyncset.done @!p0 $0x0  }
0x1c2: {  	[sflag:s0] =	ssyncadd.s32 @!p0 s1  }
0x1c3: {  	[bflag:$0x3] =	sbarrier.arrive $0xFFFF  }
0x1c4: {  	_ =	shalt  }

</sc_bundles>
